<compile_context>
chip_gen: v7x
topology: tpu7x:2x2x1
jax: 0.10.2.dev20260603
libtpu: 0.0.44.dev20260713+nightly
codegen_flags: <defaults>
</compile_context>

<pallas_src>
import functools

import jax
import jax.numpy as jnp
from jax import lax
from jax.experimental import pallas as pl
from jax.experimental.pallas import tpu as pltpu
from jax.experimental.pallas import tpu_sc as plsc

_NP = 10000
_NCH = 320000
_ED = 128
_HD = 128

_NC = 2
_NS = 16
_L = 16
_NW = _NC * _NS
_CPW = _NCH // _NW
_WG = 128
_WS = 128
_CHZ = 80

_mesh = plsc.VectorSubcoreMesh(core_axis_name="c", subcore_axis_name="s")


_NKG = _NCH // _WG


def _sc_gather(fx, seg2d):

    @functools.partial(
        pl.kernel,
        out_type=jax.ShapeDtypeStruct((_NCH, _HD), jnp.float32),
        mesh=_mesh,
        cost_estimate=pl.CostEstimate(
            flops=0, bytes_accessed=2 * _NCH * _HD * 4 + _NP * _HD * 4,
            transcendentals=0,
        ),
        scratch_types=[
            pltpu.VMEM((_CHZ, _HD), jnp.float32),
            pltpu.VMEM_SHARED((_NP, _HD), jnp.float32),
            pltpu.VMEM((2, _WG), jnp.int32),
            pltpu.VMEM((2, _WG, _HD), jnp.float32),
            pltpu.SemaphoreType.DMA((2,)),
            pltpu.SemaphoreType.DMA((2,)),
        ],
    )
    def k(fx_hbm, seg_hbm, out_hbm, bounce_v, fx_sh, idx_v, rows_v, isem, osem):
        cid = lax.axis_index("c")
        sid = lax.axis_index("s")
        wid = cid * _NS + sid

        @pl.loop(sid * _CHZ, _NP, step=_CHZ * _NS)
        def _(r0):
            pltpu.sync_copy(fx_hbm.at[pl.ds(r0, _CHZ)], bounce_v)
            pltpu.sync_copy(bounce_v, fx_sh.at[pl.ds(r0, _CHZ)])

        plsc.subcore_barrier()

        nk = (_NKG - wid + _NW - 1) // _NW
        pltpu.async_copy(
            seg_hbm.at[0, pl.ds(wid * _WG, _WG)], idx_v.at[0], isem.at[0]
        )

        @pl.loop(0, nk)
        def _(kk):
            p = lax.rem(kk, 2)
            off = (wid + kk * _NW) * _WG
            pltpu.make_async_copy(
                seg_hbm.at[0, pl.ds(off, _WG)], idx_v.at[p], isem.at[p]
            ).wait()

            @pl.when(kk + 1 < nk)
            def _():
                noff = (wid + (kk + 1) * _NW) * _WG
                pltpu.async_copy(
                    seg_hbm.at[0, pl.ds(noff, _WG)], idx_v.at[1 - p], isem.at[1 - p]
                )

            @pl.when(kk >= 2)
            def _():
                pltpu.make_async_copy(
                    rows_v.at[p], out_hbm.at[pl.ds(0, _WG)], osem.at[p]
                ).wait()

            pltpu.sync_copy(fx_sh.at[idx_v.at[p]], rows_v.at[p])
            pltpu.async_copy(rows_v.at[p], out_hbm.at[pl.ds(off, _WG)], osem.at[p])

        @pl.when(nk >= 2)
        def _():
            pltpu.make_async_copy(
                rows_v.at[0], out_hbm.at[pl.ds(0, _WG)], osem.at[lax.rem(nk, 2)]
            ).wait()

        @pl.when(nk >= 1)
        def _():
            pltpu.make_async_copy(
                rows_v.at[0], out_hbm.at[pl.ds(0, _WG)], osem.at[lax.rem(nk + 1, 2)]
            ).wait()

    return k(fx, seg2d)


def _sc_segsum(vals, seg2d):

    @functools.partial(
        pl.kernel,
        out_type=jax.ShapeDtypeStruct((_NC, _NP, _HD), jnp.float32),
        mesh=_mesh,
        cost_estimate=pl.CostEstimate(
            flops=_NCH * _HD, bytes_accessed=_NCH * _HD * 4 + _NCH * 4,
            transcendentals=0,
        ),
        scratch_types=[
            pltpu.VMEM((_CHZ, _HD), jnp.float32),
            pltpu.VMEM_SHARED((_NP, _HD), jnp.float32),
        ],
    )
    def k(vals_hbm, seg_hbm, out_hbm, rows_v, acc_sh):
        cid = lax.axis_index("c")
        sid = lax.axis_index("s")

        @pl.loop(0, _CHZ)
        def _(r):
            @pl.loop(0, _HD, step=_L)
            def _(col):
                rows_v[r, pl.ds(col, _L)] = jnp.zeros((_L,), jnp.float32)

        @pl.loop(sid * _CHZ, _NP, step=_CHZ * _NS)
        def _(r0):
            pltpu.sync_copy(rows_v, acc_sh.at[pl.ds(r0, _CHZ)])

        plsc.subcore_barrier()

        def body(i_vmem, v_vmem):
            pltpu.sync_copy(v_vmem, acc_sh.at[i_vmem.at[0]], add=True)

        pltpu.emit_pipeline(
            body,
            grid=(_NCH // _WS,),
            in_specs=[
                pl.BlockSpec((1, _WS), lambda i: (0, i)),
                pl.BlockSpec((_WS, _HD), lambda i: (i, 0)),
            ],
            out_specs=[],
            core_axis_name=("c", "s"),
            dimension_semantics=(pltpu.PARALLEL,),
        )(seg_hbm, vals_hbm)

        plsc.subcore_barrier()

        @pl.loop(sid * _CHZ, _NP, step=_CHZ * _NS)
        def _(r0):
            pltpu.sync_copy(acc_sh.at[pl.ds(r0, _CHZ)], out_hbm.at[cid, pl.ds(r0, _CHZ)])

    return k(vals, seg2d)


def _tc_fx(inputs, W_f, b_f):
    def body(x_ref, w_ref, b_ref, o_ref):
        o_ref[...] = (
            jnp.dot(x_ref[...], w_ref[...], preferred_element_type=jnp.float32)
            + b_ref[...]
        )

    return pl.pallas_call(
        body,
        out_shape=jax.ShapeDtypeStruct((_NP, _HD), jnp.float32),
    )(inputs, W_f, b_f)


_MID_R = 8000


def _tc_mid(prev_h, F, prev_c, U_f):
    def body(h_ref, f_ref, c_ref, u_ref, o_ref):
        fh = jnp.dot(h_ref[...], u_ref[...], preferred_element_type=jnp.float32)
        o_ref[...] = jax.nn.sigmoid(fh + f_ref[...]) * c_ref[...]

    blk = pl.BlockSpec((_MID_R, _HD), lambda i: (i, 0))
    return pl.pallas_call(
        body,
        grid=(_NCH // _MID_R,),
        in_specs=[blk, blk, blk, pl.BlockSpec((_HD, _HD), lambda i: (0, 0))],
        out_specs=blk,
        out_shape=jax.ShapeDtypeStruct((_NCH, _HD), jnp.float32),
    )(prev_h, F, prev_c, U_f)


_FIN_R = 2000


def _tc_final(inputs, hpart, fpart, W_combined, b_combined):
    def body(x_ref, hp_ref, fp_ref, wc_ref, b_ref, oc_ref, oh_ref):
        ht = hp_ref[0] + hp_ref[1]
        fc_term = fp_ref[0] + fp_ref[1]
        z = (
            jnp.dot(x_ref[...], wc_ref[: _ED], preferred_element_type=jnp.float32)
            + jnp.dot(ht, wc_ref[_ED:], preferred_element_type=jnp.float32)
            + b_ref[...]
        )
        z_i = z[:, :_HD]
        z_o = z[:, _HD : 2 * _HD]
        z_u = z[:, 2 * _HD :]
        c = jax.nn.sigmoid(z_i) * jnp.tanh(z_u) + fc_term
        oc_ref[...] = c
        oh_ref[...] = jax.nn.sigmoid(z_o) * jnp.tanh(c)

    blk = pl.BlockSpec((_FIN_R, _HD), lambda i: (i, 0))
    pblk = pl.BlockSpec((_NC, _FIN_R, _HD), lambda i: (0, i, 0))
    return pl.pallas_call(
        body,
        grid=(_NP // _FIN_R,),
        in_specs=[
            blk,
            pblk,
            pblk,
            pl.BlockSpec((_ED + _HD, 3 * _HD), lambda i: (0, 0)),
            pl.BlockSpec((1, 3 * _HD), lambda i: (0, 0)),
        ],
        out_specs=[blk, blk],
        out_shape=[
            jax.ShapeDtypeStruct((_NP, _HD), jnp.float32),
            jax.ShapeDtypeStruct((_NP, _HD), jnp.float32),
        ],
    )(inputs, hpart, fpart, W_combined, b_combined)


def kernel(inputs, prev_c, prev_h, segment_ids, W_combined, b_combined, W_f, U_f, b_f):
    seg2d = segment_ids.astype(jnp.int32).reshape(1, _NCH)
    fx = _tc_fx(inputs, W_f, b_f)
    F = _sc_gather(fx, seg2d)
    hpart = _sc_segsum(prev_h, seg2d)
    fc_mul = _tc_mid(prev_h, F, prev_c, U_f)
    fpart = _sc_segsum(fc_mul, seg2d)
    c, h = _tc_final(inputs, hpart, fpart, W_combined, b_combined)
    return (c, h)

# --- scband reference (transcript-rebuilt; emitter-appended) ---
"""Pipeline reference for scband-child-sum-tree-lstmencoder-87686052315705 (READ-ONLY COPY).

The authoritative reference and input builder live on the scoring server;
editing this copy changes nothing except your own understanding.
"""

import jax, jax.numpy as jnp
import numpy as np

N_PARENTS = 10000
N_CHILDREN = 320000
EDIM = 128
HDIM = 128


def _xavier(key, shape):
    lim = np.sqrt(6.0 / (shape[0] + shape[1]))
    return jax.random.uniform(key, shape, minval=-lim, maxval=lim, dtype=jnp.float32)


def setup_inputs(seed: int = 0) -> dict:
    key = jax.random.key(seed)
    ks = jax.random.split(key, 8)
    inputs = jax.random.normal(ks[0], (N_PARENTS, EDIM), dtype=jnp.float32)
    prev_c = jax.random.normal(ks[1], (N_CHILDREN, HDIM), dtype=jnp.float32) * 0.1
    prev_h = jnp.tanh(jax.random.normal(ks[2], (N_CHILDREN, HDIM), dtype=jnp.float32))
    segment_ids = jnp.sort(jax.random.randint(ks[3], (N_CHILDREN,), 0, N_PARENTS, dtype=jnp.int32)).astype(jnp.int64)
    W_combined = _xavier(ks[4], (EDIM + HDIM, 3 * HDIM))
    b_combined = jnp.zeros((1, 3 * HDIM), dtype=jnp.float32)
    W_f = _xavier(ks[5], (EDIM, HDIM))
    U_f = _xavier(ks[6], (HDIM, HDIM))
    b_f = jnp.zeros((1, HDIM), dtype=jnp.float32)
    return {
        'inputs': inputs,
        'prev_c': prev_c,
        'prev_h': prev_h,
        'segment_ids': segment_ids,
        'W_combined': W_combined,
        'b_combined': b_combined,
        'W_f': W_f,
        'U_f': U_f,
        'b_f': b_f,
    }


def reference(inputs, prev_c, prev_h, segment_ids, W_combined, b_combined, W_f, U_f, b_f):
    # h_tilde_j = sum_{k in C(j)} h_k : per-parent sum of child hidden states
    h_tilde = jax.ops.segment_sum(prev_h, segment_ids, num_segments=N_PARENTS)
    # combined i / o / u gates computed from [x_j ; h_tilde_j]
    big_cat_in = jnp.concatenate([inputs, h_tilde], axis=1)
    big_cat_out = big_cat_in @ W_combined + b_combined
    z_i, z_o, z_u = jnp.split(big_cat_out, 3, axis=1)
    # dropout on z_u is identity at inference (p_dropout = 1 - p_keep_rnn, eval mode)
    # per-child forget gates f_jk = sigmoid(W_f x_j + U_f h_k + b_f)
    f_inputs = inputs @ W_f
    f_hiddens = prev_h @ U_f
    f_inputs_ready = jnp.take(f_inputs, segment_ids, axis=0)
    f_jks = jax.nn.sigmoid(f_inputs_ready + f_hiddens + b_f)
    fc_mul = f_jks * prev_c
    # sum_idx_mtrx.matmul(fc_mul) is a per-parent segment sum over children
    fc_term = jax.ops.segment_sum(fc_mul, segment_ids, num_segments=N_PARENTS)
    c = jax.nn.sigmoid(z_i) * jnp.tanh(z_u) + fc_term
    h = jax.nn.sigmoid(z_o) * jnp.tanh(c)
    return (c, h)

if __name__ == "__main__":
    import jax
    _d = setup_inputs()
    print(jax.jit(kernel)(*tuple(_d.values())))

</pallas_src>

<mosaic_0001>
#map = affine_map<(d0, d1) -> (0, 0)>
#map1 = affine_map<(d0, d1) -> (0, 0, 0)>
module attributes {stable_mosaic.version = 14 : i64} {
  func.func @k(%arg0: i32, %arg1: i32, %arg2: memref<320000x128xf32, #tpu.memory_space<hbm>>, %arg3: memref<1x320000xi32, #tpu.memory_space<hbm>>, %arg4: memref<2x10000x128xf32, #tpu.memory_space<hbm>>, %arg5: memref<80x128xf32, #tpu.memory_space<vmem>>, %arg6: memref<10000x128xf32, #tpu.memory_space<vmem_shared>>) attributes {dimension_semantics = [#tpu.dimension_semantics<core_parallel>, #tpu.dimension_semantics<subcore_parallel>], iteration_bounds = array<i64: 2, 16>, scalar_prefetch = 0 : i64, scratch_operands = 2 : i64, tpu.core_type = #tpu.core_type<sc_vector_subcore>, window_params = [{transform_indices = #map}, {transform_indices = #map}, {transform_indices = #map1}]} {
    %scan3A = arith.constant 0 : i32
    %scan3A_0 = arith.constant 80 : i32
    %scan3A_1 = arith.addi %scan3A, %scan3A_0 : i32
    %scan3A_2 = arith.constant 1 : i32
    scf.for %scan3A_59 = %scan3A to %scan3A_1 step %scan3A_2  : i32 {
      %mul3A_60 = arith.constant 1 : i32
      %mul3A_61 = arith.muli %scan3A_59, %mul3A_60 : i32
      %add3A_62 = arith.constant 0 : i32
      %add3A_63 = arith.addi %add3A_62, %mul3A_61 : i32
      %scan3A_64 = arith.constant 0 : i32
      %scan3A_65 = arith.constant 8 : i32
      %scan3A_66 = arith.addi %scan3A_64, %scan3A_65 : i32
      %scan3A_67 = arith.constant 1 : i32
      scf.for %scan3A_69 = %scan3A_64 to %scan3A_66 step %scan3A_67  : i32 {
        %mul3A_70 = arith.constant 16 : i32
        %mul3A_71 = arith.muli %scan3A_69, %mul3A_70 : i32
        %add3A_72 = arith.constant 0 : i32
        %add3A_73 = arith.addi %add3A_72, %mul3A_71 : i32
        %broadcast_in_dim3A = arith.constant 0.000000e+00 : f32
        %broadcast_in_dim3A_74 = vector.broadcast %broadcast_in_dim3A : f32 to vector<16xf32>
        %swap3A = arith.index_cast %add3A_63 : i32 to index
        %swap3A_75 = arith.index_cast %add3A_73 : i32 to index
        %swap3A_76 = tpu.vector_load %arg5[%swap3A, %swap3A_75] {strides = array<i32>} : memref<80x128xf32, #tpu.memory_space<vmem>>, vector<1x16xf32>,
        %swap3A_77 = vector.shape_cast %swap3A_76 : vector<1x16xf32> to vector<16xf32>
        %swap3A_78 = vector.shape_cast %broadcast_in_dim3A_74 : vector<16xf32> to vector<1x16xf32>
        tpu.vector_store %arg5[%swap3A, %swap3A_75], %swap3A_78 {strides = array<i32>} : memref<80x128xf32, #tpu.memory_space<vmem>>, vector<1x16xf32>,
      }
      %scan3A_68 = arith.constant 8 : i32
    }
    %scan3A_3 = arith.constant 80 : i32
    %mul3A = arith.constant 80 : i32
    %mul3A_4 = arith.muli %arg1, %mul3A : i32
    %sub3A = arith.constant 10000 : i32
    %sub3A_5 = arith.subi %sub3A, %mul3A_4 : i32
    %sub3A_6 = arith.constant 1280 : i32
    %sub3A_7 = arith.constant 1 : i32
    %sub3A_8 = arith.subi %sub3A_6, %sub3A_7 : i32
    %add3A = arith.addi %sub3A_5, %sub3A_8 : i32
    %div3A = arith.constant 1280 : i32
    %div3A_9 = arith.divsi %add3A, %div3A : i32
    %while3A = arith.constant 1280 : i32
    %while3A_10 = arith.constant 0 : i32
    %while3A_11 = arith.subi %div3A_9, %while3A_10 : i32
    %while3A_12 = arith.addi %while3A_10, %while3A_11 : i32
    %while3A_13 = arith.constant 1 : i32
    %while3A_14 = arith.divsi %while3A_11, %while3A_13 : i32
    %while3A_15 = arith.muli %while3A_14, %while3A_13 : i32
    %while3A_16 = arith.addi %while3A_10, %while3A_15 : i32
    %while3A_17 = arith.constant 1 : i32
    scf.for %while3A_59 = %while3A_10 to %while3A_16 step %while3A_17  : i32 {
      %mul3A_60 = arith.muli %while3A_59, %while3A : i32
      %add3A_61 = arith.addi %mul3A_4, %mul3A_60 : i32
      "tpu.region"() ({
        %run_scoped3A = tpu.sem_alloc : memref<!tpu.dma_semaphore, #tpu.memory_space<semaphore_mem>>
        %dma_start3A = arith.constant 0 : i32
        %dma_start3A_62 = tpu.memref_slice %arg6[%add3A_61, %dma_start3A] : memref<10000x128xf32, #tpu.memory_space<vmem_shared>> -> memref<80x128xf32, #tpu.memory_space<vmem_shared>>
        %dma_start3A_63 = arith.constant 0 : i32
        %dma_start3A_64 = tpu.memref_slice %arg6[%add3A_61, %dma_start3A_63] : memref<10000x128xf32, #tpu.memory_space<vmem_shared>> -> memref<80x128xf32, #tpu.memory_space<vmem_shared>>
        tpu.enqueue_dma source(%arg5 : memref<80x128xf32, #tpu.memory_space<vmem>>) target(%dma_start3A_64 : memref<80x128xf32, #tpu.memory_space<vmem_shared>>) target_semaphore(%run_scoped3A : memref<!tpu.dma_semaphore, #tpu.memory_space<semaphore_mem>>)
        %dma_wait3A = arith.constant 0 : i32
        %dma_wait3A_65 = tpu.memref_slice %arg6[%add3A_61, %dma_wait3A] : memref<10000x128xf32, #tpu.memory_space<vmem_shared>> -> memref<80x128xf32, #tpu.memory_space<vmem_shared>>
        %dma_wait3A_66 = arith.constant 0 : i32
        %dma_wait3A_67 = tpu.memref_slice %arg6[%add3A_61, %dma_wait3A_66] : memref<10000x128xf32, #tpu.memory_space<vmem_shared>> -> memref<80x128xf32, #tpu.memory_space<vmem_shared>>
        tpu.wait_dma2 semaphore(%run_scoped3A : memref<!tpu.dma_semaphore, #tpu.memory_space<semaphore_mem>>) src(%arg5 : memref<80x128xf32, #tpu.memory_space<vmem>>) dst(%dma_wait3A_67 : memref<80x128xf32, #tpu.memory_space<vmem_shared>>)
        tpu.yield
      }) : () -> ()
    }
    %while3A_18 = arith.constant 1 : i32
    scf.for %while3A_59 = %while3A_16 to %while3A_12 step %while3A_18  : i32 {
      %mul3A_60 = arith.muli %while3A_59, %while3A : i32
      %add3A_61 = arith.addi %mul3A_4, %mul3A_60 : i32
      "tpu.region"() ({
        %run_scoped3A = tpu.sem_alloc : memref<!tpu.dma_semaphore, #tpu.memory_space<semaphore_mem>>
        %dma_start3A = arith.constant 0 : i32
        %dma_start3A_62 = tpu.memref_slice %arg6[%add3A_61, %dma_start3A] : memref<10000x128xf32, #tpu.memory_space<vmem_shared>> -> memref<80x128xf32, #tpu.memory_space<vmem_shared>>
        %dma_start3A_63 = arith.constant 0 : i32
        %dma_start3A_64 = tpu.memref_slice %arg6[%add3A_61, %dma_start3A_63] : memref<10000x128xf32, #tpu.memory_space<vmem_shared>> -> memref<80x128xf32, #tpu.memory_space<vmem_shared>>
        tpu.enqueue_dma source(%arg5 : memref<80x128xf32, #tpu.memory_space<vmem>>) target(%dma_start3A_64 : memref<80x128xf32, #tpu.memory_space<vmem_shared>>) target_semaphore(%run_scoped3A : memref<!tpu.dma_semaphore, #tpu.memory_space<semaphore_mem>>)
        %dma_wait3A = arith.constant 0 : i32
        %dma_wait3A_65 = tpu.memref_slice %arg6[%add3A_61, %dma_wait3A] : memref<10000x128xf32, #tpu.memory_space<vmem_shared>> -> memref<80x128xf32, #tpu.memory_space<vmem_shared>>
        %dma_wait3A_66 = arith.constant 0 : i32
        %dma_wait3A_67 = tpu.memref_slice %arg6[%add3A_61, %dma_wait3A_66] : memref<10000x128xf32, #tpu.memory_space<vmem_shared>> -> memref<80x128xf32, #tpu.memory_space<vmem_shared>>
        tpu.wait_dma2 semaphore(%run_scoped3A : memref<!tpu.dma_semaphore, #tpu.memory_space<semaphore_mem>>) src(%arg5 : memref<80x128xf32, #tpu.memory_space<vmem>>) dst(%dma_wait3A_67 : memref<80x128xf32, #tpu.memory_space<vmem_shared>>)
        tpu.yield
      }) : () -> ()
    }
    %barrier3A = arith.constant 0 : index
    tpu.barrier barrier_id(%barrier3A)
    %mul3A_19 = arith.constant 1 : i32
    %mul3A_20 = arith.muli %arg1, %mul3A_19 : i32
    %add3A_21 = arith.constant 0 : i32
    %add3A_22 = arith.addi %add3A_21, %mul3A_20 : i32
    %mul3A_23 = arith.constant 16 : i32
    %mul3A_24 = arith.muli %arg0, %mul3A_23 : i32
    %add3A_25 = arith.addi %add3A_22, %mul3A_24 : i32
    %lt3A = arith.constant 4 : i32
    %lt3A_26 = arith.cmpi slt, %add3A_25, %lt3A : i32
    %jit3A = arith.constant 79 : i32
    %jit3A_27 = arith.constant 78 : i32
    %select_n3A = arith.select %lt3A_26, %jit3A, %jit3A_27 : i32
    %lt3A_28 = arith.constant 4 : i32
    %lt3A_29 = arith.cmpi slt, %add3A_25, %lt3A_28 : i32
    %mul3A_30 = arith.muli %add3A_25, %select_n3A : i32
    %mul3A_31 = arith.constant 78 : i32
    %mul3A_32 = arith.muli %add3A_25, %mul3A_31 : i32
    %add3A_33 = arith.constant 4 : i32
    %add3A_34 = arith.addi %mul3A_32, %add3A_33 : i32
    %select_n3A_35 = arith.select %lt3A_29, %mul3A_30, %add3A_34 : i32
    %mul3A_36 = arith.constant 1 : i32
    %mul3A_37 = arith.muli %mul3A_36, %select_n3A : i32
    "tpu.region"() ({
      %run_scoped3A = memref.alloca() : memref<2x1x128xi32, #tpu.memory_space<vmem>>
      %run_scoped3A_59 = tpu.sem_alloc : memref<2x!tpu.dma_semaphore, #tpu.memory_space<semaphore_mem>>
      %run_scoped3A_60 = memref.alloca() : memref<2x128x128xf32, #tpu.memory_space<vmem>>
      %run_scoped3A_61 = tpu.sem_alloc : memref<2x!tpu.dma_semaphore, #tpu.memory_space<semaphore_mem>>
      %gt3A = arith.constant 0 : i32
      %gt3A_62 = arith.cmpi sgt, %mul3A_37, %gt3A : i32
      %convert_element_type3A = arith.extui %gt3A_62 : i1 to i32
      %cond3A = arith.constant 0 : i32
      %cond3A_63 = arith.cmpi ne, %convert_element_type3A, %cond3A : i32
      scf.if %cond3A_63 {
        %mul3A_64 = arith.constant 1 : i32
        %mul3A_65 = arith.muli %mul3A_64, %select_n3A : i32
        %sub3A_66 = arith.constant 1 : i32
        %sub3A_67 = arith.subi %mul3A_65, %sub3A_66 : i32
        %eq3A = arith.constant 0 : i32
        %eq3A_68 = arith.cmpi eq, %sub3A_67, %eq3A : i32
        %add3A_69 = arith.constant 0 : i32
        %add3A_70 = arith.addi %add3A_69, %select_n3A_35 : i32
        %select_n3A_71 = arith.constant true
        %select_n3A_72 = arith.constant 0 : i32
        %select_n3A_73 = arith.constant -1 : i32
        %select_n3A_74 = arith.select %select_n3A_71, %select_n3A_73, %select_n3A_72 : i32
        %eq3A_75 = arith.constant -1 : i32
        %eq3A_76 = arith.cmpi eq, %select_n3A_74, %eq3A_75 : i32
        %sub3A_77 = arith.constant 1 : i32
        %sub3A_78 = arith.subi %select_n3A, %sub3A_77 : i32
        %select_n3A_79 = arith.select %eq3A_76, %sub3A_78, %select_n3A_74 : i32
        %add3A_80 = arith.addi %select_n3A_79, %select_n3A_35 : i32
        %select_n3A_81 = arith.constant true
        %select_n3A_82 = arith.constant 0 : i32
        %select_n3A_83 = arith.constant 1 : i32
        %select_n3A_84 = arith.select %select_n3A_81, %select_n3A_83, %select_n3A_82 : i32
        %eq3A_85 = arith.cmpi eq, %select_n3A_84, %select_n3A : i32
        %select_n3A_86 = arith.constant 0 : i32
        %select_n3A_87 = arith.select %eq3A_85, %select_n3A_86, %select_n3A_84 : i32
        %add3A_88 = arith.addi %select_n3A_87, %select_n3A_35 : i32
        %add3A_89 = arith.constant 1 : i32
        %add3A_90 = arith.addi %select_n3A_87, %add3A_89 : i32
        %select_n3A_91 = arith.constant true
        %select_n3A_92 = arith.select %select_n3A_91, %add3A_90, %select_n3A_87 : i32
        %eq3A_93 = arith.cmpi eq, %select_n3A_92, %select_n3A : i32
        %select_n3A_94 = arith.constant 0 : i32
        %select_n3A_95 = arith.select %eq3A_93, %select_n3A_94, %select_n3A_92 : i32
        %add3A_96 = arith.addi %select_n3A_95, %select_n3A_35 : i32
        "tpu.trace_start"() <{level = 10 : i32, message = "ep_initialize_0"}> : () -> ()
        %rem3A = arith.constant 0 : i32
        %rem3A_97 = arith.constant 2 : i32
        %rem3A_98 = arith.remui %rem3A, %rem3A_97 : i32
        %mul3A_99 = arith.constant 128 : i32
        %mul3A_100 = arith.muli %mul3A_99, %add3A_70 : i32
        %dma_start3A = arith.constant 0 : i32
        %dma_start3A_101 = arith.constant 0 : i32
        %dma_start3A_102 = tpu.memref_slice %run_scoped3A[%rem3A_98, %dma_start3A, %dma_start3A_101] : memref<2x1x128xi32, #tpu.memory_space<vmem>> -> memref<1x1x128xi32, #tpu.memory_space<vmem>>
        %dma_start3A_103 = tpu.memref_squeeze %dma_start3A_102 : memref<1x1x128xi32, #tpu.memory_space<vmem>> -> memref<1x128xi32, #tpu.memory_space<vmem>>
        %dma_start3A_104 = arith.constant 0 : i32
        %dma_start3A_105 = tpu.memref_slice %arg3[%dma_start3A_104, %mul3A_100] : memref<1x320000xi32, #tpu.memory_space<hbm>> -> memref<1x128xi32, #tpu.memory_space<hbm>>
        %dma_start3A_106 = tpu.memref_slice %run_scoped3A_59[%rem3A_98] : memref<2x!tpu.dma_semaphore, #tpu.memory_space<semaphore_mem>> -> memref<1x!tpu.dma_semaphore, #tpu.memory_space<semaphore_mem>>
        %dma_start3A_107 = tpu.memref_squeeze %dma_start3A_106 : memref<1x!tpu.dma_semaphore, #tpu.memory_space<semaphore_mem>> -> memref<!tpu.dma_semaphore, #tpu.memory_space<semaphore_mem>>
        %dma_start3A_108 = arith.constant 0 : i32
        %dma_start3A_109 = arith.constant 0 : i32
        %dma_start3A_110 = tpu.memref_slice %run_scoped3A[%rem3A_98, %dma_start3A_108, %dma_start3A_109] : memref<2x1x128xi32, #tpu.memory_space<vmem>> -> memref<1x1x128xi32, #tpu.memory_space<vmem>>
        %dma_start3A_111 = tpu.memref_squeeze %dma_start3A_110 : memref<1x1x128xi32, #tpu.memory_space<vmem>> -> memref<1x128xi32, #tpu.memory_space<vmem>>
        %dma_start3A_112 = arith.constant 0 : i32
        %dma_start3A_113 = tpu.memref_slice %arg3[%dma_start3A_112, %mul3A_100] : memref<1x320000xi32, #tpu.memory_space<hbm>> -> memref<1x128xi32, #tpu.memory_space<hbm>>
        tpu.enqueue_dma source(%dma_start3A_113 : memref<1x128xi32, #tpu.memory_space<hbm>>) target(%dma_start3A_111 : memref<1x128xi32, #tpu.memory_space<vmem>>) target_semaphore(%dma_start3A_107 : memref<!tpu.dma_semaphore, #tpu.memory_space<semaphore_mem>>)
        %add3A_114 = arith.constant 0 : i32
        %add3A_115 = arith.constant 1 : i32
        %add3A_116 = arith.addi %add3A_114, %add3A_115 : i32
        %select_n3A_117 = arith.constant true
        %select_n3A_118 = arith.constant 0 : i32
        %select_n3A_119 = arith.select %select_n3A_117, %add3A_116, %select_n3A_118 : i32
        %rem3A_120 = arith.constant 0 : i32
        %rem3A_121 = arith.constant 2 : i32
        %rem3A_122 = arith.remui %rem3A_120, %rem3A_121 : i32
        %mul3A_123 = arith.constant 128 : i32
        %mul3A_124 = arith.muli %mul3A_123, %add3A_70 : i32
        %dma_start3A_125 = arith.constant 0 : i32
        %dma_start3A_126 = arith.constant 0 : i32
        %dma_start3A_127 = tpu.memref_slice %run_scoped3A_60[%rem3A_122, %dma_start3A_125, %dma_start3A_126] : memref<2x128x128xf32, #tpu.memory_space<vmem>> -> memref<1x128x128xf32, #tpu.memory_space<vmem>>
        %dma_start3A_128 = tpu.memref_squeeze %dma_start3A_127 : memref<1x128x128xf32, #tpu.memory_space<vmem>> -> memref<128x128xf32, #tpu.memory_space<vmem>>
        %dma_start3A_129 = arith.constant 0 : i32
        %dma_start3A_130 = tpu.memref_slice %arg2[%mul3A_124, %dma_start3A_129] : memref<320000x128xf32, #tpu.memory_space<hbm>> -> memref<128x128xf32, #tpu.memory_space<hbm>>
        %dma_start3A_131 = tpu.memref_slice %run_scoped3A_61[%rem3A_122] : memref<2x!tpu.dma_semaphore, #tpu.memory_space<semaphore_mem>> -> memref<1x!tpu.dma_semaphore, #tpu.memory_space<semaphore_mem>>
        %dma_start3A_132 = tpu.memref_squeeze %dma_start3A_131 : memref<1x!tpu.dma_semaphore, #tpu.memory_space<semaphore_mem>> -> memref<!tpu.dma_semaphore, #tpu.memory_space<semaphore_mem>>
        %dma_start3A_133 = arith.constant 0 : i32
        %dma_start3A_134 = arith.constant 0 : i32
        %dma_start3A_135 = tpu.memref_slice %run_scoped3A_60[%rem3A_122, %dma_start3A_133, %dma_start3A_134] : memref<2x128x128xf32, #tpu.memory_space<vmem>> -> memref<1x128x128xf32, #tpu.memory_space<vmem>>
        %dma_start3A_136 = tpu.memref_squeeze %dma_start3A_135 : memref<1x128x128xf32, #tpu.memory_space<vmem>> -> memref<128x128xf32, #tpu.memory_space<vmem>>
        %dma_start3A_137 = arith.constant 0 : i32
        %dma_start3A_138 = tpu.memref_slice %arg2[%mul3A_124, %dma_start3A_137] : memref<320000x128xf32, #tpu.memory_space<hbm>> -> memref<128x128xf32, #tpu.memory_space<hbm>>
        tpu.enqueue_dma source(%dma_start3A_138 : memref<128x128xf32, #tpu.memory_space<hbm>>) target(%dma_start3A_136 : memref<128x128xf32, #tpu.memory_space<vmem>>) target_semaphore(%dma_start3A_132 : memref<!tpu.dma_semaphore, #tpu.memory_space<semaphore_mem>>)
        %add3A_139 = arith.constant 0 : i32
        %add3A_140 = arith.constant 1 : i32
        %add3A_141 = arith.addi %add3A_139, %add3A_140 : i32
        %select_n3A_142 = arith.constant true
        %select_n3A_143 = arith.constant 0 : i32
        %select_n3A_144 = arith.select %select_n3A_142, %add3A_141, %select_n3A_143 : i32
        %while3A_145 = arith.constant 0 : i32
        %while3A_146 = arith.constant 0 : i32
        %while3A_147 = arith.constant 0 : i32
        %while3A_148 = arith.constant 0 : i32
        "tpu.trace_stop"() : () -> ()
        %while3A_149 = arith.subi %mul3A_37, %while3A_145 : i32
        %while3A_150 = arith.addi %while3A_145, %while3A_149 : i32
        %while3A_151 = arith.constant 1 : i32
        %while3A_152 = arith.divsi %while3A_149, %while3A_151 : i32
        %while3A_153 = arith.muli %while3A_152, %while3A_151 : i32
        %while3A_154 = arith.addi %while3A_145, %while3A_153 : i32
        %while3A_155 = arith.constant 1 : i32
        %while3A_156:5 = scf.for %while3A_210 = %while3A_145 to %while3A_154 step %while3A_155 iter_args(%while3A_211 = %select_n3A_119, %while3A_212 = %while3A_146, %while3A_213 = %select_n3A_144, %while3A_214 = %while3A_147, %while3A_215 = %while3A_148) -> (i32, i32, i32, i32, i32)  : i32 {
          %mul3A_216 = arith.constant 1 : i32
          %mul3A_217 = arith.muli %mul3A_216, %select_n3A : i32
          %eq3A_218 = arith.constant 0 : i32
          %eq3A_219 = arith.cmpi eq, %while3A_210, %eq3A_218 : i32
          %sub3A_220 = arith.constant 1 : i32
          %sub3A_221 = arith.subi %mul3A_217, %sub3A_220 : i32
          %eq3A_222 = arith.cmpi eq, %while3A_210, %sub3A_221 : i32
          %add3A_223 = arith.addi %while3A_215, %select_n3A_35 : i32
          %sub3A_224 = arith.constant 1 : i32
          %sub3A_225 = arith.subi %while3A_215, %sub3A_224 : i32
          %select_n3A_226 = arith.constant true
          %select_n3A_227 = arith.select %select_n3A_226, %sub3A_225, %while3A_215 : i32
          %eq3A_228 = arith.constant -1 : i32
          %eq3A_229 = arith.cmpi eq, %select_n3A_227, %eq3A_228 : i32
          %sub3A_230 = arith.constant 1 : i32
          %sub3A_231 = arith.subi %select_n3A, %sub3A_230 : i32
          %select_n3A_232 = arith.select %eq3A_229, %sub3A_231, %select_n3A_227 : i32
          %add3A_233 = arith.addi %select_n3A_232, %select_n3A_35 : i32
          %add3A_234 = arith.constant 1 : i32
          %add3A_235 = arith.addi %while3A_215, %add3A_234 : i32
          %select_n3A_236 = arith.constant true
          %select_n3A_237 = arith.select %select_n3A_236, %add3A_235, %while3A_215 : i32
          %eq3A_238 = arith.cmpi eq, %select_n3A_237, %select_n3A : i32
          %select_n3A_239 = arith.constant 0 : i32
          %select_n3A_240 = arith.select %eq3A_238, %select_n3A_239, %select_n3A_237 : i32
          %add3A_241 = arith.addi %select_n3A_240, %select_n3A_35 : i32
          %add3A_242 = arith.constant 1 : i32
          %add3A_243 = arith.addi %select_n3A_240, %add3A_242 : i32
          %select_n3A_244 = arith.constant true
          %select_n3A_245 = arith.select %select_n3A_244, %add3A_243, %select_n3A_240 : i32
          %eq3A_246 = arith.cmpi eq, %select_n3A_245, %select_n3A : i32
          %select_n3A_247 = arith.constant 0 : i32
          %select_n3A_248 = arith.select %eq3A_246, %select_n3A_247, %select_n3A_245 : i32
          %add3A_249 = arith.addi %select_n3A_248, %select_n3A_35 : i32
          %ne3A = arith.cmpi ne, %add3A_223, %add3A_241 : i32
          %or3A = arith.constant false
          %or3A_250 = arith.ori %or3A, %ne3A : i1
          %sub3A_251 = arith.constant 2 : i32
          %sub3A_252 = arith.subi %mul3A_217, %sub3A_251 : i32
          %add3A_253 = arith.constant 1 : i32
          %add3A_254 = arith.addi %sub3A_252, %add3A_253 : i32
          %ge3A = arith.cmpi sge, %while3A_210, %add3A_254 : i32
          %not3A = arith.constant true
          %not3A_255 = arith.xori %ge3A, %not3A : i1
          %and3A = arith.andi %or3A_250, %not3A_255 : i1
          %convert_element_type3A_256 = arith.extui %and3A : i1 to i32
          %cond3A_257 = arith.constant 0 : i32
          %cond3A_258 = arith.cmpi ne, %convert_element_type3A_256, %cond3A_257 : i32
          scf.if %cond3A_258 {
            "tpu.trace_start"() <{level = 10 : i32, message = "ep_copy_in"}> : () -> ()
            %rem3A_373 = arith.constant 2 : i32
            %rem3A_374 = arith.remui %while3A_211, %rem3A_373 : i32
            %mul3A_375 = arith.constant 128 : i32
            %mul3A_376 = arith.muli %mul3A_375, %add3A_241 : i32
            %dma_start3A_377 = arith.constant 0 : i32
            %dma_start3A_378 = arith.constant 0 : i32
            %dma_start3A_379 = tpu.memref_slice %run_scoped3A[%rem3A_374, %dma_start3A_377, %dma_start3A_378] : memref<2x1x128xi32, #tpu.memory_space<vmem>> -> memref<1x1x128xi32, #tpu.memory_space<vmem>>
            %dma_start3A_380 = tpu.memref_squeeze %dma_start3A_379 : memref<1x1x128xi32, #tpu.memory_space<vmem>> -> memref<1x128xi32, #tpu.memory_space<vmem>>
            %dma_start3A_381 = arith.constant 0 : i32
            %dma_start3A_382 = tpu.memref_slice %arg3[%dma_start3A_381, %mul3A_376] : memref<1x320000xi32, #tpu.memory_space<hbm>> -> memref<1x128xi32, #tpu.memory_space<hbm>>
            %dma_start3A_383 = tpu.memref_slice %run_scoped3A_59[%rem3A_374] : memref<2x!tpu.dma_semaphore, #tpu.memory_space<semaphore_mem>> -> memref<1x!tpu.dma_semaphore, #tpu.memory_space<semaphore_mem>>
            %dma_start3A_384 = tpu.memref_squeeze %dma_start3A_383 : memref<1x!tpu.dma_semaphore, #tpu.memory_space<semaphore_mem>> -> memref<!tpu.dma_semaphore, #tpu.memory_space<semaphore_mem>>
            %dma_start3A_385 = arith.constant 0 : i32
            %dma_start3A_386 = arith.constant 0 : i32
            %dma_start3A_387 = tpu.memref_slice %run_scoped3A[%rem3A_374, %dma_start3A_385, %dma_start3A_386] : memref<2x1x128xi32, #tpu.memory_space<vmem>> -> memref<1x1x128xi32, #tpu.memory_space<vmem>>
            %dma_start3A_388 = tpu.memref_squeeze %dma_start3A_387 : memref<1x1x128xi32, #tpu.memory_space<vmem>> -> memref<1x128xi32, #tpu.memory_space<vmem>>
            %dma_start3A_389 = arith.constant 0 : i32
            %dma_start3A_390 = tpu.memref_slice %arg3[%dma_start3A_389, %mul3A_376] : memref<1x320000xi32, #tpu.memory_space<hbm>> -> memref<1x128xi32, #tpu.memory_space<hbm>>
            tpu.enqueue_dma source(%dma_start3A_390 : memref<1x128xi32, #tpu.memory_space<hbm>>) target(%dma_start3A_388 : memref<1x128xi32, #tpu.memory_space<vmem>>) target_semaphore(%dma_start3A_384 : memref<!tpu.dma_semaphore, #tpu.memory_space<semaphore_mem>>)
            "tpu.trace_stop"() : () -> ()
          } else {
          }
          %and3A_259 = arith.constant true
          %and3A_260 = arith.andi %and3A, %and3A_259 : i1
          %add3A_261 = arith.constant 1 : i32
          %add3A_262 = arith.addi %while3A_211, %add3A_261 : i32
          %select_n3A_263 = arith.select %and3A_260, %add3A_262, %while3A_211 : i32
          %ne3A_264 = arith.cmpi ne, %add3A_223, %add3A_241 : i32
          %or3A_265 = arith.constant false
          %or3A_266 = arith.ori %or3A_265, %ne3A_264 : i1
          %or3A_267 = arith.constant false
          %or3A_268 = arith.ori %or3A_266, %or3A_267 : i1
          %sub3A_269 = arith.constant 2 : i32
          %sub3A_270 = arith.subi %mul3A_217, %sub3A_269 : i32
          %add3A_271 = arith.constant 1 : i32
          %add3A_272 = arith.addi %sub3A_270, %add3A_271 : i32
          %ge3A_273 = arith.cmpi sge, %while3A_210, %add3A_272 : i32
          %not3A_274 = arith.constant true
          %not3A_275 = arith.xori %ge3A_273, %not3A_274 : i1
          %and3A_276 = arith.andi %or3A_268, %not3A_275 : i1
          %convert_element_type3A_277 = arith.extui %and3A_276 : i1 to i32
          %cond3A_278 = arith.constant 0 : i32
          %cond3A_279 = arith.cmpi ne, %convert_element_type3A_277, %cond3A_278 : i32
          scf.if %cond3A_279 {
            "tpu.trace_start"() <{level = 10 : i32, message = "ep_copy_in"}> : () -> ()
            %rem3A_373 = arith.constant 2 : i32
            %rem3A_374 = arith.remui %while3A_213, %rem3A_373 : i32
            %mul3A_375 = arith.constant 128 : i32
            %mul3A_376 = arith.muli %mul3A_375, %add3A_241 : i32
            %dma_start3A_377 = arith.constant 0 : i32
            %dma_start3A_378 = arith.constant 0 : i32
            %dma_start3A_379 = tpu.memref_slice %run_scoped3A_60[%rem3A_374, %dma_start3A_377, %dma_start3A_378] : memref<2x128x128xf32, #tpu.memory_space<vmem>> -> memref<1x128x128xf32, #tpu.memory_space<vmem>>
            %dma_start3A_380 = tpu.memref_squeeze %dma_start3A_379 : memref<1x128x128xf32, #tpu.memory_space<vmem>> -> memref<128x128xf32, #tpu.memory_space<vmem>>
            %dma_start3A_381 = arith.constant 0 : i32
            %dma_start3A_382 = tpu.memref_slice %arg2[%mul3A_376, %dma_start3A_381] : memref<320000x128xf32, #tpu.memory_space<hbm>> -> memref<128x128xf32, #tpu.memory_space<hbm>>
            %dma_start3A_383 = tpu.memref_slice %run_scoped3A_61[%rem3A_374] : memref<2x!tpu.dma_semaphore, #tpu.memory_space<semaphore_mem>> -> memref<1x!tpu.dma_semaphore, #tpu.memory_space<semaphore_mem>>
            %dma_start3A_384 = tpu.memref_squeeze %dma_start3A_383 : memref<1x!tpu.dma_semaphore, #tpu.memory_space<semaphore_mem>> -> memref<!tpu.dma_semaphore, #tpu.memory_space<semaphore_mem>>
            %dma_start3A_385 = arith.constant 0 : i32
            %dma_start3A_386 = arith.constant 0 : i32
            %dma_start3A_387 = tpu.memref_slice %run_scoped3A_60[%rem3A_374, %dma_start3A_385, %dma_start3A_386] : memref<2x128x128xf32, #tpu.memory_space<vmem>> -> memref<1x128x128xf32, #tpu.memory_space<vmem>>
            %dma_start3A_388 = tpu.memref_squeeze %dma_start3A_387 : memref<1x128x128xf32, #tpu.memory_space<vmem>> -> memref<128x128xf32, #tpu.memory_space<vmem>>
            %dma_start3A_389 = arith.constant 0 : i32
            %dma_start3A_390 = tpu.memref_slice %arg2[%mul3A_376, %dma_start3A_389] : memref<320000x128xf32, #tpu.memory_space<hbm>> -> memref<128x128xf32, #tpu.memory_space<hbm>>
            tpu.enqueue_dma source(%dma_start3A_390 : memref<128x128xf32, #tpu.memory_space<hbm>>) target(%dma_start3A_388 : memref<128x128xf32, #tpu.memory_space<vmem>>) target_semaphore(%dma_start3A_384 : memref<!tpu.dma_semaphore, #tpu.memory_space<semaphore_mem>>)
            "tpu.trace_stop"() : () -> ()
          } else {
          }
          %and3A_280 = arith.constant true
          %and3A_281 = arith.andi %and3A_276, %and3A_280 : i1
          %add3A_282 = arith.constant 1 : i32
          %add3A_283 = arith.addi %while3A_213, %add3A_282 : i32
          %select_n3A_284 = arith.select %and3A_281, %add3A_283, %while3A_213 : i32
          %ne3A_285 = arith.cmpi ne, %add3A_223, %add3A_233 : i32
          %or3A_286 = arith.constant false
          %or3A_287 = arith.ori %or3A_286, %ne3A_285 : i1
          %or3A_288 = arith.ori %or3A_287, %eq3A_219 : i1
          %convert_element_type3A_289 = arith.extui %or3A_288 : i1 to i32
          %cond3A_290 = arith.constant 0 : i32
          %cond3A_291 = arith.cmpi ne, %convert_element_type3A_289, %cond3A_290 : i32
          scf.if %cond3A_291 {
            "tpu.trace_start"() <{level = 10 : i32, message = "ep_wait_in"}> : () -> ()
            %mul3A_373 = arith.constant 128 : i32
            %mul3A_374 = arith.muli %mul3A_373, %add3A_223 : i32
            %rem3A_375 = arith.constant 2 : i32
            %rem3A_376 = arith.remui %while3A_212, %rem3A_375 : i32
            %dma_wait3A = arith.constant 0 : i32
            %dma_wait3A_377 = arith.constant 0 : i32
            %dma_wait3A_378 = tpu.memref_slice %run_scoped3A[%rem3A_376, %dma_wait3A, %dma_wait3A_377] : memref<2x1x128xi32, #tpu.memory_space<vmem>> -> memref<1x1x128xi32, #tpu.memory_space<vmem>>
            %dma_wait3A_379 = tpu.memref_squeeze %dma_wait3A_378 : memref<1x1x128xi32, #tpu.memory_space<vmem>> -> memref<1x128xi32, #tpu.memory_space<vmem>>
            %dma_wait3A_380 = arith.constant 0 : i32
            %dma_wait3A_381 = tpu.memref_slice %arg3[%dma_wait3A_380, %mul3A_374] : memref<1x320000xi32, #tpu.memory_space<hbm>> -> memref<1x128xi32, #tpu.memory_space<hbm>>
            %dma_wait3A_382 = tpu.memref_slice %run_scoped3A_59[%rem3A_376] : memref<2x!tpu.dma_semaphore, #tpu.memory_space<semaphore_mem>> -> memref<1x!tpu.dma_semaphore, #tpu.memory_space<semaphore_mem>>
            %dma_wait3A_383 = tpu.memref_squeeze %dma_wait3A_382 : memref<1x!tpu.dma_semaphore, #tpu.memory_space<semaphore_mem>> -> memref<!tpu.dma_semaphore, #tpu.memory_space<semaphore_mem>>
            %dma_wait3A_384 = arith.constant 0 : i32
            %dma_wait3A_385 = arith.constant 0 : i32
            %dma_wait3A_386 = tpu.memref_slice %run_scoped3A[%rem3A_376, %dma_wait3A_384, %dma_wait3A_385] : memref<2x1x128xi32, #tpu.memory_space<vmem>> -> memref<1x1x128xi32, #tpu.memory_space<vmem>>
            %dma_wait3A_387 = tpu.memref_squeeze %dma_wait3A_386 : memref<1x1x128xi32, #tpu.memory_space<vmem>> -> memref<1x128xi32, #tpu.memory_space<vmem>>
            %dma_wait3A_388 = arith.constant 0 : i32
            %dma_wait3A_389 = tpu.memref_slice %arg3[%dma_wait3A_388, %mul3A_374] : memref<1x320000xi32, #tpu.memory_space<hbm>> -> memref<1x128xi32, #tpu.memory_space<hbm>>
            tpu.wait_dma2 semaphore(%dma_wait3A_383 : memref<!tpu.dma_semaphore, #tpu.memory_space<semaphore_mem>>) src(%dma_wait3A_389 : memref<1x128xi32, #tpu.memory_space<hbm>>) dst(%dma_wait3A_387 : memref<1x128xi32, #tpu.memory_space<vmem>>)
            "tpu.trace_stop"() : () -> ()
          } else {
          }
          %ne3A_292 = arith.cmpi ne, %add3A_223, %add3A_233 : i32
          %or3A_293 = arith.constant false
          %or3A_294 = arith.ori %or3A_293, %ne3A_292 : i1
          %or3A_295 = arith.constant false
          %or3A_296 = arith.ori %or3A_294, %or3A_295 : i1
          %or3A_297 = arith.ori %or3A_296, %eq3A_219 : i1
          %convert_element_type3A_298 = arith.extui %or3A_297 : i1 to i32
          %cond3A_299 = arith.constant 0 : i32
          %cond3A_300 = arith.cmpi ne, %convert_element_type3A_298, %cond3A_299 : i32
          scf.if %cond3A_300 {
            "tpu.trace_start"() <{level = 10 : i32, message = "ep_wait_in"}> : () -> ()
            %mul3A_373 = arith.constant 128 : i32
            %mul3A_374 = arith.muli %mul3A_373, %add3A_223 : i32
            %rem3A_375 = arith.constant 2 : i32
            %rem3A_376 = arith.remui %while3A_214, %rem3A_375 : i32
            %dma_wait3A = arith.constant 0 : i32
            %dma_wait3A_377 = arith.constant 0 : i32
            %dma_wait3A_378 = tpu.memref_slice %run_scoped3A_60[%rem3A_376, %dma_wait3A, %dma_wait3A_377] : memref<2x128x128xf32, #tpu.memory_space<vmem>> -> memref<1x128x128xf32, #tpu.memory_space<vmem>>
            %dma_wait3A_379 = tpu.memref_squeeze %dma_wait3A_378 : memref<1x128x128xf32, #tpu.memory_space<vmem>> -> memref<128x128xf32, #tpu.memory_space<vmem>>
            %dma_wait3A_380 = arith.constant 0 : i32
            %dma_wait3A_381 = tpu.memref_slice %arg2[%mul3A_374, %dma_wait3A_380] : memref<320000x128xf32, #tpu.memory_space<hbm>> -> memref<128x128xf32, #tpu.memory_space<hbm>>
            %dma_wait3A_382 = tpu.memref_slice %run_scoped3A_61[%rem3A_376] : memref<2x!tpu.dma_semaphore, #tpu.memory_space<semaphore_mem>> -> memref<1x!tpu.dma_semaphore, #tpu.memory_space<semaphore_mem>>
            %dma_wait3A_383 = tpu.memref_squeeze %dma_wait3A_382 : memref<1x!tpu.dma_semaphore, #tpu.memory_space<semaphore_mem>> -> memref<!tpu.dma_semaphore, #tpu.memory_space<semaphore_mem>>
            %dma_wait3A_384 = arith.constant 0 : i32
            %dma_wait3A_385 = arith.constant 0 : i32
            %dma_wait3A_386 = tpu.memref_slice %run_scoped3A_60[%rem3A_376, %dma_wait3A_384, %dma_wait3A_385] : memref<2x128x128xf32, #tpu.memory_space<vmem>> -> memref<1x128x128xf32, #tpu.memory_space<vmem>>
            %dma_wait3A_387 = tpu.memref_squeeze %dma_wait3A_386 : memref<1x128x128xf32, #tpu.memory_space<vmem>> -> memref<128x128xf32, #tpu.memory_space<vmem>>
            %dma_wait3A_388 = arith.constant 0 : i32
            %dma_wait3A_389 = tpu.memref_slice %arg2[%mul3A_374, %dma_wait3A_388] : memref<320000x128xf32, #tpu.memory_space<hbm>> -> memref<128x128xf32, #tpu.memory_space<hbm>>
            tpu.wait_dma2 semaphore(%dma_wait3A_383 : memref<!tpu.dma_semaphore, #tpu.memory_space<semaphore_mem>>) src(%dma_wait3A_389 : memref<128x128xf32, #tpu.memory_space<hbm>>) dst(%dma_wait3A_387 : memref<128x128xf32, #tpu.memory_space<vmem>>)
            "tpu.trace_stop"() : () -> ()
          } else {
          }
          %rem3A_301 = arith.constant 2 : i32
          %rem3A_302 = arith.remui %while3A_212, %rem3A_301 : i32
          %rem3A_303 = arith.constant 2 : i32
          %rem3A_304 = arith.remui %while3A_214, %rem3A_303 : i32
          %run_scoped3A_305 = arith.constant 0 : i32
          "tpu.trace_start"() <{level = 10 : i32, message = "ep_run_kernel"}> : () -> ()
          "tpu.region"() ({
            %run_scoped3A_373 = tpu.sem_alloc : memref<!tpu.dma_semaphore, #tpu.memory_space<semaphore_mem>>
            %dma_start3A_374 = arith.constant 0 : i32
            %dma_start3A_375 = arith.constant 0 : i32
            %dma_start3A_376 = tpu.memref_slice %run_scoped3A_60[%rem3A_304, %dma_start3A_374, %dma_start3A_375] : memref<2x128x128xf32, #tpu.memory_space<vmem>> -> memref<1x128x128xf32, #tpu.memory_space<vmem>>
            %dma_start3A_377 = tpu.memref_squeeze %dma_start3A_376 : memref<1x128x128xf32, #tpu.memory_space<vmem>> -> memref<128x128xf32, #tpu.memory_space<vmem>>
            %dma_start3A_378 = arith.constant 0 : i32
            %dma_start3A_379 = arith.constant 0 : i32
            %dma_start3A_380 = tpu.memref_slice %run_scoped3A[%rem3A_302, %dma_start3A_378, %dma_start3A_379] : memref<2x1x128xi32, #tpu.memory_space<vmem>> -> memref<1x1x128xi32, #tpu.memory_space<vmem>>
            %dma_start3A_381 = tpu.memref_squeeze %dma_start3A_380 : memref<1x1x128xi32, #tpu.memory_space<vmem>> -> memref<1x128xi32, #tpu.memory_space<vmem>>
            %dma_start3A_382 = arith.constant 0 : i32
            %dma_start3A_383 = tpu.memref_slice %dma_start3A_381[%run_scoped3A_305, %dma_start3A_382] : memref<1x128xi32, #tpu.memory_space<vmem>> -> memref<1x128xi32, #tpu.memory_space<vmem>>
            %dma_start3A_384 = tpu.memref_squeeze %dma_start3A_383 : memref<1x128xi32, #tpu.memory_space<vmem>> -> memref<128xi32, #tpu.memory_space<vmem>>
            %dma_start3A_385 = arith.constant 0 : i32
            %dma_start3A_386 = arith.constant 0 : i32
            %dma_start3A_387 = tpu.memref_slice %arg6[%dma_start3A_385, %dma_start3A_386] : memref<10000x128xf32, #tpu.memory_space<vmem_shared>> -> memref<10000x128xf32, #tpu.memory_space<vmem_shared>>
            tpu.enqueue_indirect_dma source(%dma_start3A_377 : memref<128x128xf32, #tpu.memory_space<vmem>>) target(%dma_start3A_387 : memref<10000x128xf32, #tpu.memory_space<vmem_shared>>) offsets(%dma_start3A_384 : memref<128xi32, #tpu.memory_space<vmem>>) semaphore(%run_scoped3A_373 : memref<!tpu.dma_semaphore, #tpu.memory_space<semaphore_mem>>) {add = true}
            %dma_wait3A = arith.constant 0 : i32
            %dma_wait3A_388 = arith.constant 0 : i32
            %dma_wait3A_389 = tpu.memref_slice %run_scoped3A_60[%rem3A_304, %dma_wait3A, %dma_wait3A_388] : memref<2x128x128xf32, #tpu.memory_space<vmem>> -> memref<1x128x128xf32, #tpu.memory_space<vmem>>
            %dma_wait3A_390 = tpu.memref_squeeze %dma_wait3A_389 : memref<1x128x128xf32, #tpu.memory_space<vmem>> -> memref<128x128xf32, #tpu.memory_space<vmem>>
            %dma_wait3A_391 = arith.constant 0 : i32
            %dma_wait3A_392 = arith.constant 0 : i32
            %dma_wait3A_393 = tpu.memref_slice %run_scoped3A[%rem3A_302, %dma_wait3A_391, %dma_wait3A_392] : memref<2x1x128xi32, #tpu.memory_space<vmem>> -> memref<1x1x128xi32, #tpu.memory_space<vmem>>
            %dma_wait3A_394 = tpu.memref_squeeze %dma_wait3A_393 : memref<1x1x128xi32, #tpu.memory_space<vmem>> -> memref<1x128xi32, #tpu.memory_space<vmem>>
            %dma_wait3A_395 = arith.constant 0 : i32
            %dma_wait3A_396 = tpu.memref_slice %dma_wait3A_394[%run_scoped3A_305, %dma_wait3A_395] : memref<1x128xi32, #tpu.memory_space<vmem>> -> memref<1x128xi32, #tpu.memory_space<vmem>>
            %dma_wait3A_397 = tpu.memref_squeeze %dma_wait3A_396 : memref<1x128xi32, #tpu.memory_space<vmem>> -> memref<128xi32, #tpu.memory_space<vmem>>
            %dma_wait3A_398 = arith.constant 0 : i32
            %dma_wait3A_399 = arith.constant 0 : i32
            %dma_wait3A_400 = tpu.memref_slice %arg6[%dma_wait3A_398, %dma_wait3A_399] : memref<10000x128xf32, #tpu.memory_space<vmem_shared>> -> memref<10000x128xf32, #tpu.memory_space<vmem_shared>>
            tpu.wait_indirect_dma semaphore(%run_scoped3A_373 : memref<!tpu.dma_semaphore, #tpu.memory_space<semaphore_mem>>) src(%dma_wait3A_390 : memref<128x128xf32, #tpu.memory_space<vmem>>) dst(%dma_wait3A_400 : memref<10000x128xf32, #tpu.memory_space<vmem_shared>>)
            tpu.yield
          }) : () -> ()
          "tpu.trace_stop"() : () -> ()
          %ne3A_306 = arith.cmpi ne, %add3A_223, %add3A_241 : i32
          %or3A_307 = arith.constant false
          %or3A_308 = arith.ori %or3A_307, %ne3A_306 : i1
          %or3A_309 = arith.ori %or3A_308, %eq3A_222 : i1
          %convert_element_type3A_310 = arith.extui %or3A_309 : i1 to i32
          %cond3A_311 = arith.constant 0 : i32
          %cond3A_312 = arith.cmpi ne, %convert_element_type3A_310, %cond3A_311 : i32
          scf.if %cond3A_312 {
          } else {
          }
          %and3A_313 = arith.constant false
          %and3A_314 = arith.andi %or3A_309, %and3A_313 : i1
          %ne3A_315 = arith.cmpi ne, %add3A_223, %add3A_241 : i32
          %or3A_316 = arith.constant false
          %or3A_317 = arith.ori %or3A_316, %ne3A_315 : i1
          %or3A_318 = arith.constant false
          %or3A_319 = arith.ori %or3A_317, %or3A_318 : i1
          %or3A_320 = arith.ori %or3A_319, %eq3A_222 : i1
          %convert_element_type3A_321 = arith.extui %or3A_320 : i1 to i32
          %cond3A_322 = arith.constant 0 : i32
          %cond3A_323 = arith.cmpi ne, %convert_element_type3A_321, %cond3A_322 : i32
          scf.if %cond3A_323 {
          } else {
          }
          %and3A_324 = arith.constant false
          %and3A_325 = arith.andi %or3A_320, %and3A_324 : i1
          %ne3A_326 = arith.cmpi ne, %add3A_223, %add3A_233 : i32
          %or3A_327 = arith.constant false
          %or3A_328 = arith.ori %or3A_327, %ne3A_326 : i1
          %not3A_329 = arith.constant true
          %not3A_330 = arith.xori %eq3A_219, %not3A_329 : i1
          %and3A_331 = arith.andi %or3A_328, %not3A_330 : i1
          %convert_element_type3A_332 = arith.extui %and3A_331 : i1 to i32
          %cond3A_333 = arith.constant 0 : i32
          %cond3A_334 = arith.cmpi ne, %convert_element_type3A_332, %cond3A_333 : i32
          scf.if %cond3A_334 {
          } else {
          }
          %and3A_335 = arith.constant false
          %and3A_336 = arith.andi %and3A_331, %and3A_335 : i1
          %ne3A_337 = arith.cmpi ne, %add3A_223, %add3A_233 : i32
          %or3A_338 = arith.constant false
          %or3A_339 = arith.ori %or3A_338, %ne3A_337 : i1
          %or3A_340 = arith.constant false
          %or3A_341 = arith.ori %or3A_339, %or3A_340 : i1
          %not3A_342 = arith.constant true
          %not3A_343 = arith.xori %eq3A_219, %not3A_342 : i1
          %and3A_344 = arith.andi %or3A_341, %not3A_343 : i1
          %convert_element_type3A_345 = arith.extui %and3A_344 : i1 to i32
          %cond3A_346 = arith.constant 0 : i32
          %cond3A_347 = arith.cmpi ne, %convert_element_type3A_345, %cond3A_346 : i32
          scf.if %cond3A_347 {
          } else {
          }
          %and3A_348 = arith.constant false
          %and3A_349 = arith.andi %and3A_344, %and3A_348 : i1
          %ne3A_350 = arith.cmpi ne, %add3A_223, %add3A_241 : i32
          %or3A_351 = arith.constant false
          %or3A_352 = arith.ori %or3A_351, %ne3A_350 : i1
          %or3A_353 = arith.ori %or3A_352, %eq3A_222 : i1
          %add3A_354 = arith.constant 1 : i32
          %add3A_355 = arith.addi %while3A_212, %add3A_354 : i32
          %select_n3A_356 = arith.select %or3A_353, %add3A_355, %while3A_212 : i32
          %ne3A_357 = arith.cmpi ne, %add3A_223, %add3A_241 : i32
          %or3A_358 = arith.constant false
          %or3A_359 = arith.ori %or3A_358, %ne3A_357 : i1
          %or3A_360 = arith.constant false
          %or3A_361 = arith.ori %or3A_359, %or3A_360 : i1
          %or3A_362 = arith.ori %or3A_361, %eq3A_222 : i1
          %add3A_363 = arith.constant 1 : i32
          %add3A_364 = arith.addi %while3A_214, %add3A_363 : i32
          %select_n3A_365 = arith.select %or3A_362, %add3A_364, %while3A_214 : i32
          %add3A_366 = arith.constant 1 : i32
          %add3A_367 = arith.addi %while3A_215, %add3A_366 : i32
          %select_n3A_368 = arith.constant true
          %select_n3A_369 = arith.select %select_n3A_368, %add3A_367, %while3A_215 : i32
          %eq3A_370 = arith.cmpi eq, %select_n3A_369, %select_n3A : i32
          %select_n3A_371 = arith.constant 0 : i32
          %select_n3A_372 = arith.select %eq3A_370, %select_n3A_371, %select_n3A_369 : i32
          scf.yield %select_n3A_263, %select_n3A_356, %select_n3A_284, %select_n3A_365, %select_n3A_372 : i32, i32, i32, i32, i32
        }
        %while3A_157 = arith.constant 1 : i32
        %while3A_158:5 = scf.for %while3A_210 = %while3A_154 to %while3A_150 step %while3A_157 iter_args(%while3A_211 = %while3A_156#0, %while3A_212 = %while3A_156#1, %while3A_213 = %while3A_156#2, %while3A_214 = %while3A_156#3, %while3A_215 = %while3A_156#4) -> (i32, i32, i32, i32, i32)  : i32 {
          %mul3A_216 = arith.constant 1 : i32
          %mul3A_217 = arith.muli %mul3A_216, %select_n3A : i32
          %eq3A_218 = arith.constant 0 : i32
          %eq3A_219 = arith.cmpi eq, %while3A_210, %eq3A_218 : i32
          %sub3A_220 = arith.constant 1 : i32
          %sub3A_221 = arith.subi %mul3A_217, %sub3A_220 : i32
          %eq3A_222 = arith.cmpi eq, %while3A_210, %sub3A_221 : i32
          %add3A_223 = arith.addi %while3A_215, %select_n3A_35 : i32
          %sub3A_224 = arith.constant 1 : i32
          %sub3A_225 = arith.subi %while3A_215, %sub3A_224 : i32
          %select_n3A_226 = arith.constant true
          %select_n3A_227 = arith.select %select_n3A_226, %sub3A_225, %while3A_215 : i32
          %eq3A_228 = arith.constant -1 : i32
          %eq3A_229 = arith.cmpi eq, %select_n3A_227, %eq3A_228 : i32
          %sub3A_230 = arith.constant 1 : i32
          %sub3A_231 = arith.subi %select_n3A, %sub3A_230 : i32
          %select_n3A_232 = arith.select %eq3A_229, %sub3A_231, %select_n3A_227 : i32
          %add3A_233 = arith.addi %select_n3A_232, %select_n3A_35 : i32
          %add3A_234 = arith.constant 1 : i32
          %add3A_235 = arith.addi %while3A_215, %add3A_234 : i32
          %select_n3A_236 = arith.constant true
          %select_n3A_237 = arith.select %select_n3A_236, %add3A_235, %while3A_215 : i32
          %eq3A_238 = arith.cmpi eq, %select_n3A_237, %select_n3A : i32
          %select_n3A_239 = arith.constant 0 : i32
          %select_n3A_240 = arith.select %eq3A_238, %select_n3A_239, %select_n3A_237 : i32
          %add3A_241 = arith.addi %select_n3A_240, %select_n3A_35 : i32
          %add3A_242 = arith.constant 1 : i32
          %add3A_243 = arith.addi %select_n3A_240, %add3A_242 : i32
          %select_n3A_244 = arith.constant true
          %select_n3A_245 = arith.select %select_n3A_244, %add3A_243, %select_n3A_240 : i32
          %eq3A_246 = arith.cmpi eq, %select_n3A_245, %select_n3A : i32
          %select_n3A_247 = arith.constant 0 : i32
          %select_n3A_248 = arith.select %eq3A_246, %select_n3A_247, %select_n3A_245 : i32
          %add3A_249 = arith.addi %select_n3A_248, %select_n3A_35 : i32
          %ne3A = arith.cmpi ne, %add3A_223, %add3A_241 : i32
          %or3A = arith.constant false
          %or3A_250 = arith.ori %or3A, %ne3A : i1
          %sub3A_251 = arith.constant 2 : i32
          %sub3A_252 = arith.subi %mul3A_217, %sub3A_251 : i32
          %add3A_253 = arith.constant 1 : i32
          %add3A_254 = arith.addi %sub3A_252, %add3A_253 : i32
          %ge3A = arith.cmpi sge, %while3A_210, %add3A_254 : i32
          %not3A = arith.constant true
          %not3A_255 = arith.xori %ge3A, %not3A : i1
          %and3A = arith.andi %or3A_250, %not3A_255 : i1
          %convert_element_type3A_256 = arith.extui %and3A : i1 to i32
          %cond3A_257 = arith.constant 0 : i32
          %cond3A_258 = arith.cmpi ne, %convert_element_type3A_256, %cond3A_257 : i32
          scf.if %cond3A_258 {
            "tpu.trace_start"() <{level = 10 : i32, message = "ep_copy_in"}> : () -> ()
            %rem3A_373 = arith.constant 2 : i32
            %rem3A_374 = arith.remui %while3A_211, %rem3A_373 : i32
            %mul3A_375 = arith.constant 128 : i32
            %mul3A_376 = arith.muli %mul3A_375, %add3A_241 : i32
            %dma_start3A_377 = arith.constant 0 : i32
            %dma_start3A_378 = arith.constant 0 : i32
            %dma_start3A_379 = tpu.memref_slice %run_scoped3A[%rem3A_374, %dma_start3A_377, %dma_start3A_378] : memref<2x1x128xi32, #tpu.memory_space<vmem>> -> memref<1x1x128xi32, #tpu.memory_space<vmem>>
            %dma_start3A_380 = tpu.memref_squeeze %dma_start3A_379 : memref<1x1x128xi32, #tpu.memory_space<vmem>> -> memref<1x128xi32, #tpu.memory_space<vmem>>
            %dma_start3A_381 = arith.constant 0 : i32
            %dma_start3A_382 = tpu.memref_slice %arg3[%dma_start3A_381, %mul3A_376] : memref<1x320000xi32, #tpu.memory_space<hbm>> -> memref<1x128xi32, #tpu.memory_space<hbm>>
            %dma_start3A_383 = tpu.memref_slice %run_scoped3A_59[%rem3A_374] : memref<2x!tpu.dma_semaphore, #tpu.memory_space<semaphore_mem>> -> memref<1x!tpu.dma_semaphore, #tpu.memory_space<semaphore_mem>>
            %dma_start3A_384 = tpu.memref_squeeze %dma_start3A_383 : memref<1x!tpu.dma_semaphore, #tpu.memory_space<semaphore_mem>> -> memref<!tpu.dma_semaphore, #tpu.memory_space<semaphore_mem>>
            %dma_start3A_385 = arith.constant 0 : i32
            %dma_start3A_386 = arith.constant 0 : i32
            %dma_start3A_387 = tpu.memref_slice %run_scoped3A[%rem3A_374, %dma_start3A_385, %dma_start3A_386] : memref<2x1x128xi32, #tpu.memory_space<vmem>> -> memref<1x1x128xi32, #tpu.memory_space<vmem>>
            %dma_start3A_388 = tpu.memref_squeeze %dma_start3A_387 : memref<1x1x128xi32, #tpu.memory_space<vmem>> -> memref<1x128xi32, #tpu.memory_space<vmem>>
            %dma_start3A_389 = arith.constant 0 : i32
            %dma_start3A_390 = tpu.memref_slice %arg3[%dma_start3A_389, %mul3A_376] : memref<1x320000xi32, #tpu.memory_space<hbm>> -> memref<1x128xi32, #tpu.memory_space<hbm>>
            tpu.enqueue_dma source(%dma_start3A_390 : memref<1x128xi32, #tpu.memory_space<hbm>>) target(%dma_start3A_388 : memref<1x128xi32, #tpu.memory_space<vmem>>) target_semaphore(%dma_start3A_384 : memref<!tpu.dma_semaphore, #tpu.memory_space<semaphore_mem>>)
            "tpu.trace_stop"() : () -> ()
          } else {
          }
          %and3A_259 = arith.constant true
          %and3A_260 = arith.andi %and3A, %and3A_259 : i1
          %add3A_261 = arith.constant 1 : i32
          %add3A_262 = arith.addi %while3A_211, %add3A_261 : i32
          %select_n3A_263 = arith.select %and3A_260, %add3A_262, %while3A_211 : i32
          %ne3A_264 = arith.cmpi ne, %add3A_223, %add3A_241 : i32
          %or3A_265 = arith.constant false
          %or3A_266 = arith.ori %or3A_265, %ne3A_264 : i1
          %or3A_267 = arith.constant false
          %or3A_268 = arith.ori %or3A_266, %or3A_267 : i1
          %sub3A_269 = arith.constant 2 : i32
          %sub3A_270 = arith.subi %mul3A_217, %sub3A_269 : i32
          %add3A_271 = arith.constant 1 : i32
          %add3A_272 = arith.addi %sub3A_270, %add3A_271 : i32
          %ge3A_273 = arith.cmpi sge, %while3A_210, %add3A_272 : i32
          %not3A_274 = arith.constant true
          %not3A_275 = arith.xori %ge3A_273, %not3A_274 : i1
          %and3A_276 = arith.andi %or3A_268, %not3A_275 : i1
          %convert_element_type3A_277 = arith.extui %and3A_276 : i1 to i32
          %cond3A_278 = arith.constant 0 : i32
          %cond3A_279 = arith.cmpi ne, %convert_element_type3A_277, %cond3A_278 : i32
          scf.if %cond3A_279 {
            "tpu.trace_start"() <{level = 10 : i32, message = "ep_copy_in"}> : () -> ()
            %rem3A_373 = arith.constant 2 : i32
            %rem3A_374 = arith.remui %while3A_213, %rem3A_373 : i32
            %mul3A_375 = arith.constant 128 : i32
            %mul3A_376 = arith.muli %mul3A_375, %add3A_241 : i32
            %dma_start3A_377 = arith.constant 0 : i32
            %dma_start3A_378 = arith.constant 0 : i32
            %dma_start3A_379 = tpu.memref_slice %run_scoped3A_60[%rem3A_374, %dma_start3A_377, %dma_start3A_378] : memref<2x128x128xf32, #tpu.memory_space<vmem>> -> memref<1x128x128xf32, #tpu.memory_space<vmem>>
            %dma_start3A_380 = tpu.memref_squeeze %dma_start3A_379 : memref<1x128x128xf32, #tpu.memory_space<vmem>> -> memref<128x128xf32, #tpu.memory_space<vmem>>
            %dma_start3A_381 = arith.constant 0 : i32
            %dma_start3A_382 = tpu.memref_slice %arg2[%mul3A_376, %dma_start3A_381] : memref<320000x128xf32, #tpu.memory_space<hbm>> -> memref<128x128xf32, #tpu.memory_space<hbm>>
            %dma_start3A_383 = tpu.memref_slice %run_scoped3A_61[%rem3A_374] : memref<2x!tpu.dma_semaphore, #tpu.memory_space<semaphore_mem>> -> memref<1x!tpu.dma_semaphore, #tpu.memory_space<semaphore_mem>>
            %dma_start3A_384 = tpu.memref_squeeze %dma_start3A_383 : memref<1x!tpu.dma_semaphore, #tpu.memory_space<semaphore_mem>> -> memref<!tpu.dma_semaphore, #tpu.memory_space<semaphore_mem>>
            %dma_start3A_385 = arith.constant 0 : i32
            %dma_start3A_386 = arith.constant 0 : i32
            %dma_start3A_387 = tpu.memref_slice %run_scoped3A_60[%rem3A_374, %dma_start3A_385, %dma_start3A_386] : memref<2x128x128xf32, #tpu.memory_space<vmem>> -> memref<1x128x128xf32, #tpu.memory_space<vmem>>
            %dma_start3A_388 = tpu.memref_squeeze %dma_start3A_387 : memref<1x128x128xf32, #tpu.memory_space<vmem>> -> memref<128x128xf32, #tpu.memory_space<vmem>>
            %dma_start3A_389 = arith.constant 0 : i32
            %dma_start3A_390 = tpu.memref_slice %arg2[%mul3A_376, %dma_start3A_389] : memref<320000x128xf32, #tpu.memory_space<hbm>> -> memref<128x128xf32, #tpu.memory_space<hbm>>
            tpu.enqueue_dma source(%dma_start3A_390 : memref<128x128xf32, #tpu.memory_space<hbm>>) target(%dma_start3A_388 : memref<128x128xf32, #tpu.memory_space<vmem>>) target_semaphore(%dma_start3A_384 : memref<!tpu.dma_semaphore, #tpu.memory_space<semaphore_mem>>)
            "tpu.trace_stop"() : () -> ()
          } else {
          }
          %and3A_280 = arith.constant true
          %and3A_281 = arith.andi %and3A_276, %and3A_280 : i1
          %add3A_282 = arith.constant 1 : i32
          %add3A_283 = arith.addi %while3A_213, %add3A_282 : i32
          %select_n3A_284 = arith.select %and3A_281, %add3A_283, %while3A_213 : i32
          %ne3A_285 = arith.cmpi ne, %add3A_223, %add3A_233 : i32
          %or3A_286 = arith.constant false
          %or3A_287 = arith.ori %or3A_286, %ne3A_285 : i1
          %or3A_288 = arith.ori %or3A_287, %eq3A_219 : i1
          %convert_element_type3A_289 = arith.extui %or3A_288 : i1 to i32
          %cond3A_290 = arith.constant 0 : i32
          %cond3A_291 = arith.cmpi ne, %convert_element_type3A_289, %cond3A_290 : i32
          scf.if %cond3A_291 {
            "tpu.trace_start"() <{level = 10 : i32, message = "ep_wait_in"}> : () -> ()
            %mul3A_373 = arith.constant 128 : i32
            %mul3A_374 = arith.muli %mul3A_373, %add3A_223 : i32
            %rem3A_375 = arith.constant 2 : i32
            %rem3A_376 = arith.remui %while3A_212, %rem3A_375 : i32
            %dma_wait3A = arith.constant 0 : i32
            %dma_wait3A_377 = arith.constant 0 : i32
            %dma_wait3A_378 = tpu.memref_slice %run_scoped3A[%rem3A_376, %dma_wait3A, %dma_wait3A_377] : memref<2x1x128xi32, #tpu.memory_space<vmem>> -> memref<1x1x128xi32, #tpu.memory_space<vmem>>
            %dma_wait3A_379 = tpu.memref_squeeze %dma_wait3A_378 : memref<1x1x128xi32, #tpu.memory_space<vmem>> -> memref<1x128xi32, #tpu.memory_space<vmem>>
            %dma_wait3A_380 = arith.constant 0 : i32
            %dma_wait3A_381 = tpu.memref_slice %arg3[%dma_wait3A_380, %mul3A_374] : memref<1x320000xi32, #tpu.memory_space<hbm>> -> memref<1x128xi32, #tpu.memory_space<hbm>>
            %dma_wait3A_382 = tpu.memref_slice %run_scoped3A_59[%rem3A_376] : memref<2x!tpu.dma_semaphore, #tpu.memory_space<semaphore_mem>> -> memref<1x!tpu.dma_semaphore, #tpu.memory_space<semaphore_mem>>
            %dma_wait3A_383 = tpu.memref_squeeze %dma_wait3A_382 : memref<1x!tpu.dma_semaphore, #tpu.memory_space<semaphore_mem>> -> memref<!tpu.dma_semaphore, #tpu.memory_space<semaphore_mem>>
            %dma_wait3A_384 = arith.constant 0 : i32
            %dma_wait3A_385 = arith.constant 0 : i32
            %dma_wait3A_386 = tpu.memref_slice %run_scoped3A[%rem3A_376, %dma_wait3A_384, %dma_wait3A_385] : memref<2x1x128xi32, #tpu.memory_space<vmem>> -> memref<1x1x128xi32, #tpu.memory_space<vmem>>
            %dma_wait3A_387 = tpu.memref_squeeze %dma_wait3A_386 : memref<1x1x128xi32, #tpu.memory_space<vmem>> -> memref<1x128xi32, #tpu.memory_space<vmem>>
            %dma_wait3A_388 = arith.constant 0 : i32
            %dma_wait3A_389 = tpu.memref_slice %arg3[%dma_wait3A_388, %mul3A_374] : memref<1x320000xi32, #tpu.memory_space<hbm>> -> memref<1x128xi32, #tpu.memory_space<hbm>>
            tpu.wait_dma2 semaphore(%dma_wait3A_383 : memref<!tpu.dma_semaphore, #tpu.memory_space<semaphore_mem>>) src(%dma_wait3A_389 : memref<1x128xi32, #tpu.memory_space<hbm>>) dst(%dma_wait3A_387 : memref<1x128xi32, #tpu.memory_space<vmem>>)
            "tpu.trace_stop"() : () -> ()
          } else {
          }
          %ne3A_292 = arith.cmpi ne, %add3A_223, %add3A_233 : i32
          %or3A_293 = arith.constant false
          %or3A_294 = arith.ori %or3A_293, %ne3A_292 : i1
          %or3A_295 = arith.constant false
          %or3A_296 = arith.ori %or3A_294, %or3A_295 : i1
          %or3A_297 = arith.ori %or3A_296, %eq3A_219 : i1
          %convert_element_type3A_298 = arith.extui %or3A_297 : i1 to i32
          %cond3A_299 = arith.constant 0 : i32
          %cond3A_300 = arith.cmpi ne, %convert_element_type3A_298, %cond3A_299 : i32
          scf.if %cond3A_300 {
            "tpu.trace_start"() <{level = 10 : i32, message = "ep_wait_in"}> : () -> ()
            %mul3A_373 = arith.constant 128 : i32
            %mul3A_374 = arith.muli %mul3A_373, %add3A_223 : i32
            %rem3A_375 = arith.constant 2 : i32
            %rem3A_376 = arith.remui %while3A_214, %rem3A_375 : i32
            %dma_wait3A = arith.constant 0 : i32
            %dma_wait3A_377 = arith.constant 0 : i32
            %dma_wait3A_378 = tpu.memref_slice %run_scoped3A_60[%rem3A_376, %dma_wait3A, %dma_wait3A_377] : memref<2x128x128xf32, #tpu.memory_space<vmem>> -> memref<1x128x128xf32, #tpu.memory_space<vmem>>
            %dma_wait3A_379 = tpu.memref_squeeze %dma_wait3A_378 : memref<1x128x128xf32, #tpu.memory_space<vmem>> -> memref<128x128xf32, #tpu.memory_space<vmem>>
            %dma_wait3A_380 = arith.constant 0 : i32
            %dma_wait3A_381 = tpu.memref_slice %arg2[%mul3A_374, %dma_wait3A_380] : memref<320000x128xf32, #tpu.memory_space<hbm>> -> memref<128x128xf32, #tpu.memory_space<hbm>>
            %dma_wait3A_382 = tpu.memref_slice %run_scoped3A_61[%rem3A_376] : memref<2x!tpu.dma_semaphore, #tpu.memory_space<semaphore_mem>> -> memref<1x!tpu.dma_semaphore, #tpu.memory_space<semaphore_mem>>
            %dma_wait3A_383 = tpu.memref_squeeze %dma_wait3A_382 : memref<1x!tpu.dma_semaphore, #tpu.memory_space<semaphore_mem>> -> memref<!tpu.dma_semaphore, #tpu.memory_space<semaphore_mem>>
            %dma_wait3A_384 = arith.constant 0 : i32
            %dma_wait3A_385 = arith.constant 0 : i32
            %dma_wait3A_386 = tpu.memref_slice %run_scoped3A_60[%rem3A_376, %dma_wait3A_384, %dma_wait3A_385] : memref<2x128x128xf32, #tpu.memory_space<vmem>> -> memref<1x128x128xf32, #tpu.memory_space<vmem>>
            %dma_wait3A_387 = tpu.memref_squeeze %dma_wait3A_386 : memref<1x128x128xf32, #tpu.memory_space<vmem>> -> memref<128x128xf32, #tpu.memory_space<vmem>>
            %dma_wait3A_388 = arith.constant 0 : i32
            %dma_wait3A_389 = tpu.memref_slice %arg2[%mul3A_374, %dma_wait3A_388] : memref<320000x128xf32, #tpu.memory_space<hbm>> -> memref<128x128xf32, #tpu.memory_space<hbm>>
            tpu.wait_dma2 semaphore(%dma_wait3A_383 : memref<!tpu.dma_semaphore, #tpu.memory_space<semaphore_mem>>) src(%dma_wait3A_389 : memref<128x128xf32, #tpu.memory_space<hbm>>) dst(%dma_wait3A_387 : memref<128x128xf32, #tpu.memory_space<vmem>>)
            "tpu.trace_stop"() : () -> ()
          } else {
          }
          %rem3A_301 = arith.constant 2 : i32
          %rem3A_302 = arith.remui %while3A_212, %rem3A_301 : i32
          %rem3A_303 = arith.constant 2 : i32
          %rem3A_304 = arith.remui %while3A_214, %rem3A_303 : i32
          %run_scoped3A_305 = arith.constant 0 : i32
          "tpu.trace_start"() <{level = 10 : i32, message = "ep_run_kernel"}> : () -> ()
          "tpu.region"() ({
            %run_scoped3A_373 = tpu.sem_alloc : memref<!tpu.dma_semaphore, #tpu.memory_space<semaphore_mem>>
            %dma_start3A_374 = arith.constant 0 : i32
            %dma_start3A_375 = arith.constant 0 : i32
            %dma_start3A_376 = tpu.memref_slice %run_scoped3A_60[%rem3A_304, %dma_start3A_374, %dma_start3A_375] : memref<2x128x128xf32, #tpu.memory_space<vmem>> -> memref<1x128x128xf32, #tpu.memory_space<vmem>>
            %dma_start3A_377 = tpu.memref_squeeze %dma_start3A_376 : memref<1x128x128xf32, #tpu.memory_space<vmem>> -> memref<128x128xf32, #tpu.memory_space<vmem>>
            %dma_start3A_378 = arith.constant 0 : i32
            %dma_start3A_379 = arith.constant 0 : i32
            %dma_start3A_380 = tpu.memref_slice %run_scoped3A[%rem3A_302, %dma_start3A_378, %dma_start3A_379] : memref<2x1x128xi32, #tpu.memory_space<vmem>> -> memref<1x1x128xi32, #tpu.memory_space<vmem>>
            %dma_start3A_381 = tpu.memref_squeeze %dma_start3A_380 : memref<1x1x128xi32, #tpu.memory_space<vmem>> -> memref<1x128xi32, #tpu.memory_space<vmem>>
            %dma_start3A_382 = arith.constant 0 : i32
            %dma_start3A_383 = tpu.memref_slice %dma_start3A_381[%run_scoped3A_305, %dma_start3A_382] : memref<1x128xi32, #tpu.memory_space<vmem>> -> memref<1x128xi32, #tpu.memory_space<vmem>>
            %dma_start3A_384 = tpu.memref_squeeze %dma_start3A_383 : memref<1x128xi32, #tpu.memory_space<vmem>> -> memref<128xi32, #tpu.memory_space<vmem>>
            %dma_start3A_385 = arith.constant 0 : i32
            %dma_start3A_386 = arith.constant 0 : i32
            %dma_start3A_387 = tpu.memref_slice %arg6[%dma_start3A_385, %dma_start3A_386] : memref<10000x128xf32, #tpu.memory_space<vmem_shared>> -> memref<10000x128xf32, #tpu.memory_space<vmem_shared>>
            tpu.enqueue_indirect_dma source(%dma_start3A_377 : memref<128x128xf32, #tpu.memory_space<vmem>>) target(%dma_start3A_387 : memref<10000x128xf32, #tpu.memory_space<vmem_shared>>) offsets(%dma_start3A_384 : memref<128xi32, #tpu.memory_space<vmem>>) semaphore(%run_scoped3A_373 : memref<!tpu.dma_semaphore, #tpu.memory_space<semaphore_mem>>) {add = true}
            %dma_wait3A = arith.constant 0 : i32
            %dma_wait3A_388 = arith.constant 0 : i32
            %dma_wait3A_389 = tpu.memref_slice %run_scoped3A_60[%rem3A_304, %dma_wait3A, %dma_wait3A_388] : memref<2x128x128xf32, #tpu.memory_space<vmem>> -> memref<1x128x128xf32, #tpu.memory_space<vmem>>
            %dma_wait3A_390 = tpu.memref_squeeze %dma_wait3A_389 : memref<1x128x128xf32, #tpu.memory_space<vmem>> -> memref<128x128xf32, #tpu.memory_space<vmem>>
            %dma_wait3A_391 = arith.constant 0 : i32
            %dma_wait3A_392 = arith.constant 0 : i32
            %dma_wait3A_393 = tpu.memref_slice %run_scoped3A[%rem3A_302, %dma_wait3A_391, %dma_wait3A_392] : memref<2x1x128xi32, #tpu.memory_space<vmem>> -> memref<1x1x128xi32, #tpu.memory_space<vmem>>
            %dma_wait3A_394 = tpu.memref_squeeze %dma_wait3A_393 : memref<1x1x128xi32, #tpu.memory_space<vmem>> -> memref<1x128xi32, #tpu.memory_space<vmem>>
            %dma_wait3A_395 = arith.constant 0 : i32
            %dma_wait3A_396 = tpu.memref_slice %dma_wait3A_394[%run_scoped3A_305, %dma_wait3A_395] : memref<1x128xi32, #tpu.memory_space<vmem>> -> memref<1x128xi32, #tpu.memory_space<vmem>>
            %dma_wait3A_397 = tpu.memref_squeeze %dma_wait3A_396 : memref<1x128xi32, #tpu.memory_space<vmem>> -> memref<128xi32, #tpu.memory_space<vmem>>
            %dma_wait3A_398 = arith.constant 0 : i32
            %dma_wait3A_399 = arith.constant 0 : i32
            %dma_wait3A_400 = tpu.memref_slice %arg6[%dma_wait3A_398, %dma_wait3A_399] : memref<10000x128xf32, #tpu.memory_space<vmem_shared>> -> memref<10000x128xf32, #tpu.memory_space<vmem_shared>>
            tpu.wait_indirect_dma semaphore(%run_scoped3A_373 : memref<!tpu.dma_semaphore, #tpu.memory_space<semaphore_mem>>) src(%dma_wait3A_390 : memref<128x128xf32, #tpu.memory_space<vmem>>) dst(%dma_wait3A_400 : memref<10000x128xf32, #tpu.memory_space<vmem_shared>>)
            tpu.yield
          }) : () -> ()
          "tpu.trace_stop"() : () -> ()
          %ne3A_306 = arith.cmpi ne, %add3A_223, %add3A_241 : i32
          %or3A_307 = arith.constant false
          %or3A_308 = arith.ori %or3A_307, %ne3A_306 : i1
          %or3A_309 = arith.ori %or3A_308, %eq3A_222 : i1
          %convert_element_type3A_310 = arith.extui %or3A_309 : i1 to i32
          %cond3A_311 = arith.constant 0 : i32
          %cond3A_312 = arith.cmpi ne, %convert_element_type3A_310, %cond3A_311 : i32
          scf.if %cond3A_312 {
          } else {
          }
          %and3A_313 = arith.constant false
          %and3A_314 = arith.andi %or3A_309, %and3A_313 : i1
          %ne3A_315 = arith.cmpi ne, %add3A_223, %add3A_241 : i32
          %or3A_316 = arith.constant false
          %or3A_317 = arith.ori %or3A_316, %ne3A_315 : i1
          %or3A_318 = arith.constant false
          %or3A_319 = arith.ori %or3A_317, %or3A_318 : i1
          %or3A_320 = arith.ori %or3A_319, %eq3A_222 : i1
          %convert_element_type3A_321 = arith.extui %or3A_320 : i1 to i32
          %cond3A_322 = arith.constant 0 : i32
          %cond3A_323 = arith.cmpi ne, %convert_element_type3A_321, %cond3A_322 : i32
          scf.if %cond3A_323 {
          } else {
          }
          %and3A_324 = arith.constant false
          %and3A_325 = arith.andi %or3A_320, %and3A_324 : i1
          %ne3A_326 = arith.cmpi ne, %add3A_223, %add3A_233 : i32
          %or3A_327 = arith.constant false
          %or3A_328 = arith.ori %or3A_327, %ne3A_326 : i1
          %not3A_329 = arith.constant true
          %not3A_330 = arith.xori %eq3A_219, %not3A_329 : i1
          %and3A_331 = arith.andi %or3A_328, %not3A_330 : i1
          %convert_element_type3A_332 = arith.extui %and3A_331 : i1 to i32
          %cond3A_333 = arith.constant 0 : i32
          %cond3A_334 = arith.cmpi ne, %convert_element_type3A_332, %cond3A_333 : i32
          scf.if %cond3A_334 {
          } else {
          }
          %and3A_335 = arith.constant false
          %and3A_336 = arith.andi %and3A_331, %and3A_335 : i1
          %ne3A_337 = arith.cmpi ne, %add3A_223, %add3A_233 : i32
          %or3A_338 = arith.constant false
          %or3A_339 = arith.ori %or3A_338, %ne3A_337 : i1
          %or3A_340 = arith.constant false
          %or3A_341 = arith.ori %or3A_339, %or3A_340 : i1
          %not3A_342 = arith.constant true
          %not3A_343 = arith.xori %eq3A_219, %not3A_342 : i1
          %and3A_344 = arith.andi %or3A_341, %not3A_343 : i1
          %convert_element_type3A_345 = arith.extui %and3A_344 : i1 to i32
          %cond3A_346 = arith.constant 0 : i32
          %cond3A_347 = arith.cmpi ne, %convert_element_type3A_345, %cond3A_346 : i32
          scf.if %cond3A_347 {
          } else {
          }
          %and3A_348 = arith.constant false
          %and3A_349 = arith.andi %and3A_344, %and3A_348 : i1
          %ne3A_350 = arith.cmpi ne, %add3A_223, %add3A_241 : i32
          %or3A_351 = arith.constant false
          %or3A_352 = arith.ori %or3A_351, %ne3A_350 : i1
          %or3A_353 = arith.ori %or3A_352, %eq3A_222 : i1
          %add3A_354 = arith.constant 1 : i32
          %add3A_355 = arith.addi %while3A_212, %add3A_354 : i32
          %select_n3A_356 = arith.select %or3A_353, %add3A_355, %while3A_212 : i32
          %ne3A_357 = arith.cmpi ne, %add3A_223, %add3A_241 : i32
          %or3A_358 = arith.constant false
          %or3A_359 = arith.ori %or3A_358, %ne3A_357 : i1
          %or3A_360 = arith.constant false
          %or3A_361 = arith.ori %or3A_359, %or3A_360 : i1
          %or3A_362 = arith.ori %or3A_361, %eq3A_222 : i1
          %add3A_363 = arith.constant 1 : i32
          %add3A_364 = arith.addi %while3A_214, %add3A_363 : i32
          %select_n3A_365 = arith.select %or3A_362, %add3A_364, %while3A_214 : i32
          %add3A_366 = arith.constant 1 : i32
          %add3A_367 = arith.addi %while3A_215, %add3A_366 : i32
          %select_n3A_368 = arith.constant true
          %select_n3A_369 = arith.select %select_n3A_368, %add3A_367, %while3A_215 : i32
          %eq3A_370 = arith.cmpi eq, %select_n3A_369, %select_n3A : i32
          %select_n3A_371 = arith.constant 0 : i32
          %select_n3A_372 = arith.select %eq3A_370, %select_n3A_371, %select_n3A_369 : i32
          scf.yield %select_n3A_263, %select_n3A_356, %select_n3A_284, %select_n3A_365, %select_n3A_372 : i32, i32, i32, i32, i32
        }
        %sub3A_159 = arith.constant 1 : i32
        %sub3A_160 = arith.subi %while3A_158#4, %sub3A_159 : i32
        %select_n3A_161 = arith.constant true
        %select_n3A_162 = arith.select %select_n3A_161, %sub3A_160, %while3A_158#4 : i32
        %eq3A_163 = arith.constant -1 : i32
        %eq3A_164 = arith.cmpi eq, %select_n3A_162, %eq3A_163 : i32
        %sub3A_165 = arith.constant 1 : i32
        %sub3A_166 = arith.subi %select_n3A, %sub3A_165 : i32
        %select_n3A_167 = arith.select %eq3A_164, %sub3A_166, %select_n3A_162 : i32
        %sub3A_168 = arith.constant 1 : i32
        %sub3A_169 = arith.subi %mul3A_37, %sub3A_168 : i32
        %mul3A_170 = arith.constant 1 : i32
        %mul3A_171 = arith.muli %mul3A_170, %select_n3A : i32
        %eq3A_172 = arith.constant 0 : i32
        %eq3A_173 = arith.cmpi eq, %sub3A_169, %eq3A_172 : i32
        %sub3A_174 = arith.constant 1 : i32
        %sub3A_175 = arith.subi %mul3A_171, %sub3A_174 : i32
        %eq3A_176 = arith.cmpi eq, %sub3A_169, %sub3A_175 : i32
        %add3A_177 = arith.addi %select_n3A_167, %select_n3A_35 : i32
        %sub3A_178 = arith.constant 1 : i32
        %sub3A_179 = arith.subi %select_n3A_167, %sub3A_178 : i32
        %select_n3A_180 = arith.constant true
        %select_n3A_181 = arith.select %select_n3A_180, %sub3A_179, %select_n3A_167 : i32
        %eq3A_182 = arith.constant -1 : i32
        %eq3A_183 = arith.cmpi eq, %select_n3A_181, %eq3A_182 : i32
        %sub3A_184 = arith.constant 1 : i32
        %sub3A_185 = arith.subi %select_n3A, %sub3A_184 : i32
        %select_n3A_186 = arith.select %eq3A_183, %sub3A_185, %select_n3A_181 : i32
        %add3A_187 = arith.addi %select_n3A_186, %select_n3A_35 : i32
        %add3A_188 = arith.constant 1 : i32
        %add3A_189 = arith.addi %select_n3A_167, %add3A_188 : i32
        %select_n3A_190 = arith.constant true
        %select_n3A_191 = arith.select %select_n3A_190, %add3A_189, %select_n3A_167 : i32
        %eq3A_192 = arith.cmpi eq, %select_n3A_191, %select_n3A : i32
        %select_n3A_193 = arith.constant 0 : i32
        %select_n3A_194 = arith.select %eq3A_192, %select_n3A_193, %select_n3A_191 : i32
        %add3A_195 = arith.addi %select_n3A_194, %select_n3A_35 : i32
        %add3A_196 = arith.constant 1 : i32
        %add3A_197 = arith.addi %select_n3A_194, %add3A_196 : i32
        %select_n3A_198 = arith.constant true
        %select_n3A_199 = arith.select %select_n3A_198, %add3A_197, %select_n3A_194 : i32
        %eq3A_200 = arith.cmpi eq, %select_n3A_199, %select_n3A : i32
        %select_n3A_201 = arith.constant 0 : i32
        %select_n3A_202 = arith.select %eq3A_200, %select_n3A_201, %select_n3A_199 : i32
        %add3A_203 = arith.addi %select_n3A_202, %select_n3A_35 : i32
        %convert_element_type3A_204 = arith.extui %eq3A_176 : i1 to i32
        %cond3A_205 = arith.constant 0 : i32
        %cond3A_206 = arith.cmpi ne, %convert_element_type3A_204, %cond3A_205 : i32
        scf.if %cond3A_206 {
        } else {
        }
        %convert_element_type3A_207 = arith.extui %eq3A_176 : i1 to i32
        %cond3A_208 = arith.constant 0 : i32
        %cond3A_209 = arith.cmpi ne, %convert_element_type3A_207, %cond3A_208 : i32
        scf.if %cond3A_209 {
        } else {
        }
      } else {
      }
      tpu.yield
    }) : () -> ()
    %barrier3A_38 = arith.constant 0 : index
    tpu.barrier barrier_id(%barrier3A_38)
    %mul3A_39 = arith.constant 80 : i32
    %mul3A_40 = arith.muli %arg1, %mul3A_39 : i32
    %sub3A_41 = arith.constant 10000 : i32
    %sub3A_42 = arith.subi %sub3A_41, %mul3A_40 : i32
    %sub3A_43 = arith.constant 1280 : i32
    %sub3A_44 = arith.constant 1 : i32
    %sub3A_45 = arith.subi %sub3A_43, %sub3A_44 : i32
    %add3A_46 = arith.addi %sub3A_42, %sub3A_45 : i32
    %div3A_47 = arith.constant 1280 : i32
    %div3A_48 = arith.divsi %add3A_46, %div3A_47 : i32
    %while3A_49 = arith.constant 1280 : i32
    %while3A_50 = arith.constant 0 : i32
    %while3A_51 = arith.subi %div3A_48, %while3A_50 : i32
    %while3A_52 = arith.addi %while3A_50, %while3A_51 : i32
    %while3A_53 = arith.constant 1 : i32
    %while3A_54 = arith.divsi %while3A_51, %while3A_53 : i32
    %while3A_55 = arith.muli %while3A_54, %while3A_53 : i32
    %while3A_56 = arith.addi %while3A_50, %while3A_55 : i32
    %while3A_57 = arith.constant 1 : i32
    scf.for %while3A_59 = %while3A_50 to %while3A_56 step %while3A_57  : i32 {
      %mul3A_60 = arith.muli %while3A_59, %while3A_49 : i32
      %add3A_61 = arith.addi %mul3A_40, %mul3A_60 : i32
      "tpu.region"() ({
        %run_scoped3A = tpu.sem_alloc : memref<!tpu.dma_semaphore, #tpu.memory_space<semaphore_mem>>
        %dma_start3A = arith.constant 0 : i32
        %dma_start3A_62 = tpu.memref_slice %arg4[%arg0, %add3A_61, %dma_start3A] : memref<2x10000x128xf32, #tpu.memory_space<hbm>> -> memref<1x80x128xf32, #tpu.memory_space<hbm>>
        %dma_start3A_63 = tpu.memref_squeeze %dma_start3A_62 : memref<1x80x128xf32, #tpu.memory_space<hbm>> -> memref<80x128xf32, #tpu.memory_space<hbm>>
        %dma_start3A_64 = arith.constant 0 : i32
        %dma_start3A_65 = tpu.memref_slice %arg6[%add3A_61, %dma_start3A_64] : memref<10000x128xf32, #tpu.memory_space<vmem_shared>> -> memref<80x128xf32, #tpu.memory_space<vmem_shared>>
        tpu.enqueue_dma source(%dma_start3A_65 : memref<80x128xf32, #tpu.memory_space<vmem_shared>>) target(%dma_start3A_63 : memref<80x128xf32, #tpu.memory_space<hbm>>) target_semaphore(%run_scoped3A : memref<!tpu.dma_semaphore, #tpu.memory_space<semaphore_mem>>)
        %dma_wait3A = arith.constant 0 : i32
        %dma_wait3A_66 = tpu.memref_slice %arg4[%arg0, %add3A_61, %dma_wait3A] : memref<2x10000x128xf32, #tpu.memory_space<hbm>> -> memref<1x80x128xf32, #tpu.memory_space<hbm>>
        %dma_wait3A_67 = tpu.memref_squeeze %dma_wait3A_66 : memref<1x80x128xf32, #tpu.memory_space<hbm>> -> memref<80x128xf32, #tpu.memory_space<hbm>>
        %dma_wait3A_68 = arith.constant 0 : i32
        %dma_wait3A_69 = tpu.memref_slice %arg6[%add3A_61, %dma_wait3A_68] : memref<10000x128xf32, #tpu.memory_space<vmem_shared>> -> memref<80x128xf32, #tpu.memory_space<vmem_shared>>
        tpu.wait_dma2 semaphore(%run_scoped3A : memref<!tpu.dma_semaphore, #tpu.memory_space<semaphore_mem>>) src(%dma_wait3A_69 : memref<80x128xf32, #tpu.memory_space<vmem_shared>>) dst(%dma_wait3A_67 : memref<80x128xf32, #tpu.memory_space<hbm>>)
        tpu.yield
      }) : () -> ()
    }
    %while3A_58 = arith.constant 1 : i32
    scf.for %while3A_59 = %while3A_56 to %while3A_52 step %while3A_58  : i32 {
      %mul3A_60 = arith.muli %while3A_59, %while3A_49 : i32
      %add3A_61 = arith.addi %mul3A_40, %mul3A_60 : i32
      "tpu.region"() ({
        %run_scoped3A = tpu.sem_alloc : memref<!tpu.dma_semaphore, #tpu.memory_space<semaphore_mem>>
        %dma_start3A = arith.constant 0 : i32
        %dma_start3A_62 = tpu.memref_slice %arg4[%arg0, %add3A_61, %dma_start3A] : memref<2x10000x128xf32, #tpu.memory_space<hbm>> -> memref<1x80x128xf32, #tpu.memory_space<hbm>>
        %dma_start3A_63 = tpu.memref_squeeze %dma_start3A_62 : memref<1x80x128xf32, #tpu.memory_space<hbm>> -> memref<80x128xf32, #tpu.memory_space<hbm>>
        %dma_start3A_64 = arith.constant 0 : i32
        %dma_start3A_65 = tpu.memref_slice %arg6[%add3A_61, %dma_start3A_64] : memref<10000x128xf32, #tpu.memory_space<vmem_shared>> -> memref<80x128xf32, #tpu.memory_space<vmem_shared>>
        tpu.enqueue_dma source(%dma_start3A_65 : memref<80x128xf32, #tpu.memory_space<vmem_shared>>) target(%dma_start3A_63 : memref<80x128xf32, #tpu.memory_space<hbm>>) target_semaphore(%run_scoped3A : memref<!tpu.dma_semaphore, #tpu.memory_space<semaphore_mem>>)
        %dma_wait3A = arith.constant 0 : i32
        %dma_wait3A_66 = tpu.memref_slice %arg4[%arg0, %add3A_61, %dma_wait3A] : memref<2x10000x128xf32, #tpu.memory_space<hbm>> -> memref<1x80x128xf32, #tpu.memory_space<hbm>>
        %dma_wait3A_67 = tpu.memref_squeeze %dma_wait3A_66 : memref<1x80x128xf32, #tpu.memory_space<hbm>> -> memref<80x128xf32, #tpu.memory_space<hbm>>
        %dma_wait3A_68 = arith.constant 0 : i32
        %dma_wait3A_69 = tpu.memref_slice %arg6[%add3A_61, %dma_wait3A_68] : memref<10000x128xf32, #tpu.memory_space<vmem_shared>> -> memref<80x128xf32, #tpu.memory_space<vmem_shared>>
        tpu.wait_dma2 semaphore(%run_scoped3A : memref<!tpu.dma_semaphore, #tpu.memory_space<semaphore_mem>>) src(%dma_wait3A_69 : memref<80x128xf32, #tpu.memory_space<vmem_shared>>) dst(%dma_wait3A_67 : memref<80x128xf32, #tpu.memory_space<hbm>>)
        tpu.yield
      }) : () -> ()
    }
    return
  }
}

#map = affine_map<(d0, d1) -> (0, 0)>
module attributes {stable_mosaic.version = 14 : i64} {
  func.func @k(%arg0: i32, %arg1: i32, %arg2: memref<10000x128xf32, #tpu.memory_space<hbm>>, %arg3: memref<1x320000xi32, #tpu.memory_space<hbm>>, %arg4: memref<320000x128xf32, #tpu.memory_space<hbm>>, %arg5: memref<80x128xf32, #tpu.memory_space<vmem>>, %arg6: memref<10000x128xf32, #tpu.memory_space<vmem_shared>>, %arg7: memref<2x128xi32, #tpu.memory_space<vmem>>, %arg8: memref<2x128x128xf32, #tpu.memory_space<vmem>>, %arg9: memref<2x!tpu.dma_semaphore, #tpu.memory_space<semaphore_mem>>, %arg10: memref<2x!tpu.dma_semaphore, #tpu.memory_space<semaphore_mem>>) attributes {dimension_semantics = [#tpu.dimension_semantics<core_parallel>, #tpu.dimension_semantics<subcore_parallel>], iteration_bounds = array<i64: 2, 16>, scalar_prefetch = 0 : i64, scratch_operands = 6 : i64, tpu.core_type = #tpu.core_type<sc_vector_subcore>, window_params = [{transform_indices = #map}, {transform_indices = #map}, {transform_indices = #map}]} {
    %mul3A = arith.constant 16 : i32
    %mul3A_0 = arith.muli %arg0, %mul3A : i32
    %add3A = arith.addi %mul3A_0, %arg1 : i32
    %mul3A_1 = arith.constant 80 : i32
    %mul3A_2 = arith.muli %arg1, %mul3A_1 : i32
    %sub3A = arith.constant 10000 : i32
    %sub3A_3 = arith.subi %sub3A, %mul3A_2 : i32
    %sub3A_4 = arith.constant 1280 : i32
    %sub3A_5 = arith.constant 1 : i32
    %sub3A_6 = arith.subi %sub3A_4, %sub3A_5 : i32
    %add3A_7 = arith.addi %sub3A_3, %sub3A_6 : i32
    %div3A = arith.constant 1280 : i32
    %div3A_8 = arith.divsi %add3A_7, %div3A : i32
    %while3A = arith.constant 1280 : i32
    %while3A_9 = arith.constant 0 : i32
    %while3A_10 = arith.subi %div3A_8, %while3A_9 : i32
    %while3A_11 = arith.addi %while3A_9, %while3A_10 : i32
    %while3A_12 = arith.constant 1 : i32
    %while3A_13 = arith.divsi %while3A_10, %while3A_12 : i32
    %while3A_14 = arith.muli %while3A_13, %while3A_12 : i32
    %while3A_15 = arith.addi %while3A_9, %while3A_14 : i32
    %while3A_16 = arith.constant 1 : i32
    scf.for %while3A_84 = %while3A_9 to %while3A_15 step %while3A_16  : i32 {
      %mul3A_85 = arith.muli %while3A_84, %while3A : i32
      %add3A_86 = arith.addi %mul3A_2, %mul3A_85 : i32
      "tpu.region"() ({
        %run_scoped3A = tpu.sem_alloc : memref<!tpu.dma_semaphore, #tpu.memory_space<semaphore_mem>>
        %dma_start3A_87 = arith.constant 0 : i32
        %dma_start3A_88 = tpu.memref_slice %arg2[%add3A_86, %dma_start3A_87] : memref<10000x128xf32, #tpu.memory_space<hbm>> -> memref<80x128xf32, #tpu.memory_space<hbm>>
        %dma_start3A_89 = arith.constant 0 : i32
        %dma_start3A_90 = tpu.memref_slice %arg2[%add3A_86, %dma_start3A_89] : memref<10000x128xf32, #tpu.memory_space<hbm>> -> memref<80x128xf32, #tpu.memory_space<hbm>>
        tpu.enqueue_dma source(%dma_start3A_90 : memref<80x128xf32, #tpu.memory_space<hbm>>) target(%arg5 : memref<80x128xf32, #tpu.memory_space<vmem>>) target_semaphore(%run_scoped3A : memref<!tpu.dma_semaphore, #tpu.memory_space<semaphore_mem>>)
        %dma_wait3A = arith.constant 0 : i32
        %dma_wait3A_91 = tpu.memref_slice %arg2[%add3A_86, %dma_wait3A] : memref<10000x128xf32, #tpu.memory_space<hbm>> -> memref<80x128xf32, #tpu.memory_space<hbm>>
        %dma_wait3A_92 = arith.constant 0 : i32
        %dma_wait3A_93 = tpu.memref_slice %arg2[%add3A_86, %dma_wait3A_92] : memref<10000x128xf32, #tpu.memory_space<hbm>> -> memref<80x128xf32, #tpu.memory_space<hbm>>
        tpu.wait_dma2 semaphore(%run_scoped3A : memref<!tpu.dma_semaphore, #tpu.memory_space<semaphore_mem>>) src(%dma_wait3A_93 : memref<80x128xf32, #tpu.memory_space<hbm>>) dst(%arg5 : memref<80x128xf32, #tpu.memory_space<vmem>>)
        tpu.yield
      }) : () -> ()
      "tpu.region"() ({
        %run_scoped3A = tpu.sem_alloc : memref<!tpu.dma_semaphore, #tpu.memory_space<semaphore_mem>>
        %dma_start3A_87 = arith.constant 0 : i32
        %dma_start3A_88 = tpu.memref_slice %arg6[%add3A_86, %dma_start3A_87] : memref<10000x128xf32, #tpu.memory_space<vmem_shared>> -> memref<80x128xf32, #tpu.memory_space<vmem_shared>>
        %dma_start3A_89 = arith.constant 0 : i32
        %dma_start3A_90 = tpu.memref_slice %arg6[%add3A_86, %dma_start3A_89] : memref<10000x128xf32, #tpu.memory_space<vmem_shared>> -> memref<80x128xf32, #tpu.memory_space<vmem_shared>>
        tpu.enqueue_dma source(%arg5 : memref<80x128xf32, #tpu.memory_space<vmem>>) target(%dma_start3A_90 : memref<80x128xf32, #tpu.memory_space<vmem_shared>>) target_semaphore(%run_scoped3A : memref<!tpu.dma_semaphore, #tpu.memory_space<semaphore_mem>>)
        %dma_wait3A = arith.constant 0 : i32
        %dma_wait3A_91 = tpu.memref_slice %arg6[%add3A_86, %dma_wait3A] : memref<10000x128xf32, #tpu.memory_space<vmem_shared>> -> memref<80x128xf32, #tpu.memory_space<vmem_shared>>
        %dma_wait3A_92 = arith.constant 0 : i32
        %dma_wait3A_93 = tpu.memref_slice %arg6[%add3A_86, %dma_wait3A_92] : memref<10000x128xf32, #tpu.memory_space<vmem_shared>> -> memref<80x128xf32, #tpu.memory_space<vmem_shared>>
        tpu.wait_dma2 semaphore(%run_scoped3A : memref<!tpu.dma_semaphore, #tpu.memory_space<semaphore_mem>>) src(%arg5 : memref<80x128xf32, #tpu.memory_space<vmem>>) dst(%dma_wait3A_93 : memref<80x128xf32, #tpu.memory_space<vmem_shared>>)
        tpu.yield
      }) : () -> ()
    }
    %while3A_17 = arith.constant 1 : i32
    scf.for %while3A_84 = %while3A_15 to %while3A_11 step %while3A_17  : i32 {
      %mul3A_85 = arith.muli %while3A_84, %while3A : i32
      %add3A_86 = arith.addi %mul3A_2, %mul3A_85 : i32
      "tpu.region"() ({
        %run_scoped3A = tpu.sem_alloc : memref<!tpu.dma_semaphore, #tpu.memory_space<semaphore_mem>>
        %dma_start3A_87 = arith.constant 0 : i32
        %dma_start3A_88 = tpu.memref_slice %arg2[%add3A_86, %dma_start3A_87] : memref<10000x128xf32, #tpu.memory_space<hbm>> -> memref<80x128xf32, #tpu.memory_space<hbm>>
        %dma_start3A_89 = arith.constant 0 : i32
        %dma_start3A_90 = tpu.memref_slice %arg2[%add3A_86, %dma_start3A_89] : memref<10000x128xf32, #tpu.memory_space<hbm>> -> memref<80x128xf32, #tpu.memory_space<hbm>>
        tpu.enqueue_dma source(%dma_start3A_90 : memref<80x128xf32, #tpu.memory_space<hbm>>) target(%arg5 : memref<80x128xf32, #tpu.memory_space<vmem>>) target_semaphore(%run_scoped3A : memref<!tpu.dma_semaphore, #tpu.memory_space<semaphore_mem>>)
        %dma_wait3A = arith.constant 0 : i32
        %dma_wait3A_91 = tpu.memref_slice %arg2[%add3A_86, %dma_wait3A] : memref<10000x128xf32, #tpu.memory_space<hbm>> -> memref<80x128xf32, #tpu.memory_space<hbm>>
        %dma_wait3A_92 = arith.constant 0 : i32
        %dma_wait3A_93 = tpu.memref_slice %arg2[%add3A_86, %dma_wait3A_92] : memref<10000x128xf32, #tpu.memory_space<hbm>> -> memref<80x128xf32, #tpu.memory_space<hbm>>
        tpu.wait_dma2 semaphore(%run_scoped3A : memref<!tpu.dma_semaphore, #tpu.memory_space<semaphore_mem>>) src(%dma_wait3A_93 : memref<80x128xf32, #tpu.memory_space<hbm>>) dst(%arg5 : memref<80x128xf32, #tpu.memory_space<vmem>>)
        tpu.yield
      }) : () -> ()
      "tpu.region"() ({
        %run_scoped3A = tpu.sem_alloc : memref<!tpu.dma_semaphore, #tpu.memory_space<semaphore_mem>>
        %dma_start3A_87 = arith.constant 0 : i32
        %dma_start3A_88 = tpu.memref_slice %arg6[%add3A_86, %dma_start3A_87] : memref<10000x128xf32, #tpu.memory_space<vmem_shared>> -> memref<80x128xf32, #tpu.memory_space<vmem_shared>>
        %dma_start3A_89 = arith.constant 0 : i32
        %dma_start3A_90 = tpu.memref_slice %arg6[%add3A_86, %dma_start3A_89] : memref<10000x128xf32, #tpu.memory_space<vmem_shared>> -> memref<80x128xf32, #tpu.memory_space<vmem_shared>>
        tpu.enqueue_dma source(%arg5 : memref<80x128xf32, #tpu.memory_space<vmem>>) target(%dma_start3A_90 : memref<80x128xf32, #tpu.memory_space<vmem_shared>>) target_semaphore(%run_scoped3A : memref<!tpu.dma_semaphore, #tpu.memory_space<semaphore_mem>>)
        %dma_wait3A = arith.constant 0 : i32
        %dma_wait3A_91 = tpu.memref_slice %arg6[%add3A_86, %dma_wait3A] : memref<10000x128xf32, #tpu.memory_space<vmem_shared>> -> memref<80x128xf32, #tpu.memory_space<vmem_shared>>
        %dma_wait3A_92 = arith.constant 0 : i32
        %dma_wait3A_93 = tpu.memref_slice %arg6[%add3A_86, %dma_wait3A_92] : memref<10000x128xf32, #tpu.memory_space<vmem_shared>> -> memref<80x128xf32, #tpu.memory_space<vmem_shared>>
        tpu.wait_dma2 semaphore(%run_scoped3A : memref<!tpu.dma_semaphore, #tpu.memory_space<semaphore_mem>>) src(%arg5 : memref<80x128xf32, #tpu.memory_space<vmem>>) dst(%dma_wait3A_93 : memref<80x128xf32, #tpu.memory_space<vmem_shared>>)
        tpu.yield
      }) : () -> ()
    }
    %barrier3A = arith.constant 0 : index
    tpu.barrier barrier_id(%barrier3A)
    %sub3A_18 = arith.constant 2500 : i32
    %sub3A_19 = arith.subi %sub3A_18, %add3A : i32
    %add3A_20 = arith.constant 32 : i32
    %add3A_21 = arith.addi %sub3A_19, %add3A_20 : i32
    %sub3A_22 = arith.constant 1 : i32
    %sub3A_23 = arith.subi %add3A_21, %sub3A_22 : i32
    %jit3A = arith.constant 32 : i32
    %div3A_24 = arith.divsi %sub3A_23, %jit3A : i32
    %sign3A = arith.constant 0 : i32
    %sign3A_25 = arith.cmpi sgt, %sub3A_23, %sign3A : i32
    %sign3A_26 = arith.extui %sign3A_25 : i1 to i32
    %sign3A_27 = arith.constant 0 : i32
    %sign3A_28 = arith.cmpi slt, %sub3A_23, %sign3A_27 : i32
    %sign3A_29 = arith.extui %sign3A_28 : i1 to i32
    %sign3A_30 = arith.subi %sign3A_26, %sign3A_29 : i32
    %sign3A_31 = arith.constant 0 : i32
    %sign3A_32 = arith.cmpi sgt, %jit3A, %sign3A_31 : i32
    %sign3A_33 = arith.extui %sign3A_32 : i1 to i32
    %sign3A_34 = arith.constant 0 : i32
    %sign3A_35 = arith.cmpi slt, %jit3A, %sign3A_34 : i32
    %sign3A_36 = arith.extui %sign3A_35 : i1 to i32
    %sign3A_37 = arith.subi %sign3A_33, %sign3A_36 : i32
    %ne3A = arith.cmpi ne, %sign3A_30, %sign3A_37 : i32
    %rem3A = arith.remsi %sub3A_23, %jit3A : i32
    %ne3A_38 = arith.constant 0 : i32
    %ne3A_39 = arith.cmpi ne, %rem3A, %ne3A_38 : i32
    %and3A = arith.andi %ne3A, %ne3A_39 : i1
    %sub3A_40 = arith.constant 1 : i32
    %sub3A_41 = arith.subi %div3A_24, %sub3A_40 : i32
    %select_n3A = arith.select %and3A, %sub3A_41, %div3A_24 : i32
    %mul3A_42 = arith.constant 128 : i32
    %mul3A_43 = arith.muli %add3A, %mul3A_42 : i32
    %dma_start3A = arith.constant 0 : i32
    %dma_start3A_44 = arith.constant 0 : i32
    %dma_start3A_45 = arith.constant 0 : i32
    %dma_start3A_46 = arith.constant 0 : i32
    %dma_start3A_47 = tpu.memref_slice %arg7[%dma_start3A_44, %dma_start3A_46] : memref<2x128xi32, #tpu.memory_space<vmem>> -> memref<1x128xi32, #tpu.memory_space<vmem>>
    %dma_start3A_48 = tpu.memref_squeeze %dma_start3A_47 : memref<1x128xi32, #tpu.memory_space<vmem>> -> memref<128xi32, #tpu.memory_space<vmem>>
    %dma_start3A_49 = tpu.memref_slice %arg3[%dma_start3A, %mul3A_43] : memref<1x320000xi32, #tpu.memory_space<hbm>> -> memref<1x128xi32, #tpu.memory_space<hbm>>
    %dma_start3A_50 = tpu.memref_squeeze %dma_start3A_49 : memref<1x128xi32, #tpu.memory_space<hbm>> -> memref<128xi32, #tpu.memory_space<hbm>>
    %dma_start3A_51 = tpu.memref_slice %arg9[%dma_start3A_45] : memref<2x!tpu.dma_semaphore, #tpu.memory_space<semaphore_mem>> -> memref<1x!tpu.dma_semaphore, #tpu.memory_space<semaphore_mem>>
    %dma_start3A_52 = tpu.memref_squeeze %dma_start3A_51 : memref<1x!tpu.dma_semaphore, #tpu.memory_space<semaphore_mem>> -> memref<!tpu.dma_semaphore, #tpu.memory_space<semaphore_mem>>
    %dma_start3A_53 = arith.constant 0 : i32
    %dma_start3A_54 = tpu.memref_slice %arg7[%dma_start3A_44, %dma_start3A_53] : memref<2x128xi32, #tpu.memory_space<vmem>> -> memref<1x128xi32, #tpu.memory_space<vmem>>
    %dma_start3A_55 = tpu.memref_squeeze %dma_start3A_54 : memref<1x128xi32, #tpu.memory_space<vmem>> -> memref<128xi32, #tpu.memory_space<vmem>>
    %dma_start3A_56 = tpu.memref_slice %arg3[%dma_start3A, %mul3A_43] : memref<1x320000xi32, #tpu.memory_space<hbm>> -> memref<1x128xi32, #tpu.memory_space<hbm>>
    %dma_start3A_57 = tpu.memref_squeeze %dma_start3A_56 : memref<1x128xi32, #tpu.memory_space<hbm>> -> memref<128xi32, #tpu.memory_space<hbm>>
    tpu.enqueue_dma source(%dma_start3A_57 : memref<128xi32, #tpu.memory_space<hbm>>) target(%dma_start3A_55 : memref<128xi32, #tpu.memory_space<vmem>>) target_semaphore(%dma_start3A_52 : memref<!tpu.dma_semaphore, #tpu.memory_space<semaphore_mem>>)
    %sub3A_58 = arith.constant 0 : i32
    %sub3A_59 = arith.subi %select_n3A, %sub3A_58 : i32
    %sub3A_60 = arith.constant 1 : i32
    %sub3A_61 = arith.constant 1 : i32
    %sub3A_62 = arith.subi %sub3A_60, %sub3A_61 : i32
    %add3A_63 = arith.addi %sub3A_59, %sub3A_62 : i32
    %div3A_64 = arith.constant 1 : i32
    %div3A_65 = arith.divsi %add3A_63, %div3A_64 : i32
    %while3A_66 = arith.constant 1 : i32
    %while3A_67 = arith.constant 0 : i32
    %while3A_68 = arith.constant 0 : i32
    %while3A_69 = arith.subi %div3A_65, %while3A_68 : i32
    %while3A_70 = arith.addi %while3A_68, %while3A_69 : i32
    %while3A_71 = arith.constant 1 : i32
    %while3A_72 = arith.divsi %while3A_69, %while3A_71 : i32
    %while3A_73 = arith.muli %while3A_72, %while3A_71 : i32
    %while3A_74 = arith.addi %while3A_68, %while3A_73 : i32
    %while3A_75 = arith.constant 1 : i32
    scf.for %while3A_84 = %while3A_68 to %while3A_74 step %while3A_75  : i32 {
      %mul3A_85 = arith.muli %while3A_84, %while3A_66 : i32
      %add3A_86 = arith.addi %while3A_67, %mul3A_85 : i32
      %rem3A_87 = arith.constant 2 : i32
      %rem3A_88 = arith.remsi %add3A_86, %rem3A_87 : i32
      %mul3A_89 = arith.constant 32 : i32
      %mul3A_90 = arith.muli %add3A_86, %mul3A_89 : i32
      %add3A_91 = arith.addi %add3A, %mul3A_90 : i32
      %mul3A_92 = arith.constant 128 : i32
      %mul3A_93 = arith.muli %add3A_91, %mul3A_92 : i32
      %dma_wait3A = arith.constant 0 : i32
      %dma_wait3A_94 = arith.constant 0 : i32
      %dma_wait3A_95 = tpu.memref_slice %arg7[%rem3A_88, %dma_wait3A_94] : memref<2x128xi32, #tpu.memory_space<vmem>> -> memref<1x128xi32, #tpu.memory_space<vmem>>
      %dma_wait3A_96 = tpu.memref_squeeze %dma_wait3A_95 : memref<1x128xi32, #tpu.memory_space<vmem>> -> memref<128xi32, #tpu.memory_space<vmem>>
      %dma_wait3A_97 = tpu.memref_slice %arg3[%dma_wait3A, %mul3A_93] : memref<1x320000xi32, #tpu.memory_space<hbm>> -> memref<1x128xi32, #tpu.memory_space<hbm>>
      %dma_wait3A_98 = tpu.memref_squeeze %dma_wait3A_97 : memref<1x128xi32, #tpu.memory_space<hbm>> -> memref<128xi32, #tpu.memory_space<hbm>>
      %dma_wait3A_99 = tpu.memref_slice %arg9[%rem3A_88] : memref<2x!tpu.dma_semaphore, #tpu.memory_space<semaphore_mem>> -> memref<1x!tpu.dma_semaphore, #tpu.memory_space<semaphore_mem>>
      %dma_wait3A_100 = tpu.memref_squeeze %dma_wait3A_99 : memref<1x!tpu.dma_semaphore, #tpu.memory_space<semaphore_mem>> -> memref<!tpu.dma_semaphore, #tpu.memory_space<semaphore_mem>>
      %dma_wait3A_101 = arith.constant 0 : i32
      %dma_wait3A_102 = tpu.memref_slice %arg7[%rem3A_88, %dma_wait3A_101] : memref<2x128xi32, #tpu.memory_space<vmem>> -> memref<1x128xi32, #tpu.memory_space<vmem>>
      %dma_wait3A_103 = tpu.memref_squeeze %dma_wait3A_102 : memref<1x128xi32, #tpu.memory_space<vmem>> -> memref<128xi32, #tpu.memory_space<vmem>>
      %dma_wait3A_104 = tpu.memref_slice %arg3[%dma_wait3A, %mul3A_93] : memref<1x320000xi32, #tpu.memory_space<hbm>> -> memref<1x128xi32, #tpu.memory_space<hbm>>
      %dma_wait3A_105 = tpu.memref_squeeze %dma_wait3A_104 : memref<1x128xi32, #tpu.memory_space<hbm>> -> memref<128xi32, #tpu.memory_space<hbm>>
      tpu.wait_dma2 semaphore(%dma_wait3A_100 : memref<!tpu.dma_semaphore, #tpu.memory_space<semaphore_mem>>) src(%dma_wait3A_105 : memref<128xi32, #tpu.memory_space<hbm>>) dst(%dma_wait3A_103 : memref<128xi32, #tpu.memory_space<vmem>>)
      %add3A_106 = arith.constant 1 : i32
      %add3A_107 = arith.addi %add3A_86, %add3A_106 : i32
      %lt3A = arith.cmpi slt, %add3A_107, %select_n3A : i32
      %convert_element_type3A_108 = arith.extui %lt3A : i1 to i32
      %cond3A_109 = arith.constant 0 : i32
      %cond3A_110 = arith.cmpi ne, %convert_element_type3A_108, %cond3A_109 : i32
      scf.if %cond3A_110 {
        %add3A_130 = arith.constant 1 : i32
        %add3A_131 = arith.addi %add3A_86, %add3A_130 : i32
        %mul3A_132 = arith.constant 32 : i32
        %mul3A_133 = arith.muli %add3A_131, %mul3A_132 : i32
        %add3A_134 = arith.addi %add3A, %mul3A_133 : i32
        %mul3A_135 = arith.constant 128 : i32
        %mul3A_136 = arith.muli %add3A_134, %mul3A_135 : i32
        %sub3A_137 = arith.constant 1 : i32
        %sub3A_138 = arith.subi %sub3A_137, %rem3A_88 : i32
        %sub3A_139 = arith.constant 1 : i32
        %sub3A_140 = arith.subi %sub3A_139, %rem3A_88 : i32
        %dma_start3A_141 = arith.constant 0 : i32
        %dma_start3A_142 = arith.constant 0 : i32
        %dma_start3A_143 = tpu.memref_slice %arg7[%sub3A_138, %dma_start3A_142] : memref<2x128xi32, #tpu.memory_space<vmem>> -> memref<1x128xi32, #tpu.memory_space<vmem>>
        %dma_start3A_144 = tpu.memref_squeeze %dma_start3A_143 : memref<1x128xi32, #tpu.memory_space<vmem>> -> memref<128xi32, #tpu.memory_space<vmem>>
        %dma_start3A_145 = tpu.memref_slice %arg3[%dma_start3A_141, %mul3A_136] : memref<1x320000xi32, #tpu.memory_space<hbm>> -> memref<1x128xi32, #tpu.memory_space<hbm>>
        %dma_start3A_146 = tpu.memref_squeeze %dma_start3A_145 : memref<1x128xi32, #tpu.memory_space<hbm>> -> memref<128xi32, #tpu.memory_space<hbm>>
        %dma_start3A_147 = tpu.memref_slice %arg9[%sub3A_140] : memref<2x!tpu.dma_semaphore, #tpu.memory_space<semaphore_mem>> -> memref<1x!tpu.dma_semaphore, #tpu.memory_space<semaphore_mem>>
        %dma_start3A_148 = tpu.memref_squeeze %dma_start3A_147 : memref<1x!tpu.dma_semaphore, #tpu.memory_space<semaphore_mem>> -> memref<!tpu.dma_semaphore, #tpu.memory_space<semaphore_mem>>
        %dma_start3A_149 = arith.constant 0 : i32
        %dma_start3A_150 = tpu.memref_slice %arg7[%sub3A_138, %dma_start3A_149] : memref<2x128xi32, #tpu.memory_space<vmem>> -> memref<1x128xi32, #tpu.memory_space<vmem>>
        %dma_start3A_151 = tpu.memref_squeeze %dma_start3A_150 : memref<1x128xi32, #tpu.memory_space<vmem>> -> memref<128xi32, #tpu.memory_space<vmem>>
        %dma_start3A_152 = tpu.memref_slice %arg3[%dma_start3A_141, %mul3A_136] : memref<1x320000xi32, #tpu.memory_space<hbm>> -> memref<1x128xi32, #tpu.memory_space<hbm>>
        %dma_start3A_153 = tpu.memref_squeeze %dma_start3A_152 : memref<1x128xi32, #tpu.memory_space<hbm>> -> memref<128xi32, #tpu.memory_space<hbm>>
        tpu.enqueue_dma source(%dma_start3A_153 : memref<128xi32, #tpu.memory_space<hbm>>) target(%dma_start3A_151 : memref<128xi32, #tpu.memory_space<vmem>>) target_semaphore(%dma_start3A_148 : memref<!tpu.dma_semaphore, #tpu.memory_space<semaphore_mem>>)
      } else {
      }
      %ge3A_111 = arith.constant 2 : i32
      %ge3A_112 = arith.cmpi sge, %add3A_86, %ge3A_111 : i32
      %convert_element_type3A_113 = arith.extui %ge3A_112 : i1 to i32
      %cond3A_114 = arith.constant 0 : i32
      %cond3A_115 = arith.cmpi ne, %convert_element_type3A_113, %cond3A_114 : i32
      scf.if %cond3A_115 {
        %dma_wait3A_130 = arith.constant 0 : i32
        %dma_wait3A_131 = arith.constant 0 : i32
        %dma_wait3A_132 = tpu.memref_slice %arg8[%rem3A_88, %dma_wait3A_130, %dma_wait3A_131] : memref<2x128x128xf32, #tpu.memory_space<vmem>> -> memref<1x128x128xf32, #tpu.memory_space<vmem>>
        %dma_wait3A_133 = tpu.memref_squeeze %dma_wait3A_132 : memref<1x128x128xf32, #tpu.memory_space<vmem>> -> memref<128x128xf32, #tpu.memory_space<vmem>>
        %dma_wait3A_134 = arith.constant 0 : i32
        %dma_wait3A_135 = arith.constant 0 : i32
        %dma_wait3A_136 = tpu.memref_slice %arg4[%dma_wait3A_134, %dma_wait3A_135] : memref<320000x128xf32, #tpu.memory_space<hbm>> -> memref<128x128xf32, #tpu.memory_space<hbm>>
        %dma_wait3A_137 = tpu.memref_slice %arg10[%rem3A_88] : memref<2x!tpu.dma_semaphore, #tpu.memory_space<semaphore_mem>> -> memref<1x!tpu.dma_semaphore, #tpu.memory_space<semaphore_mem>>
        %dma_wait3A_138 = tpu.memref_squeeze %dma_wait3A_137 : memref<1x!tpu.dma_semaphore, #tpu.memory_space<semaphore_mem>> -> memref<!tpu.dma_semaphore, #tpu.memory_space<semaphore_mem>>
        %dma_wait3A_139 = arith.constant 0 : i32
        %dma_wait3A_140 = arith.constant 0 : i32
        %dma_wait3A_141 = tpu.memref_slice %arg4[%dma_wait3A_139, %dma_wait3A_140] : memref<320000x128xf32, #tpu.memory_space<hbm>> -> memref<128x128xf32, #tpu.memory_space<hbm>>
        %dma_wait3A_142 = arith.constant 0 : i32
        %dma_wait3A_143 = arith.constant 0 : i32
        %dma_wait3A_144 = tpu.memref_slice %arg8[%rem3A_88, %dma_wait3A_142, %dma_wait3A_143] : memref<2x128x128xf32, #tpu.memory_space<vmem>> -> memref<1x128x128xf32, #tpu.memory_space<vmem>>
        %dma_wait3A_145 = tpu.memref_squeeze %dma_wait3A_144 : memref<1x128x128xf32, #tpu.memory_space<vmem>> -> memref<128x128xf32, #tpu.memory_space<vmem>>
        tpu.wait_dma2 semaphore(%dma_wait3A_138 : memref<!tpu.dma_semaphore, #tpu.memory_space<semaphore_mem>>) src(%dma_wait3A_145 : memref<128x128xf32, #tpu.memory_space<vmem>>) dst(%dma_wait3A_141 : memref<128x128xf32, #tpu.memory_space<hbm>>)
      } else {
      }
      "tpu.region"() ({
        %run_scoped3A = tpu.sem_alloc : memref<!tpu.dma_semaphore, #tpu.memory_space<semaphore_mem>>
        %dma_start3A_130 = arith.constant 0 : i32
        %dma_start3A_131 = arith.constant 0 : i32
        %dma_start3A_132 = tpu.memref_slice %arg8[%rem3A_88, %dma_start3A_130, %dma_start3A_131] : memref<2x128x128xf32, #tpu.memory_space<vmem>> -> memref<1x128x128xf32, #tpu.memory_space<vmem>>
        %dma_start3A_133 = tpu.memref_squeeze %dma_start3A_132 : memref<1x128x128xf32, #tpu.memory_space<vmem>> -> memref<128x128xf32, #tpu.memory_space<vmem>>
        %dma_start3A_134 = arith.constant 0 : i32
        %dma_start3A_135 = tpu.memref_slice %arg7[%rem3A_88, %dma_start3A_134] : memref<2x128xi32, #tpu.memory_space<vmem>> -> memref<1x128xi32, #tpu.memory_space<vmem>>
        %dma_start3A_136 = tpu.memref_squeeze %dma_start3A_135 : memref<1x128xi32, #tpu.memory_space<vmem>> -> memref<128xi32, #tpu.memory_space<vmem>>
        %dma_start3A_137 = arith.constant 0 : i32
        %dma_start3A_138 = arith.constant 0 : i32
        %dma_start3A_139 = tpu.memref_slice %arg6[%dma_start3A_137, %dma_start3A_138] : memref<10000x128xf32, #tpu.memory_space<vmem_shared>> -> memref<10000x128xf32, #tpu.memory_space<vmem_shared>>
        tpu.enqueue_indirect_dma source(%dma_start3A_139 : memref<10000x128xf32, #tpu.memory_space<vmem_shared>>) target(%dma_start3A_133 : memref<128x128xf32, #tpu.memory_space<vmem>>) offsets(%dma_start3A_136 : memref<128xi32, #tpu.memory_space<vmem>>) semaphore(%run_scoped3A : memref<!tpu.dma_semaphore, #tpu.memory_space<semaphore_mem>>)
        %dma_wait3A_140 = arith.constant 0 : i32
        %dma_wait3A_141 = arith.constant 0 : i32
        %dma_wait3A_142 = tpu.memref_slice %arg8[%rem3A_88, %dma_wait3A_140, %dma_wait3A_141] : memref<2x128x128xf32, #tpu.memory_space<vmem>> -> memref<1x128x128xf32, #tpu.memory_space<vmem>>
        %dma_wait3A_143 = tpu.memref_squeeze %dma_wait3A_142 : memref<1x128x128xf32, #tpu.memory_space<vmem>> -> memref<128x128xf32, #tpu.memory_space<vmem>>
        %dma_wait3A_144 = arith.constant 0 : i32
        %dma_wait3A_145 = tpu.memref_slice %arg7[%rem3A_88, %dma_wait3A_144] : memref<2x128xi32, #tpu.memory_space<vmem>> -> memref<1x128xi32, #tpu.memory_space<vmem>>
        %dma_wait3A_146 = tpu.memref_squeeze %dma_wait3A_145 : memref<1x128xi32, #tpu.memory_space<vmem>> -> memref<128xi32, #tpu.memory_space<vmem>>
        %dma_wait3A_147 = arith.constant 0 : i32
        %dma_wait3A_148 = arith.constant 0 : i32
        %dma_wait3A_149 = tpu.memref_slice %arg6[%dma_wait3A_147, %dma_wait3A_148] : memref<10000x128xf32, #tpu.memory_space<vmem_shared>> -> memref<10000x128xf32, #tpu.memory_space<vmem_shared>>
        tpu.wait_indirect_dma semaphore(%run_scoped3A : memref<!tpu.dma_semaphore, #tpu.memory_space<semaphore_mem>>) src(%dma_wait3A_149 : memref<10000x128xf32, #tpu.memory_space<vmem_shared>>) dst(%dma_wait3A_143 : memref<128x128xf32, #tpu.memory_space<vmem>>)
        tpu.yield
      }) : () -> ()
      %dma_start3A_116 = arith.constant 0 : i32
      %dma_start3A_117 = arith.constant 0 : i32
      %dma_start3A_118 = tpu.memref_slice %arg8[%rem3A_88, %dma_start3A_116, %dma_start3A_117] : memref<2x128x128xf32, #tpu.memory_space<vmem>> -> memref<1x128x128xf32, #tpu.memory_space<vmem>>
      %dma_start3A_119 = tpu.memref_squeeze %dma_start3A_118 : memref<1x128x128xf32, #tpu.memory_space<vmem>> -> memref<128x128xf32, #tpu.memory_space<vmem>>
      %dma_start3A_120 = arith.constant 0 : i32
      %dma_start3A_121 = tpu.memref_slice %arg4[%mul3A_93, %dma_start3A_120] : memref<320000x128xf32, #tpu.memory_space<hbm>> -> memref<128x128xf32, #tpu.memory_space<hbm>>
      %dma_start3A_122 = tpu.memref_slice %arg10[%rem3A_88] : memref<2x!tpu.dma_semaphore, #tpu.memory_space<semaphore_mem>> -> memref<1x!tpu.dma_semaphore, #tpu.memory_space<semaphore_mem>>
      %dma_start3A_123 = tpu.memref_squeeze %dma_start3A_122 : memref<1x!tpu.dma_semaphore, #tpu.memory_space<semaphore_mem>> -> memref<!tpu.dma_semaphore, #tpu.memory_space<semaphore_mem>>
      %dma_start3A_124 = arith.constant 0 : i32
      %dma_start3A_125 = tpu.memref_slice %arg4[%mul3A_93, %dma_start3A_124] : memref<320000x128xf32, #tpu.memory_space<hbm>> -> memref<128x128xf32, #tpu.memory_space<hbm>>
      %dma_start3A_126 = arith.constant 0 : i32
      %dma_start3A_127 = arith.constant 0 : i32
      %dma_start3A_128 = tpu.memref_slice %arg8[%rem3A_88, %dma_start3A_126, %dma_start3A_127] : memref<2x128x128xf32, #tpu.memory_space<vmem>> -> memref<1x128x128xf32, #tpu.memory_space<vmem>>
      %dma_start3A_129 = tpu.memref_squeeze %dma_start3A_128 : memref<1x128x128xf32, #tpu.memory_space<vmem>> -> memref<128x128xf32, #tpu.memory_space<vmem>>
      tpu.enqueue_dma source(%dma_start3A_129 : memref<128x128xf32, #tpu.memory_space<vmem>>) target(%dma_start3A_125 : memref<128x128xf32, #tpu.memory_space<hbm>>) target_semaphore(%dma_start3A_123 : memref<!tpu.dma_semaphore, #tpu.memory_space<semaphore_mem>>)
    }
    %while3A_76 = arith.constant 1 : i32
    scf.for %while3A_84 = %while3A_74 to %while3A_70 step %while3A_76  : i32 {
      %mul3A_85 = arith.muli %while3A_84, %while3A_66 : i32
      %add3A_86 = arith.addi %while3A_67, %mul3A_85 : i32
      %rem3A_87 = arith.constant 2 : i32
      %rem3A_88 = arith.remsi %add3A_86, %rem3A_87 : i32
      %mul3A_89 = arith.constant 32 : i32
      %mul3A_90 = arith.muli %add3A_86, %mul3A_89 : i32
      %add3A_91 = arith.addi %add3A, %mul3A_90 : i32
      %mul3A_92 = arith.constant 128 : i32
      %mul3A_93 = arith.muli %add3A_91, %mul3A_92 : i32
      %dma_wait3A = arith.constant 0 : i32
      %dma_wait3A_94 = arith.constant 0 : i32
      %dma_wait3A_95 = tpu.memref_slice %arg7[%rem3A_88, %dma_wait3A_94] : memref<2x128xi32, #tpu.memory_space<vmem>> -> memref<1x128xi32, #tpu.memory_space<vmem>>
      %dma_wait3A_96 = tpu.memref_squeeze %dma_wait3A_95 : memref<1x128xi32, #tpu.memory_space<vmem>> -> memref<128xi32, #tpu.memory_space<vmem>>
      %dma_wait3A_97 = tpu.memref_slice %arg3[%dma_wait3A, %mul3A_93] : memref<1x320000xi32, #tpu.memory_space<hbm>> -> memref<1x128xi32, #tpu.memory_space<hbm>>
      %dma_wait3A_98 = tpu.memref_squeeze %dma_wait3A_97 : memref<1x128xi32, #tpu.memory_space<hbm>> -> memref<128xi32, #tpu.memory_space<hbm>>
      %dma_wait3A_99 = tpu.memref_slice %arg9[%rem3A_88] : memref<2x!tpu.dma_semaphore, #tpu.memory_space<semaphore_mem>> -> memref<1x!tpu.dma_semaphore, #tpu.memory_space<semaphore_mem>>
      %dma_wait3A_100 = tpu.memref_squeeze %dma_wait3A_99 : memref<1x!tpu.dma_semaphore, #tpu.memory_space<semaphore_mem>> -> memref<!tpu.dma_semaphore, #tpu.memory_space<semaphore_mem>>
      %dma_wait3A_101 = arith.constant 0 : i32
      %dma_wait3A_102 = tpu.memref_slice %arg7[%rem3A_88, %dma_wait3A_101] : memref<2x128xi32, #tpu.memory_space<vmem>> -> memref<1x128xi32, #tpu.memory_space<vmem>>
      %dma_wait3A_103 = tpu.memref_squeeze %dma_wait3A_102 : memref<1x128xi32, #tpu.memory_space<vmem>> -> memref<128xi32, #tpu.memory_space<vmem>>
      %dma_wait3A_104 = tpu.memref_slice %arg3[%dma_wait3A, %mul3A_93] : memref<1x320000xi32, #tpu.memory_space<hbm>> -> memref<1x128xi32, #tpu.memory_space<hbm>>
      %dma_wait3A_105 = tpu.memref_squeeze %dma_wait3A_104 : memref<1x128xi32, #tpu.memory_space<hbm>> -> memref<128xi32, #tpu.memory_space<hbm>>
      tpu.wait_dma2 semaphore(%dma_wait3A_100 : memref<!tpu.dma_semaphore, #tpu.memory_space<semaphore_mem>>) src(%dma_wait3A_105 : memref<128xi32, #tpu.memory_space<hbm>>) dst(%dma_wait3A_103 : memref<128xi32, #tpu.memory_space<vmem>>)
      %add3A_106 = arith.constant 1 : i32
      %add3A_107 = arith.addi %add3A_86, %add3A_106 : i32
      %lt3A = arith.cmpi slt, %add3A_107, %select_n3A : i32
      %convert_element_type3A_108 = arith.extui %lt3A : i1 to i32
      %cond3A_109 = arith.constant 0 : i32
      %cond3A_110 = arith.cmpi ne, %convert_element_type3A_108, %cond3A_109 : i32
      scf.if %cond3A_110 {
        %add3A_130 = arith.constant 1 : i32
        %add3A_131 = arith.addi %add3A_86, %add3A_130 : i32
        %mul3A_132 = arith.constant 32 : i32
        %mul3A_133 = arith.muli %add3A_131, %mul3A_132 : i32
        %add3A_134 = arith.addi %add3A, %mul3A_133 : i32
        %mul3A_135 = arith.constant 128 : i32
        %mul3A_136 = arith.muli %add3A_134, %mul3A_135 : i32
        %sub3A_137 = arith.constant 1 : i32
        %sub3A_138 = arith.subi %sub3A_137, %rem3A_88 : i32
        %sub3A_139 = arith.constant 1 : i32
        %sub3A_140 = arith.subi %sub3A_139, %rem3A_88 : i32
        %dma_start3A_141 = arith.constant 0 : i32
        %dma_start3A_142 = arith.constant 0 : i32
        %dma_start3A_143 = tpu.memref_slice %arg7[%sub3A_138, %dma_start3A_142] : memref<2x128xi32, #tpu.memory_space<vmem>> -> memref<1x128xi32, #tpu.memory_space<vmem>>
        %dma_start3A_144 = tpu.memref_squeeze %dma_start3A_143 : memref<1x128xi32, #tpu.memory_space<vmem>> -> memref<128xi32, #tpu.memory_space<vmem>>
        %dma_start3A_145 = tpu.memref_slice %arg3[%dma_start3A_141, %mul3A_136] : memref<1x320000xi32, #tpu.memory_space<hbm>> -> memref<1x128xi32, #tpu.memory_space<hbm>>
        %dma_start3A_146 = tpu.memref_squeeze %dma_start3A_145 : memref<1x128xi32, #tpu.memory_space<hbm>> -> memref<128xi32, #tpu.memory_space<hbm>>
        %dma_start3A_147 = tpu.memref_slice %arg9[%sub3A_140] : memref<2x!tpu.dma_semaphore, #tpu.memory_space<semaphore_mem>> -> memref<1x!tpu.dma_semaphore, #tpu.memory_space<semaphore_mem>>
        %dma_start3A_148 = tpu.memref_squeeze %dma_start3A_147 : memref<1x!tpu.dma_semaphore, #tpu.memory_space<semaphore_mem>> -> memref<!tpu.dma_semaphore, #tpu.memory_space<semaphore_mem>>
        %dma_start3A_149 = arith.constant 0 : i32
        %dma_start3A_150 = tpu.memref_slice %arg7[%sub3A_138, %dma_start3A_149] : memref<2x128xi32, #tpu.memory_space<vmem>> -> memref<1x128xi32, #tpu.memory_space<vmem>>
        %dma_start3A_151 = tpu.memref_squeeze %dma_start3A_150 : memref<1x128xi32, #tpu.memory_space<vmem>> -> memref<128xi32, #tpu.memory_space<vmem>>
        %dma_start3A_152 = tpu.memref_slice %arg3[%dma_start3A_141, %mul3A_136] : memref<1x320000xi32, #tpu.memory_space<hbm>> -> memref<1x128xi32, #tpu.memory_space<hbm>>
        %dma_start3A_153 = tpu.memref_squeeze %dma_start3A_152 : memref<1x128xi32, #tpu.memory_space<hbm>> -> memref<128xi32, #tpu.memory_space<hbm>>
        tpu.enqueue_dma source(%dma_start3A_153 : memref<128xi32, #tpu.memory_space<hbm>>) target(%dma_start3A_151 : memref<128xi32, #tpu.memory_space<vmem>>) target_semaphore(%dma_start3A_148 : memref<!tpu.dma_semaphore, #tpu.memory_space<semaphore_mem>>)
      } else {
      }
      %ge3A_111 = arith.constant 2 : i32
      %ge3A_112 = arith.cmpi sge, %add3A_86, %ge3A_111 : i32
      %convert_element_type3A_113 = arith.extui %ge3A_112 : i1 to i32
      %cond3A_114 = arith.constant 0 : i32
      %cond3A_115 = arith.cmpi ne, %convert_element_type3A_113, %cond3A_114 : i32
      scf.if %cond3A_115 {
        %dma_wait3A_130 = arith.constant 0 : i32
        %dma_wait3A_131 = arith.constant 0 : i32
        %dma_wait3A_132 = tpu.memref_slice %arg8[%rem3A_88, %dma_wait3A_130, %dma_wait3A_131] : memref<2x128x128xf32, #tpu.memory_space<vmem>> -> memref<1x128x128xf32, #tpu.memory_space<vmem>>
        %dma_wait3A_133 = tpu.memref_squeeze %dma_wait3A_132 : memref<1x128x128xf32, #tpu.memory_space<vmem>> -> memref<128x128xf32, #tpu.memory_space<vmem>>
        %dma_wait3A_134 = arith.constant 0 : i32
        %dma_wait3A_135 = arith.constant 0 : i32
        %dma_wait3A_136 = tpu.memref_slice %arg4[%dma_wait3A_134, %dma_wait3A_135] : memref<320000x128xf32, #tpu.memory_space<hbm>> -> memref<128x128xf32, #tpu.memory_space<hbm>>
        %dma_wait3A_137 = tpu.memref_slice %arg10[%rem3A_88] : memref<2x!tpu.dma_semaphore, #tpu.memory_space<semaphore_mem>> -> memref<1x!tpu.dma_semaphore, #tpu.memory_space<semaphore_mem>>
        %dma_wait3A_138 = tpu.memref_squeeze %dma_wait3A_137 : memref<1x!tpu.dma_semaphore, #tpu.memory_space<semaphore_mem>> -> memref<!tpu.dma_semaphore, #tpu.memory_space<semaphore_mem>>
        %dma_wait3A_139 = arith.constant 0 : i32
        %dma_wait3A_140 = arith.constant 0 : i32
        %dma_wait3A_141 = tpu.memref_slice %arg4[%dma_wait3A_139, %dma_wait3A_140] : memref<320000x128xf32, #tpu.memory_space<hbm>> -> memref<128x128xf32, #tpu.memory_space<hbm>>
        %dma_wait3A_142 = arith.constant 0 : i32
        %dma_wait3A_143 = arith.constant 0 : i32
        %dma_wait3A_144 = tpu.memref_slice %arg8[%rem3A_88, %dma_wait3A_142, %dma_wait3A_143] : memref<2x128x128xf32, #tpu.memory_space<vmem>> -> memref<1x128x128xf32, #tpu.memory_space<vmem>>
        %dma_wait3A_145 = tpu.memref_squeeze %dma_wait3A_144 : memref<1x128x128xf32, #tpu.memory_space<vmem>> -> memref<128x128xf32, #tpu.memory_space<vmem>>
        tpu.wait_dma2 semaphore(%dma_wait3A_138 : memref<!tpu.dma_semaphore, #tpu.memory_space<semaphore_mem>>) src(%dma_wait3A_145 : memref<128x128xf32, #tpu.memory_space<vmem>>) dst(%dma_wait3A_141 : memref<128x128xf32, #tpu.memory_space<hbm>>)
      } else {
      }
      "tpu.region"() ({
        %run_scoped3A = tpu.sem_alloc : memref<!tpu.dma_semaphore, #tpu.memory_space<semaphore_mem>>
        %dma_start3A_130 = arith.constant 0 : i32
        %dma_start3A_131 = arith.constant 0 : i32
        %dma_start3A_132 = tpu.memref_slice %arg8[%rem3A_88, %dma_start3A_130, %dma_start3A_131] : memref<2x128x128xf32, #tpu.memory_space<vmem>> -> memref<1x128x128xf32, #tpu.memory_space<vmem>>
        %dma_start3A_133 = tpu.memref_squeeze %dma_start3A_132 : memref<1x128x128xf32, #tpu.memory_space<vmem>> -> memref<128x128xf32, #tpu.memory_space<vmem>>
        %dma_start3A_134 = arith.constant 0 : i32
        %dma_start3A_135 = tpu.memref_slice %arg7[%rem3A_88, %dma_start3A_134] : memref<2x128xi32, #tpu.memory_space<vmem>> -> memref<1x128xi32, #tpu.memory_space<vmem>>
        %dma_start3A_136 = tpu.memref_squeeze %dma_start3A_135 : memref<1x128xi32, #tpu.memory_space<vmem>> -> memref<128xi32, #tpu.memory_space<vmem>>
        %dma_start3A_137 = arith.constant 0 : i32
        %dma_start3A_138 = arith.constant 0 : i32
        %dma_start3A_139 = tpu.memref_slice %arg6[%dma_start3A_137, %dma_start3A_138] : memref<10000x128xf32, #tpu.memory_space<vmem_shared>> -> memref<10000x128xf32, #tpu.memory_space<vmem_shared>>
        tpu.enqueue_indirect_dma source(%dma_start3A_139 : memref<10000x128xf32, #tpu.memory_space<vmem_shared>>) target(%dma_start3A_133 : memref<128x128xf32, #tpu.memory_space<vmem>>) offsets(%dma_start3A_136 : memref<128xi32, #tpu.memory_space<vmem>>) semaphore(%run_scoped3A : memref<!tpu.dma_semaphore, #tpu.memory_space<semaphore_mem>>)
        %dma_wait3A_140 = arith.constant 0 : i32
        %dma_wait3A_141 = arith.constant 0 : i32
        %dma_wait3A_142 = tpu.memref_slice %arg8[%rem3A_88, %dma_wait3A_140, %dma_wait3A_141] : memref<2x128x128xf32, #tpu.memory_space<vmem>> -> memref<1x128x128xf32, #tpu.memory_space<vmem>>
        %dma_wait3A_143 = tpu.memref_squeeze %dma_wait3A_142 : memref<1x128x128xf32, #tpu.memory_space<vmem>> -> memref<128x128xf32, #tpu.memory_space<vmem>>
        %dma_wait3A_144 = arith.constant 0 : i32
        %dma_wait3A_145 = tpu.memref_slice %arg7[%rem3A_88, %dma_wait3A_144] : memref<2x128xi32, #tpu.memory_space<vmem>> -> memref<1x128xi32, #tpu.memory_space<vmem>>
        %dma_wait3A_146 = tpu.memref_squeeze %dma_wait3A_145 : memref<1x128xi32, #tpu.memory_space<vmem>> -> memref<128xi32, #tpu.memory_space<vmem>>
        %dma_wait3A_147 = arith.constant 0 : i32
        %dma_wait3A_148 = arith.constant 0 : i32
        %dma_wait3A_149 = tpu.memref_slice %arg6[%dma_wait3A_147, %dma_wait3A_148] : memref<10000x128xf32, #tpu.memory_space<vmem_shared>> -> memref<10000x128xf32, #tpu.memory_space<vmem_shared>>
        tpu.wait_indirect_dma semaphore(%run_scoped3A : memref<!tpu.dma_semaphore, #tpu.memory_space<semaphore_mem>>) src(%dma_wait3A_149 : memref<10000x128xf32, #tpu.memory_space<vmem_shared>>) dst(%dma_wait3A_143 : memref<128x128xf32, #tpu.memory_space<vmem>>)
        tpu.yield
      }) : () -> ()
      %dma_start3A_116 = arith.constant 0 : i32
      %dma_start3A_117 = arith.constant 0 : i32
      %dma_start3A_118 = tpu.memref_slice %arg8[%rem3A_88, %dma_start3A_116, %dma_start3A_117] : memref<2x128x128xf32, #tpu.memory_space<vmem>> -> memref<1x128x128xf32, #tpu.memory_space<vmem>>
      %dma_start3A_119 = tpu.memref_squeeze %dma_start3A_118 : memref<1x128x128xf32, #tpu.memory_space<vmem>> -> memref<128x128xf32, #tpu.memory_space<vmem>>
      %dma_start3A_120 = arith.constant 0 : i32
      %dma_start3A_121 = tpu.memref_slice %arg4[%mul3A_93, %dma_start3A_120] : memref<320000x128xf32, #tpu.memory_space<hbm>> -> memref<128x128xf32, #tpu.memory_space<hbm>>
      %dma_start3A_122 = tpu.memref_slice %arg10[%rem3A_88] : memref<2x!tpu.dma_semaphore, #tpu.memory_space<semaphore_mem>> -> memref<1x!tpu.dma_semaphore, #tpu.memory_space<semaphore_mem>>
      %dma_start3A_123 = tpu.memref_squeeze %dma_start3A_122 : memref<1x!tpu.dma_semaphore, #tpu.memory_space<semaphore_mem>> -> memref<!tpu.dma_semaphore, #tpu.memory_space<semaphore_mem>>
      %dma_start3A_124 = arith.constant 0 : i32
      %dma_start3A_125 = tpu.memref_slice %arg4[%mul3A_93, %dma_start3A_124] : memref<320000x128xf32, #tpu.memory_space<hbm>> -> memref<128x128xf32, #tpu.memory_space<hbm>>
      %dma_start3A_126 = arith.constant 0 : i32
      %dma_start3A_127 = arith.constant 0 : i32
      %dma_start3A_128 = tpu.memref_slice %arg8[%rem3A_88, %dma_start3A_126, %dma_start3A_127] : memref<2x128x128xf32, #tpu.memory_space<vmem>> -> memref<1x128x128xf32, #tpu.memory_space<vmem>>
      %dma_start3A_129 = tpu.memref_squeeze %dma_start3A_128 : memref<1x128x128xf32, #tpu.memory_space<vmem>> -> memref<128x128xf32, #tpu.memory_space<vmem>>
      tpu.enqueue_dma source(%dma_start3A_129 : memref<128x128xf32, #tpu.memory_space<vmem>>) target(%dma_start3A_125 : memref<128x128xf32, #tpu.memory_space<hbm>>) target_semaphore(%dma_start3A_123 : memref<!tpu.dma_semaphore, #tpu.memory_space<semaphore_mem>>)
    }
    %ge3A = arith.constant 2 : i32
    %ge3A_77 = arith.cmpi sge, %select_n3A, %ge3A : i32
    %convert_element_type3A = arith.extui %ge3A_77 : i1 to i32
    %cond3A = arith.constant 0 : i32
    %cond3A_78 = arith.cmpi ne, %convert_element_type3A, %cond3A : i32
    scf.if %cond3A_78 {
      %rem3A_84 = arith.constant 2 : i32
      %rem3A_85 = arith.remsi %select_n3A, %rem3A_84 : i32
      %dma_wait3A = arith.constant 0 : i32
      %dma_wait3A_86 = arith.constant 0 : i32
      %dma_wait3A_87 = arith.constant 0 : i32
      %dma_wait3A_88 = tpu.memref_slice %arg8[%dma_wait3A, %dma_wait3A_86, %dma_wait3A_87] : memref<2x128x128xf32, #tpu.memory_space<vmem>> -> memref<1x128x128xf32, #tpu.memory_space<vmem>>
      %dma_wait3A_89 = tpu.memref_squeeze %dma_wait3A_88 : memref<1x128x128xf32, #tpu.memory_space<vmem>> -> memref<128x128xf32, #tpu.memory_space<vmem>>
      %dma_wait3A_90 = arith.constant 0 : i32
      %dma_wait3A_91 = arith.constant 0 : i32
      %dma_wait3A_92 = tpu.memref_slice %arg4[%dma_wait3A_90, %dma_wait3A_91] : memref<320000x128xf32, #tpu.memory_space<hbm>> -> memref<128x128xf32, #tpu.memory_space<hbm>>
      %dma_wait3A_93 = tpu.memref_slice %arg10[%rem3A_85] : memref<2x!tpu.dma_semaphore, #tpu.memory_space<semaphore_mem>> -> memref<1x!tpu.dma_semaphore, #tpu.memory_space<semaphore_mem>>
      %dma_wait3A_94 = tpu.memref_squeeze %dma_wait3A_93 : memref<1x!tpu.dma_semaphore, #tpu.memory_space<semaphore_mem>> -> memref<!tpu.dma_semaphore, #tpu.memory_space<semaphore_mem>>
      %dma_wait3A_95 = arith.constant 0 : i32
      %dma_wait3A_96 = arith.constant 0 : i32
      %dma_wait3A_97 = tpu.memref_slice %arg4[%dma_wait3A_95, %dma_wait3A_96] : memref<320000x128xf32, #tpu.memory_space<hbm>> -> memref<128x128xf32, #tpu.memory_space<hbm>>
      %dma_wait3A_98 = arith.constant 0 : i32
      %dma_wait3A_99 = arith.constant 0 : i32
      %dma_wait3A_100 = tpu.memref_slice %arg8[%dma_wait3A, %dma_wait3A_98, %dma_wait3A_99] : memref<2x128x128xf32, #tpu.memory_space<vmem>> -> memref<1x128x128xf32, #tpu.memory_space<vmem>>
      %dma_wait3A_101 = tpu.memref_squeeze %dma_wait3A_100 : memref<1x128x128xf32, #tpu.memory_space<vmem>> -> memref<128x128xf32, #tpu.memory_space<vmem>>
      tpu.wait_dma2 semaphore(%dma_wait3A_94 : memref<!tpu.dma_semaphore, #tpu.memory_space<semaphore_mem>>) src(%dma_wait3A_101 : memref<128x128xf32, #tpu.memory_space<vmem>>) dst(%dma_wait3A_97 : memref<128x128xf32, #tpu.memory_space<hbm>>)
    } else {
    }
    %ge3A_79 = arith.constant 1 : i32
    %ge3A_80 = arith.cmpi sge, %select_n3A, %ge3A_79 : i32
    %convert_element_type3A_81 = arith.extui %ge3A_80 : i1 to i32
    %cond3A_82 = arith.constant 0 : i32
    %cond3A_83 = arith.cmpi ne, %convert_element_type3A_81, %cond3A_82 : i32
    scf.if %cond3A_83 {
      %add3A_84 = arith.constant 1 : i32
      %add3A_85 = arith.addi %select_n3A, %add3A_84 : i32
      %rem3A_86 = arith.constant 2 : i32
      %rem3A_87 = arith.remsi %add3A_85, %rem3A_86 : i32
      %dma_wait3A = arith.constant 0 : i32
      %dma_wait3A_88 = arith.constant 0 : i32
      %dma_wait3A_89 = arith.constant 0 : i32
      %dma_wait3A_90 = tpu.memref_slice %arg8[%dma_wait3A, %dma_wait3A_88, %dma_wait3A_89] : memref<2x128x128xf32, #tpu.memory_space<vmem>> -> memref<1x128x128xf32, #tpu.memory_space<vmem>>
      %dma_wait3A_91 = tpu.memref_squeeze %dma_wait3A_90 : memref<1x128x128xf32, #tpu.memory_space<vmem>> -> memref<128x128xf32, #tpu.memory_space<vmem>>
      %dma_wait3A_92 = arith.constant 0 : i32
      %dma_wait3A_93 = arith.constant 0 : i32
      %dma_wait3A_94 = tpu.memref_slice %arg4[%dma_wait3A_92, %dma_wait3A_93] : memref<320000x128xf32, #tpu.memory_space<hbm>> -> memref<128x128xf32, #tpu.memory_space<hbm>>
      %dma_wait3A_95 = tpu.memref_slice %arg10[%rem3A_87] : memref<2x!tpu.dma_semaphore, #tpu.memory_space<semaphore_mem>> -> memref<1x!tpu.dma_semaphore, #tpu.memory_space<semaphore_mem>>
      %dma_wait3A_96 = tpu.memref_squeeze %dma_wait3A_95 : memref<1x!tpu.dma_semaphore, #tpu.memory_space<semaphore_mem>> -> memref<!tpu.dma_semaphore, #tpu.memory_space<semaphore_mem>>
      %dma_wait3A_97 = arith.constant 0 : i32
      %dma_wait3A_98 = arith.constant 0 : i32
      %dma_wait3A_99 = tpu.memref_slice %arg4[%dma_wait3A_97, %dma_wait3A_98] : memref<320000x128xf32, #tpu.memory_space<hbm>> -> memref<128x128xf32, #tpu.memory_space<hbm>>
      %dma_wait3A_100 = arith.constant 0 : i32
      %dma_wait3A_101 = arith.constant 0 : i32
      %dma_wait3A_102 = tpu.memref_slice %arg8[%dma_wait3A, %dma_wait3A_100, %dma_wait3A_101] : memref<2x128x128xf32, #tpu.memory_space<vmem>> -> memref<1x128x128xf32, #tpu.memory_space<vmem>>
      %dma_wait3A_103 = tpu.memref_squeeze %dma_wait3A_102 : memref<1x128x128xf32, #tpu.memory_space<vmem>> -> memref<128x128xf32, #tpu.memory_space<vmem>>
      tpu.wait_dma2 semaphore(%dma_wait3A_96 : memref<!tpu.dma_semaphore, #tpu.memory_space<semaphore_mem>>) src(%dma_wait3A_103 : memref<128x128xf32, #tpu.memory_space<vmem>>) dst(%dma_wait3A_99 : memref<128x128xf32, #tpu.memory_space<hbm>>)
    } else {
    }
    return
  }
}

#map = affine_map<(d0, d1) -> (0, 0)>
#map1 = affine_map<(d0, d1) -> (0, 0, 0)>
module attributes {stable_mosaic.version = 14 : i64} {
  func.func @k(%arg0: i32, %arg1: i32, %arg2: memref<320000x128xf32, #tpu.memory_space<hbm>>, %arg3: memref<1x320000xi32, #tpu.memory_space<hbm>>, %arg4: memref<2x10000x128xf32, #tpu.memory_space<hbm>>, %arg5: memref<80x128xf32, #tpu.memory_space<vmem>>, %arg6: memref<10000x128xf32, #tpu.memory_space<vmem_shared>>) attributes {dimension_semantics = [#tpu.dimension_semantics<core_parallel>, #tpu.dimension_semantics<subcore_parallel>], iteration_bounds = array<i64: 2, 16>, scalar_prefetch = 0 : i64, scratch_operands = 2 : i64, tpu.core_type = #tpu.core_type<sc_vector_subcore>, window_params = [{transform_indices = #map}, {transform_indices = #map}, {transform_indices = #map1}]} {
    %scan3A = arith.constant 0 : i32
    %scan3A_0 = arith.constant 80 : i32
    %scan3A_1 = arith.addi %scan3A, %scan3A_0 : i32
    %scan3A_2 = arith.constant 1 : i32
    scf.for %scan3A_59 = %scan3A to %scan3A_1 step %scan3A_2  : i32 {
      %mul3A_60 = arith.constant 1 : i32
      %mul3A_61 = arith.muli %scan3A_59, %mul3A_60 : i32
      %add3A_62 = arith.constant 0 : i32
      %add3A_63 = arith.addi %add3A_62, %mul3A_61 : i32
      %scan3A_64 = arith.constant 0 : i32
      %scan3A_65 = arith.constant 8 : i32
      %scan3A_66 = arith.addi %scan3A_64, %scan3A_65 : i32
      %scan3A_67 = arith.constant 1 : i32
      scf.for %scan3A_69 = %scan3A_64 to %scan3A_66 step %scan3A_67  : i32 {
        %mul3A_70 = arith.constant 16 : i32
        %mul3A_71 = arith.muli %scan3A_69, %mul3A_70 : i32
        %add3A_72 = arith.constant 0 : i32
        %add3A_73 = arith.addi %add3A_72, %mul3A_71 : i32
        %broadcast_in_dim3A = arith.constant 0.000000e+00 : f32
        %broadcast_in_dim3A_74 = vector.broadcast %broadcast_in_dim3A : f32 to vector<16xf32>
        %swap3A = arith.index_cast %add3A_63 : i32 to index
        %swap3A_75 = arith.index_cast %add3A_73 : i32 to index
        %swap3A_76 = tpu.vector_load %arg5[%swap3A, %swap3A_75] {strides = array<i32>} : memref<80x128xf32, #tpu.memory_space<vmem>>, vector<1x16xf32>,
        %swap3A_77 = vector.shape_cast %swap3A_76 : vector<1x16xf32> to vector<16xf32>
        %swap3A_78 = vector.shape_cast %broadcast_in_dim3A_74 : vector<16xf32> to vector<1x16xf32>
        tpu.vector_store %arg5[%swap3A, %swap3A_75], %swap3A_78 {strides = array<i32>} : memref<80x128xf32, #tpu.memory_space<vmem>>, vector<1x16xf32>,
      }
      %scan3A_68 = arith.constant 8 : i32
    }
    %scan3A_3 = arith.constant 80 : i32
    %mul3A = arith.constant 80 : i32
    %mul3A_4 = arith.muli %arg1, %mul3A : i32
    %sub3A = arith.constant 10000 : i32
    %sub3A_5 = arith.subi %sub3A, %mul3A_4 : i32
    %sub3A_6 = arith.constant 1280 : i32
    %sub3A_7 = arith.constant 1 : i32
    %sub3A_8 = arith.subi %sub3A_6, %sub3A_7 : i32
    %add3A = arith.addi %sub3A_5, %sub3A_8 : i32
    %div3A = arith.constant 1280 : i32
    %div3A_9 = arith.divsi %add3A, %div3A : i32
    %while3A = arith.constant 1280 : i32
    %while3A_10 = arith.constant 0 : i32
    %while3A_11 = arith.subi %div3A_9, %while3A_10 : i32
    %while3A_12 = arith.addi %while3A_10, %while3A_11 : i32
    %while3A_13 = arith.constant 1 : i32
    %while3A_14 = arith.divsi %while3A_11, %while3A_13 : i32
    %while3A_15 = arith.muli %while3A_14, %while3A_13 : i32
    %while3A_16 = arith.addi %while3A_10, %while3A_15 : i32
    %while3A_17 = arith.constant 1 : i32
    scf.for %while3A_59 = %while3A_10 to %while3A_16 step %while3A_17  : i32 {
      %mul3A_60 = arith.muli %while3A_59, %while3A : i32
      %add3A_61 = arith.addi %mul3A_4, %mul3A_60 : i32
      "tpu.region"() ({
        %run_scoped3A = tpu.sem_alloc : memref<!tpu.dma_semaphore, #tpu.memory_space<semaphore_mem>>
        %dma_start3A = arith.constant 0 : i32
        %dma_start3A_62 = tpu.memref_slice %arg6[%add3A_61, %dma_start3A] : memref<10000x128xf32, #tpu.memory_space<vmem_shared>> -> memref<80x128xf32, #tpu.memory_space<vmem_shared>>
        %dma_start3A_63 = arith.constant 0 : i32
        %dma_start3A_64 = tpu.memref_slice %arg6[%add3A_61, %dma_start3A_63] : memref<10000x128xf32, #tpu.memory_space<vmem_shared>> -> memref<80x128xf32, #tpu.memory_space<vmem_shared>>
        tpu.enqueue_dma source(%arg5 : memref<80x128xf32, #tpu.memory_space<vmem>>) target(%dma_start3A_64 : memref<80x128xf32, #tpu.memory_space<vmem_shared>>) target_semaphore(%run_scoped3A : memref<!tpu.dma_semaphore, #tpu.memory_space<semaphore_mem>>)
        %dma_wait3A = arith.constant 0 : i32
        %dma_wait3A_65 = tpu.memref_slice %arg6[%add3A_61, %dma_wait3A] : memref<10000x128xf32, #tpu.memory_space<vmem_shared>> -> memref<80x128xf32, #tpu.memory_space<vmem_shared>>
        %dma_wait3A_66 = arith.constant 0 : i32
        %dma_wait3A_67 = tpu.memref_slice %arg6[%add3A_61, %dma_wait3A_66] : memref<10000x128xf32, #tpu.memory_space<vmem_shared>> -> memref<80x128xf32, #tpu.memory_space<vmem_shared>>
        tpu.wait_dma2 semaphore(%run_scoped3A : memref<!tpu.dma_semaphore, #tpu.memory_space<semaphore_mem>>) src(%arg5 : memref<80x128xf32, #tpu.memory_space<vmem>>) dst(%dma_wait3A_67 : memref<80x128xf32, #tpu.memory_space<vmem_shared>>)
        tpu.yield
      }) : () -> ()
    }
    %while3A_18 = arith.constant 1 : i32
    scf.for %while3A_59 = %while3A_16 to %while3A_12 step %while3A_18  : i32 {
      %mul3A_60 = arith.muli %while3A_59, %while3A : i32
      %add3A_61 = arith.addi %mul3A_4, %mul3A_60 : i32
      "tpu.region"() ({
        %run_scoped3A = tpu.sem_alloc : memref<!tpu.dma_semaphore, #tpu.memory_space<semaphore_mem>>
        %dma_start3A = arith.constant 0 : i32
        %dma_start3A_62 = tpu.memref_slice %arg6[%add3A_61, %dma_start3A] : memref<10000x128xf32, #tpu.memory_space<vmem_shared>> -> memref<80x128xf32, #tpu.memory_space<vmem_shared>>
        %dma_start3A_63 = arith.constant 0 : i32
        %dma_start3A_64 = tpu.memref_slice %arg6[%add3A_61, %dma_start3A_63] : memref<10000x128xf32, #tpu.memory_space<vmem_shared>> -> memref<80x128xf32, #tpu.memory_space<vmem_shared>>
        tpu.enqueue_dma source(%arg5 : memref<80x128xf32, #tpu.memory_space<vmem>>) target(%dma_start3A_64 : memref<80x128xf32, #tpu.memory_space<vmem_shared>>) target_semaphore(%run_scoped3A : memref<!tpu.dma_semaphore, #tpu.memory_space<semaphore_mem>>)
        %dma_wait3A = arith.constant 0 : i32
        %dma_wait3A_65 = tpu.memref_slice %arg6[%add3A_61, %dma_wait3A] : memref<10000x128xf32, #tpu.memory_space<vmem_shared>> -> memref<80x128xf32, #tpu.memory_space<vmem_shared>>
        %dma_wait3A_66 = arith.constant 0 : i32
        %dma_wait3A_67 = tpu.memref_slice %arg6[%add3A_61, %dma_wait3A_66] : memref<10000x128xf32, #tpu.memory_space<vmem_shared>> -> memref<80x128xf32, #tpu.memory_space<vmem_shared>>
        tpu.wait_dma2 semaphore(%run_scoped3A : memref<!tpu.dma_semaphore, #tpu.memory_space<semaphore_mem>>) src(%arg5 : memref<80x128xf32, #tpu.memory_space<vmem>>) dst(%dma_wait3A_67 : memref<80x128xf32, #tpu.memory_space<vmem_shared>>)
        tpu.yield
      }) : () -> ()
    }
    %barrier3A = arith.constant 0 : index
    tpu.barrier barrier_id(%barrier3A)
    %mul3A_19 = arith.constant 1 : i32
    %mul3A_20 = arith.muli %arg1, %mul3A_19 : i32
    %add3A_21 = arith.constant 0 : i32
    %add3A_22 = arith.addi %add3A_21, %mul3A_20 : i32
    %mul3A_23 = arith.constant 16 : i32
    %mul3A_24 = arith.muli %arg0, %mul3A_23 : i32
    %add3A_25 = arith.addi %add3A_22, %mul3A_24 : i32
    %lt3A = arith.constant 4 : i32
    %lt3A_26 = arith.cmpi slt, %add3A_25, %lt3A : i32
    %jit3A = arith.constant 79 : i32
    %jit3A_27 = arith.constant 78 : i32
    %select_n3A = arith.select %lt3A_26, %jit3A, %jit3A_27 : i32
    %lt3A_28 = arith.constant 4 : i32
    %lt3A_29 = arith.cmpi slt, %add3A_25, %lt3A_28 : i32
    %mul3A_30 = arith.muli %add3A_25, %select_n3A : i32
    %mul3A_31 = arith.constant 78 : i32
    %mul3A_32 = arith.muli %add3A_25, %mul3A_31 : i32
    %add3A_33 = arith.constant 4 : i32
    %add3A_34 = arith.addi %mul3A_32, %add3A_33 : i32
    %select_n3A_35 = arith.select %lt3A_29, %mul3A_30, %add3A_34 : i32
    %mul3A_36 = arith.constant 1 : i32
    %mul3A_37 = arith.muli %mul3A_36, %select_n3A : i32
    "tpu.region"() ({
      %run_scoped3A = memref.alloca() : memref<2x1x128xi32, #tpu.memory_space<vmem>>
      %run_scoped3A_59 = tpu.sem_alloc : memref<2x!tpu.dma_semaphore, #tpu.memory_space<semaphore_mem>>
      %run_scoped3A_60 = memref.alloca() : memref<2x128x128xf32, #tpu.memory_space<vmem>>
      %run_scoped3A_61 = tpu.sem_alloc : memref<2x!tpu.dma_semaphore, #tpu.memory_space<semaphore_mem>>
      %gt3A = arith.constant 0 : i32
      %gt3A_62 = arith.cmpi sgt, %mul3A_37, %gt3A : i32
      %convert_element_type3A = arith.extui %gt3A_62 : i1 to i32
      %cond3A = arith.constant 0 : i32
      %cond3A_63 = arith.cmpi ne, %convert_element_type3A, %cond3A : i32
      scf.if %cond3A_63 {
        %mul3A_64 = arith.constant 1 : i32
        %mul3A_65 = arith.muli %mul3A_64, %select_n3A : i32
        %sub3A_66 = arith.constant 1 : i32
        %sub3A_67 = arith.subi %mul3A_65, %sub3A_66 : i32
        %eq3A = arith.constant 0 : i32
        %eq3A_68 = arith.cmpi eq, %sub3A_67, %eq3A : i32
        %add3A_69 = arith.constant 0 : i32
        %add3A_70 = arith.addi %add3A_69, %select_n3A_35 : i32
        %select_n3A_71 = arith.constant true
        %select_n3A_72 = arith.constant 0 : i32
        %select_n3A_73 = arith.constant -1 : i32
        %select_n3A_74 = arith.select %select_n3A_71, %select_n3A_73, %select_n3A_72 : i32
        %eq3A_75 = arith.constant -1 : i32
        %eq3A_76 = arith.cmpi eq, %select_n3A_74, %eq3A_75 : i32
        %sub3A_77 = arith.constant 1 : i32
        %sub3A_78 = arith.subi %select_n3A, %sub3A_77 : i32
        %select_n3A_79 = arith.select %eq3A_76, %sub3A_78, %select_n3A_74 : i32
        %add3A_80 = arith.addi %select_n3A_79, %select_n3A_35 : i32
        %select_n3A_81 = arith.constant true
        %select_n3A_82 = arith.constant 0 : i32
        %select_n3A_83 = arith.constant 1 : i32
        %select_n3A_84 = arith.select %select_n3A_81, %select_n3A_83, %select_n3A_82 : i32
        %eq3A_85 = arith.cmpi eq, %select_n3A_84, %select_n3A : i32
        %select_n3A_86 = arith.constant 0 : i32
        %select_n3A_87 = arith.select %eq3A_85, %select_n3A_86, %select_n3A_84 : i32
        %add3A_88 = arith.addi %select_n3A_87, %select_n3A_35 : i32
        %add3A_89 = arith.constant 1 : i32
        %add3A_90 = arith.addi %select_n3A_87, %add3A_89 : i32
        %select_n3A_91 = arith.constant true
        %select_n3A_92 = arith.select %select_n3A_91, %add3A_90, %select_n3A_87 : i32
        %eq3A_93 = arith.cmpi eq, %select_n3A_92, %select_n3A : i32
        %select_n3A_94 = arith.constant 0 : i32
        %select_n3A_95 = arith.select %eq3A_93, %select_n3A_94, %select_n3A_92 : i32
        %add3A_96 = arith.addi %select_n3A_95, %select_n3A_35 : i32
        "tpu.trace_start"() <{level = 10 : i32, message = "ep_initialize_0"}> : () -> ()
        %rem3A = arith.constant 0 : i32
        %rem3A_97 = arith.constant 2 : i32
        %rem3A_98 = arith.remui %rem3A, %rem3A_97 : i32
        %mul3A_99 = arith.constant 128 : i32
        %mul3A_100 = arith.muli %mul3A_99, %add3A_70 : i32
        %dma_start3A = arith.constant 0 : i32
        %dma_start3A_101 = arith.constant 0 : i32
        %dma_start3A_102 = tpu.memref_slice %run_scoped3A[%rem3A_98, %dma_start3A, %dma_start3A_101] : memref<2x1x128xi32, #tpu.memory_space<vmem>> -> memref<1x1x128xi32, #tpu.memory_space<vmem>>
        %dma_start3A_103 = tpu.memref_squeeze %dma_start3A_102 : memref<1x1x128xi32, #tpu.memory_space<vmem>> -> memref<1x128xi32, #tpu.memory_space<vmem>>
        %dma_start3A_104 = arith.constant 0 : i32
        %dma_start3A_105 = tpu.memref_slice %arg3[%dma_start3A_104, %mul3A_100] : memref<1x320000xi32, #tpu.memory_space<hbm>> -> memref<1x128xi32, #tpu.memory_space<hbm>>
        %dma_start3A_106 = tpu.memref_slice %run_scoped3A_59[%rem3A_98] : memref<2x!tpu.dma_semaphore, #tpu.memory_space<semaphore_mem>> -> memref<1x!tpu.dma_semaphore, #tpu.memory_space<semaphore_mem>>
        %dma_start3A_107 = tpu.memref_squeeze %dma_start3A_106 : memref<1x!tpu.dma_semaphore, #tpu.memory_space<semaphore_mem>> -> memref<!tpu.dma_semaphore, #tpu.memory_space<semaphore_mem>>
        %dma_start3A_108 = arith.constant 0 : i32
        %dma_start3A_109 = arith.constant 0 : i32
        %dma_start3A_110 = tpu.memref_slice %run_scoped3A[%rem3A_98, %dma_start3A_108, %dma_start3A_109] : memref<2x1x128xi32, #tpu.memory_space<vmem>> -> memref<1x1x128xi32, #tpu.memory_space<vmem>>
        %dma_start3A_111 = tpu.memref_squeeze %dma_start3A_110 : memref<1x1x128xi32, #tpu.memory_space<vmem>> -> memref<1x128xi32, #tpu.memory_space<vmem>>
        %dma_start3A_112 = arith.constant 0 : i32
        %dma_start3A_113 = tpu.memref_slice %arg3[%dma_start3A_112, %mul3A_100] : memref<1x320000xi32, #tpu.memory_space<hbm>> -> memref<1x128xi32, #tpu.memory_space<hbm>>
        tpu.enqueue_dma source(%dma_start3A_113 : memref<1x128xi32, #tpu.memory_space<hbm>>) target(%dma_start3A_111 : memref<1x128xi32, #tpu.memory_space<vmem>>) target_semaphore(%dma_start3A_107 : memref<!tpu.dma_semaphore, #tpu.memory_space<semaphore_mem>>)
        %add3A_114 = arith.constant 0 : i32
        %add3A_115 = arith.constant 1 : i32
        %add3A_116 = arith.addi %add3A_114, %add3A_115 : i32
        %select_n3A_117 = arith.constant true
        %select_n3A_118 = arith.constant 0 : i32
        %select_n3A_119 = arith.select %select_n3A_117, %add3A_116, %select_n3A_118 : i32
        %rem3A_120 = arith.constant 0 : i32
        %rem3A_121 = arith.constant 2 : i32
        %rem3A_122 = arith.remui %rem3A_120, %rem3A_121 : i32
        %mul3A_123 = arith.constant 128 : i32
        %mul3A_124 = arith.muli %mul3A_123, %add3A_70 : i32
        %dma_start3A_125 = arith.constant 0 : i32
        %dma_start3A_126 = arith.constant 0 : i32
        %dma_start3A_127 = tpu.memref_slice %run_scoped3A_60[%rem3A_122, %dma_start3A_125, %dma_start3A_126] : memref<2x128x128xf32, #tpu.memory_space<vmem>> -> memref<1x128x128xf32, #tpu.memory_space<vmem>>
        %dma_start3A_128 = tpu.memref_squeeze %dma_start3A_127 : memref<1x128x128xf32, #tpu.memory_space<vmem>> -> memref<128x128xf32, #tpu.memory_space<vmem>>
        %dma_start3A_129 = arith.constant 0 : i32
        %dma_start3A_130 = tpu.memref_slice %arg2[%mul3A_124, %dma_start3A_129] : memref<320000x128xf32, #tpu.memory_space<hbm>> -> memref<128x128xf32, #tpu.memory_space<hbm>>
        %dma_start3A_131 = tpu.memref_slice %run_scoped3A_61[%rem3A_122] : memref<2x!tpu.dma_semaphore, #tpu.memory_space<semaphore_mem>> -> memref<1x!tpu.dma_semaphore, #tpu.memory_space<semaphore_mem>>
        %dma_start3A_132 = tpu.memref_squeeze %dma_start3A_131 : memref<1x!tpu.dma_semaphore, #tpu.memory_space<semaphore_mem>> -> memref<!tpu.dma_semaphore, #tpu.memory_space<semaphore_mem>>
        %dma_start3A_133 = arith.constant 0 : i32
        %dma_start3A_134 = arith.constant 0 : i32
        %dma_start3A_135 = tpu.memref_slice %run_scoped3A_60[%rem3A_122, %dma_start3A_133, %dma_start3A_134] : memref<2x128x128xf32, #tpu.memory_space<vmem>> -> memref<1x128x128xf32, #tpu.memory_space<vmem>>
        %dma_start3A_136 = tpu.memref_squeeze %dma_start3A_135 : memref<1x128x128xf32, #tpu.memory_space<vmem>> -> memref<128x128xf32, #tpu.memory_space<vmem>>
        %dma_start3A_137 = arith.constant 0 : i32
        %dma_start3A_138 = tpu.memref_slice %arg2[%mul3A_124, %dma_start3A_137] : memref<320000x128xf32, #tpu.memory_space<hbm>> -> memref<128x128xf32, #tpu.memory_space<hbm>>
        tpu.enqueue_dma source(%dma_start3A_138 : memref<128x128xf32, #tpu.memory_space<hbm>>) target(%dma_start3A_136 : memref<128x128xf32, #tpu.memory_space<vmem>>) target_semaphore(%dma_start3A_132 : memref<!tpu.dma_semaphore, #tpu.memory_space<semaphore_mem>>)
        %add3A_139 = arith.constant 0 : i32
        %add3A_140 = arith.constant 1 : i32
        %add3A_141 = arith.addi %add3A_139, %add3A_140 : i32
        %select_n3A_142 = arith.constant true
        %select_n3A_143 = arith.constant 0 : i32
        %select_n3A_144 = arith.select %select_n3A_142, %add3A_141, %select_n3A_143 : i32
        %while3A_145 = arith.constant 0 : i32
        %while3A_146 = arith.constant 0 : i32
        %while3A_147 = arith.constant 0 : i32
        %while3A_148 = arith.constant 0 : i32
        "tpu.trace_stop"() : () -> ()
        %while3A_149 = arith.subi %mul3A_37, %while3A_145 : i32
        %while3A_150 = arith.addi %while3A_145, %while3A_149 : i32
        %while3A_151 = arith.constant 1 : i32
        %while3A_152 = arith.divsi %while3A_149, %while3A_151 : i32
        %while3A_153 = arith.muli %while3A_152, %while3A_151 : i32
        %while3A_154 = arith.addi %while3A_145, %while3A_153 : i32
        %while3A_155 = arith.constant 1 : i32
        %while3A_156:5 = scf.for %while3A_210 = %while3A_145 to %while3A_154 step %while3A_155 iter_args(%while3A_211 = %select_n3A_119, %while3A_212 = %while3A_146, %while3A_213 = %select_n3A_144, %while3A_214 = %while3A_147, %while3A_215 = %while3A_148) -> (i32, i32, i32, i32, i32)  : i32 {
          %mul3A_216 = arith.constant 1 : i32
          %mul3A_217 = arith.muli %mul3A_216, %select_n3A : i32
          %eq3A_218 = arith.constant 0 : i32
          %eq3A_219 = arith.cmpi eq, %while3A_210, %eq3A_218 : i32
          %sub3A_220 = arith.constant 1 : i32
          %sub3A_221 = arith.subi %mul3A_217, %sub3A_220 : i32
          %eq3A_222 = arith.cmpi eq, %while3A_210, %sub3A_221 : i32
          %add3A_223 = arith.addi %while3A_215, %select_n3A_35 : i32
          %sub3A_224 = arith.constant 1 : i32
          %sub3A_225 = arith.subi %while3A_215, %sub3A_224 : i32
          %select_n3A_226 = arith.constant true
          %select_n3A_227 = arith.select %select_n3A_226, %sub3A_225, %while3A_215 : i32
          %eq3A_228 = arith.constant -1 : i32
          %eq3A_229 = arith.cmpi eq, %select_n3A_227, %eq3A_228 : i32
          %sub3A_230 = arith.constant 1 : i32
          %sub3A_231 = arith.subi %select_n3A, %sub3A_230 : i32
          %select_n3A_232 = arith.select %eq3A_229, %sub3A_231, %select_n3A_227 : i32
          %add3A_233 = arith.addi %select_n3A_232, %select_n3A_35 : i32
          %add3A_234 = arith.constant 1 : i32
          %add3A_235 = arith.addi %while3A_215, %add3A_234 : i32
          %select_n3A_236 = arith.constant true
          %select_n3A_237 = arith.select %select_n3A_236, %add3A_235, %while3A_215 : i32
          %eq3A_238 = arith.cmpi eq, %select_n3A_237, %select_n3A : i32
          %select_n3A_239 = arith.constant 0 : i32
          %select_n3A_240 = arith.select %eq3A_238, %select_n3A_239, %select_n3A_237 : i32
          %add3A_241 = arith.addi %select_n3A_240, %select_n3A_35 : i32
          %add3A_242 = arith.constant 1 : i32
          %add3A_243 = arith.addi %select_n3A_240, %add3A_242 : i32
          %select_n3A_244 = arith.constant true
          %select_n3A_245 = arith.select %select_n3A_244, %add3A_243, %select_n3A_240 : i32
          %eq3A_246 = arith.cmpi eq, %select_n3A_245, %select_n3A : i32
          %select_n3A_247 = arith.constant 0 : i32
          %select_n3A_248 = arith.select %eq3A_246, %select_n3A_247, %select_n3A_245 : i32
          %add3A_249 = arith.addi %select_n3A_248, %select_n3A_35 : i32
          %ne3A = arith.cmpi ne, %add3A_223, %add3A_241 : i32
          %or3A = arith.constant false
          %or3A_250 = arith.ori %or3A, %ne3A : i1
          %sub3A_251 = arith.constant 2 : i32
          %sub3A_252 = arith.subi %mul3A_217, %sub3A_251 : i32
          %add3A_253 = arith.constant 1 : i32
          %add3A_254 = arith.addi %sub3A_252, %add3A_253 : i32
          %ge3A = arith.cmpi sge, %while3A_210, %add3A_254 : i32
          %not3A = arith.constant true
          %not3A_255 = arith.xori %ge3A, %not3A : i1
          %and3A = arith.andi %or3A_250, %not3A_255 : i1
          %convert_element_type3A_256 = arith.extui %and3A : i1 to i32
          %cond3A_257 = arith.constant 0 : i32
          %cond3A_258 = arith.cmpi ne, %convert_element_type3A_256, %cond3A_257 : i32
          scf.if %cond3A_258 {
            "tpu.trace_start"() <{level = 10 : i32, message = "ep_copy_in"}> : () -> ()
            %rem3A_373 = arith.constant 2 : i32
            %rem3A_374 = arith.remui %while3A_211, %rem3A_373 : i32
            %mul3A_375 = arith.constant 128 : i32
            %mul3A_376 = arith.muli %mul3A_375, %add3A_241 : i32
            %dma_start3A_377 = arith.constant 0 : i32
            %dma_start3A_378 = arith.constant 0 : i32
            %dma_start3A_379 = tpu.memref_slice %run_scoped3A[%rem3A_374, %dma_start3A_377, %dma_start3A_378] : memref<2x1x128xi32, #tpu.memory_space<vmem>> -> memref<1x1x128xi32, #tpu.memory_space<vmem>>
            %dma_start3A_380 = tpu.memref_squeeze %dma_start3A_379 : memref<1x1x128xi32, #tpu.memory_space<vmem>> -> memref<1x128xi32, #tpu.memory_space<vmem>>
            %dma_start3A_381 = arith.constant 0 : i32
            %dma_start3A_382 = tpu.memref_slice %arg3[%dma_start3A_381, %mul3A_376] : memref<1x320000xi32, #tpu.memory_space<hbm>> -> memref<1x128xi32, #tpu.memory_space<hbm>>
            %dma_start3A_383 = tpu.memref_slice %run_scoped3A_59[%rem3A_374] : memref<2x!tpu.dma_semaphore, #tpu.memory_space<semaphore_mem>> -> memref<1x!tpu.dma_semaphore, #tpu.memory_space<semaphore_mem>>
            %dma_start3A_384 = tpu.memref_squeeze %dma_start3A_383 : memref<1x!tpu.dma_semaphore, #tpu.memory_space<semaphore_mem>> -> memref<!tpu.dma_semaphore, #tpu.memory_space<semaphore_mem>>
            %dma_start3A_385 = arith.constant 0 : i32
            %dma_start3A_386 = arith.constant 0 : i32
            %dma_start3A_387 = tpu.memref_slice %run_scoped3A[%rem3A_374, %dma_start3A_385, %dma_start3A_386] : memref<2x1x128xi32, #tpu.memory_space<vmem>> -> memref<1x1x128xi32, #tpu.memory_space<vmem>>
            %dma_start3A_388 = tpu.memref_squeeze %dma_start3A_387 : memref<1x1x128xi32, #tpu.memory_space<vmem>> -> memref<1x128xi32, #tpu.memory_space<vmem>>
            %dma_start3A_389 = arith.constant 0 : i32
            %dma_start3A_390 = tpu.memref_slice %arg3[%dma_start3A_389, %mul3A_376] : memref<1x320000xi32, #tpu.memory_space<hbm>> -> memref<1x128xi32, #tpu.memory_space<hbm>>
            tpu.enqueue_dma source(%dma_start3A_390 : memref<1x128xi32, #tpu.memory_space<hbm>>) target(%dma_start3A_388 : memref<1x128xi32, #tpu.memory_space<vmem>>) target_semaphore(%dma_start3A_384 : memref<!tpu.dma_semaphore, #tpu.memory_space<semaphore_mem>>)
            "tpu.trace_stop"() : () -> ()
          } else {
          }
          %and3A_259 = arith.constant true
          %and3A_260 = arith.andi %and3A, %and3A_259 : i1
          %add3A_261 = arith.constant 1 : i32
          %add3A_262 = arith.addi %while3A_211, %add3A_261 : i32
          %select_n3A_263 = arith.select %and3A_260, %add3A_262, %while3A_211 : i32
          %ne3A_264 = arith.cmpi ne, %add3A_223, %add3A_241 : i32
          %or3A_265 = arith.constant false
          %or3A_266 = arith.ori %or3A_265, %ne3A_264 : i1
          %or3A_267 = arith.constant false
          %or3A_268 = arith.ori %or3A_266, %or3A_267 : i1
          %sub3A_269 = arith.constant 2 : i32
          %sub3A_270 = arith.subi %mul3A_217, %sub3A_269 : i32
          %add3A_271 = arith.constant 1 : i32
          %add3A_272 = arith.addi %sub3A_270, %add3A_271 : i32
          %ge3A_273 = arith.cmpi sge, %while3A_210, %add3A_272 : i32
          %not3A_274 = arith.constant true
          %not3A_275 = arith.xori %ge3A_273, %not3A_274 : i1
          %and3A_276 = arith.andi %or3A_268, %not3A_275 : i1
          %convert_element_type3A_277 = arith.extui %and3A_276 : i1 to i32
          %cond3A_278 = arith.constant 0 : i32
          %cond3A_279 = arith.cmpi ne, %convert_element_type3A_277, %cond3A_278 : i32
          scf.if %cond3A_279 {
            "tpu.trace_start"() <{level = 10 : i32, message = "ep_copy_in"}> : () -> ()
            %rem3A_373 = arith.constant 2 : i32
            %rem3A_374 = arith.remui %while3A_213, %rem3A_373 : i32
            %mul3A_375 = arith.constant 128 : i32
            %mul3A_376 = arith.muli %mul3A_375, %add3A_241 : i32
            %dma_start3A_377 = arith.constant 0 : i32
            %dma_start3A_378 = arith.constant 0 : i32
            %dma_start3A_379 = tpu.memref_slice %run_scoped3A_60[%rem3A_374, %dma_start3A_377, %dma_start3A_378] : memref<2x128x128xf32, #tpu.memory_space<vmem>> -> memref<1x128x128xf32, #tpu.memory_space<vmem>>
            %dma_start3A_380 = tpu.memref_squeeze %dma_start3A_379 : memref<1x128x128xf32, #tpu.memory_space<vmem>> -> memref<128x128xf32, #tpu.memory_space<vmem>>
            %dma_start3A_381 = arith.constant 0 : i32
            %dma_start3A_382 = tpu.memref_slice %arg2[%mul3A_376, %dma_start3A_381] : memref<320000x128xf32, #tpu.memory_space<hbm>> -> memref<128x128xf32, #tpu.memory_space<hbm>>
            %dma_start3A_383 = tpu.memref_slice %run_scoped3A_61[%rem3A_374] : memref<2x!tpu.dma_semaphore, #tpu.memory_space<semaphore_mem>> -> memref<1x!tpu.dma_semaphore, #tpu.memory_space<semaphore_mem>>
            %dma_start3A_384 = tpu.memref_squeeze %dma_start3A_383 : memref<1x!tpu.dma_semaphore, #tpu.memory_space<semaphore_mem>> -> memref<!tpu.dma_semaphore, #tpu.memory_space<semaphore_mem>>
            %dma_start3A_385 = arith.constant 0 : i32
            %dma_start3A_386 = arith.constant 0 : i32
            %dma_start3A_387 = tpu.memref_slice %run_scoped3A_60[%rem3A_374, %dma_start3A_385, %dma_start3A_386] : memref<2x128x128xf32, #tpu.memory_space<vmem>> -> memref<1x128x128xf32, #tpu.memory_space<vmem>>
            %dma_start3A_388 = tpu.memref_squeeze %dma_start3A_387 : memref<1x128x128xf32, #tpu.memory_space<vmem>> -> memref<128x128xf32, #tpu.memory_space<vmem>>
            %dma_start3A_389 = arith.constant 0 : i32
            %dma_start3A_390 = tpu.memref_slice %arg2[%mul3A_376, %dma_start3A_389] : memref<320000x128xf32, #tpu.memory_space<hbm>> -> memref<128x128xf32, #tpu.memory_space<hbm>>
            tpu.enqueue_dma source(%dma_start3A_390 : memref<128x128xf32, #tpu.memory_space<hbm>>) target(%dma_start3A_388 : memref<128x128xf32, #tpu.memory_space<vmem>>) target_semaphore(%dma_start3A_384 : memref<!tpu.dma_semaphore, #tpu.memory_space<semaphore_mem>>)
            "tpu.trace_stop"() : () -> ()
          } else {
          }
          %and3A_280 = arith.constant true
          %and3A_281 = arith.andi %and3A_276, %and3A_280 : i1
          %add3A_282 = arith.constant 1 : i32
          %add3A_283 = arith.addi %while3A_213, %add3A_282 : i32
          %select_n3A_284 = arith.select %and3A_281, %add3A_283, %while3A_213 : i32
          %ne3A_285 = arith.cmpi ne, %add3A_223, %add3A_233 : i32
          %or3A_286 = arith.constant false
          %or3A_287 = arith.ori %or3A_286, %ne3A_285 : i1
          %or3A_288 = arith.ori %or3A_287, %eq3A_219 : i1
          %convert_element_type3A_289 = arith.extui %or3A_288 : i1 to i32
          %cond3A_290 = arith.constant 0 : i32
          %cond3A_291 = arith.cmpi ne, %convert_element_type3A_289, %cond3A_290 : i32
          scf.if %cond3A_291 {
            "tpu.trace_start"() <{level = 10 : i32, message = "ep_wait_in"}> : () -> ()
            %mul3A_373 = arith.constant 128 : i32
            %mul3A_374 = arith.muli %mul3A_373, %add3A_223 : i32
            %rem3A_375 = arith.constant 2 : i32
            %rem3A_376 = arith.remui %while3A_212, %rem3A_375 : i32
            %dma_wait3A = arith.constant 0 : i32
            %dma_wait3A_377 = arith.constant 0 : i32
            %dma_wait3A_378 = tpu.memref_slice %run_scoped3A[%rem3A_376, %dma_wait3A, %dma_wait3A_377] : memref<2x1x128xi32, #tpu.memory_space<vmem>> -> memref<1x1x128xi32, #tpu.memory_space<vmem>>
            %dma_wait3A_379 = tpu.memref_squeeze %dma_wait3A_378 : memref<1x1x128xi32, #tpu.memory_space<vmem>> -> memref<1x128xi32, #tpu.memory_space<vmem>>
            %dma_wait3A_380 = arith.constant 0 : i32
            %dma_wait3A_381 = tpu.memref_slice %arg3[%dma_wait3A_380, %mul3A_374] : memref<1x320000xi32, #tpu.memory_space<hbm>> -> memref<1x128xi32, #tpu.memory_space<hbm>>
            %dma_wait3A_382 = tpu.memref_slice %run_scoped3A_59[%rem3A_376] : memref<2x!tpu.dma_semaphore, #tpu.memory_space<semaphore_mem>> -> memref<1x!tpu.dma_semaphore, #tpu.memory_space<semaphore_mem>>
            %dma_wait3A_383 = tpu.memref_squeeze %dma_wait3A_382 : memref<1x!tpu.dma_semaphore, #tpu.memory_space<semaphore_mem>> -> memref<!tpu.dma_semaphore, #tpu.memory_space<semaphore_mem>>
            %dma_wait3A_384 = arith.constant 0 : i32
            %dma_wait3A_385 = arith.constant 0 : i32
            %dma_wait3A_386 = tpu.memref_slice %run_scoped3A[%rem3A_376, %dma_wait3A_384, %dma_wait3A_385] : memref<2x1x128xi32, #tpu.memory_space<vmem>> -> memref<1x1x128xi32, #tpu.memory_space<vmem>>
            %dma_wait3A_387 = tpu.memref_squeeze %dma_wait3A_386 : memref<1x1x128xi32, #tpu.memory_space<vmem>> -> memref<1x128xi32, #tpu.memory_space<vmem>>
            %dma_wait3A_388 = arith.constant 0 : i32
            %dma_wait3A_389 = tpu.memref_slice %arg3[%dma_wait3A_388, %mul3A_374] : memref<1x320000xi32, #tpu.memory_space<hbm>> -> memref<1x128xi32, #tpu.memory_space<hbm>>
            tpu.wait_dma2 semaphore(%dma_wait3A_383 : memref<!tpu.dma_semaphore, #tpu.memory_space<semaphore_mem>>) src(%dma_wait3A_389 : memref<1x128xi32, #tpu.memory_space<hbm>>) dst(%dma_wait3A_387 : memref<1x128xi32, #tpu.memory_space<vmem>>)
            "tpu.trace_stop"() : () -> ()
          } else {
          }
          %ne3A_292 = arith.cmpi ne, %add3A_223, %add3A_233 : i32
          %or3A_293 = arith.constant false
          %or3A_294 = arith.ori %or3A_293, %ne3A_292 : i1
          %or3A_295 = arith.constant false
          %or3A_296 = arith.ori %or3A_294, %or3A_295 : i1
          %or3A_297 = arith.ori %or3A_296, %eq3A_219 : i1
          %convert_element_type3A_298 = arith.extui %or3A_297 : i1 to i32
          %cond3A_299 = arith.constant 0 : i32
          %cond3A_300 = arith.cmpi ne, %convert_element_type3A_298, %cond3A_299 : i32
          scf.if %cond3A_300 {
            "tpu.trace_start"() <{level = 10 : i32, message = "ep_wait_in"}> : () -> ()
            %mul3A_373 = arith.constant 128 : i32
            %mul3A_374 = arith.muli %mul3A_373, %add3A_223 : i32
            %rem3A_375 = arith.constant 2 : i32
            %rem3A_376 = arith.remui %while3A_214, %rem3A_375 : i32
            %dma_wait3A = arith.constant 0 : i32
            %dma_wait3A_377 = arith.constant 0 : i32
            %dma_wait3A_378 = tpu.memref_slice %run_scoped3A_60[%rem3A_376, %dma_wait3A, %dma_wait3A_377] : memref<2x128x128xf32, #tpu.memory_space<vmem>> -> memref<1x128x128xf32, #tpu.memory_space<vmem>>
            %dma_wait3A_379 = tpu.memref_squeeze %dma_wait3A_378 : memref<1x128x128xf32, #tpu.memory_space<vmem>> -> memref<128x128xf32, #tpu.memory_space<vmem>>
            %dma_wait3A_380 = arith.constant 0 : i32
            %dma_wait3A_381 = tpu.memref_slice %arg2[%mul3A_374, %dma_wait3A_380] : memref<320000x128xf32, #tpu.memory_space<hbm>> -> memref<128x128xf32, #tpu.memory_space<hbm>>
            %dma_wait3A_382 = tpu.memref_slice %run_scoped3A_61[%rem3A_376] : memref<2x!tpu.dma_semaphore, #tpu.memory_space<semaphore_mem>> -> memref<1x!tpu.dma_semaphore, #tpu.memory_space<semaphore_mem>>
            %dma_wait3A_383 = tpu.memref_squeeze %dma_wait3A_382 : memref<1x!tpu.dma_semaphore, #tpu.memory_space<semaphore_mem>> -> memref<!tpu.dma_semaphore, #tpu.memory_space<semaphore_mem>>
            %dma_wait3A_384 = arith.constant 0 : i32
            %dma_wait3A_385 = arith.constant 0 : i32
            %dma_wait3A_386 = tpu.memref_slice %run_scoped3A_60[%rem3A_376, %dma_wait3A_384, %dma_wait3A_385] : memref<2x128x128xf32, #tpu.memory_space<vmem>> -> memref<1x128x128xf32, #tpu.memory_space<vmem>>
            %dma_wait3A_387 = tpu.memref_squeeze %dma_wait3A_386 : memref<1x128x128xf32, #tpu.memory_space<vmem>> -> memref<128x128xf32, #tpu.memory_space<vmem>>
            %dma_wait3A_388 = arith.constant 0 : i32
            %dma_wait3A_389 = tpu.memref_slice %arg2[%mul3A_374, %dma_wait3A_388] : memref<320000x128xf32, #tpu.memory_space<hbm>> -> memref<128x128xf32, #tpu.memory_space<hbm>>
            tpu.wait_dma2 semaphore(%dma_wait3A_383 : memref<!tpu.dma_semaphore, #tpu.memory_space<semaphore_mem>>) src(%dma_wait3A_389 : memref<128x128xf32, #tpu.memory_space<hbm>>) dst(%dma_wait3A_387 : memref<128x128xf32, #tpu.memory_space<vmem>>)
            "tpu.trace_stop"() : () -> ()
          } else {
          }
          %rem3A_301 = arith.constant 2 : i32
          %rem3A_302 = arith.remui %while3A_212, %rem3A_301 : i32
          %rem3A_303 = arith.constant 2 : i32
          %rem3A_304 = arith.remui %while3A_214, %rem3A_303 : i32
          %run_scoped3A_305 = arith.constant 0 : i32
          "tpu.trace_start"() <{level = 10 : i32, message = "ep_run_kernel"}> : () -> ()
          "tpu.region"() ({
            %run_scoped3A_373 = tpu.sem_alloc : memref<!tpu.dma_semaphore, #tpu.memory_space<semaphore_mem>>
            %dma_start3A_374 = arith.constant 0 : i32
            %dma_start3A_375 = arith.constant 0 : i32
            %dma_start3A_376 = tpu.memref_slice %run_scoped3A_60[%rem3A_304, %dma_start3A_374, %dma_start3A_375] : memref<2x128x128xf32, #tpu.memory_space<vmem>> -> memref<1x128x128xf32, #tpu.memory_space<vmem>>
            %dma_start3A_377 = tpu.memref_squeeze %dma_start3A_376 : memref<1x128x128xf32, #tpu.memory_space<vmem>> -> memref<128x128xf32, #tpu.memory_space<vmem>>
            %dma_start3A_378 = arith.constant 0 : i32
            %dma_start3A_379 = arith.constant 0 : i32
            %dma_start3A_380 = tpu.memref_slice %run_scoped3A[%rem3A_302, %dma_start3A_378, %dma_start3A_379] : memref<2x1x128xi32, #tpu.memory_space<vmem>> -> memref<1x1x128xi32, #tpu.memory_space<vmem>>
            %dma_start3A_381 = tpu.memref_squeeze %dma_start3A_380 : memref<1x1x128xi32, #tpu.memory_space<vmem>> -> memref<1x128xi32, #tpu.memory_space<vmem>>
            %dma_start3A_382 = arith.constant 0 : i32
            %dma_start3A_383 = tpu.memref_slice %dma_start3A_381[%run_scoped3A_305, %dma_start3A_382] : memref<1x128xi32, #tpu.memory_space<vmem>> -> memref<1x128xi32, #tpu.memory_space<vmem>>
            %dma_start3A_384 = tpu.memref_squeeze %dma_start3A_383 : memref<1x128xi32, #tpu.memory_space<vmem>> -> memref<128xi32, #tpu.memory_space<vmem>>
            %dma_start3A_385 = arith.constant 0 : i32
            %dma_start3A_386 = arith.constant 0 : i32
            %dma_start3A_387 = tpu.memref_slice %arg6[%dma_start3A_385, %dma_start3A_386] : memref<10000x128xf32, #tpu.memory_space<vmem_shared>> -> memref<10000x128xf32, #tpu.memory_space<vmem_shared>>
            tpu.enqueue_indirect_dma source(%dma_start3A_377 : memref<128x128xf32, #tpu.memory_space<vmem>>) target(%dma_start3A_387 : memref<10000x128xf32, #tpu.memory_space<vmem_shared>>) offsets(%dma_start3A_384 : memref<128xi32, #tpu.memory_space<vmem>>) semaphore(%run_scoped3A_373 : memref<!tpu.dma_semaphore, #tpu.memory_space<semaphore_mem>>) {add = true}
            %dma_wait3A = arith.constant 0 : i32
            %dma_wait3A_388 = arith.constant 0 : i32
            %dma_wait3A_389 = tpu.memref_slice %run_scoped3A_60[%rem3A_304, %dma_wait3A, %dma_wait3A_388] : memref<2x128x128xf32, #tpu.memory_space<vmem>> -> memref<1x128x128xf32, #tpu.memory_space<vmem>>
            %dma_wait3A_390 = tpu.memref_squeeze %dma_wait3A_389 : memref<1x128x128xf32, #tpu.memory_space<vmem>> -> memref<128x128xf32, #tpu.memory_space<vmem>>
            %dma_wait3A_391 = arith.constant 0 : i32
            %dma_wait3A_392 = arith.constant 0 : i32
            %dma_wait3A_393 = tpu.memref_slice %run_scoped3A[%rem3A_302, %dma_wait3A_391, %dma_wait3A_392] : memref<2x1x128xi32, #tpu.memory_space<vmem>> -> memref<1x1x128xi32, #tpu.memory_space<vmem>>
            %dma_wait3A_394 = tpu.memref_squeeze %dma_wait3A_393 : memref<1x1x128xi32, #tpu.memory_space<vmem>> -> memref<1x128xi32, #tpu.memory_space<vmem>>
            %dma_wait3A_395 = arith.constant 0 : i32
            %dma_wait3A_396 = tpu.memref_slice %dma_wait3A_394[%run_scoped3A_305, %dma_wait3A_395] : memref<1x128xi32, #tpu.memory_space<vmem>> -> memref<1x128xi32, #tpu.memory_space<vmem>>
            %dma_wait3A_397 = tpu.memref_squeeze %dma_wait3A_396 : memref<1x128xi32, #tpu.memory_space<vmem>> -> memref<128xi32, #tpu.memory_space<vmem>>
            %dma_wait3A_398 = arith.constant 0 : i32
            %dma_wait3A_399 = arith.constant 0 : i32
            %dma_wait3A_400 = tpu.memref_slice %arg6[%dma_wait3A_398, %dma_wait3A_399] : memref<10000x128xf32, #tpu.memory_space<vmem_shared>> -> memref<10000x128xf32, #tpu.memory_space<vmem_shared>>
            tpu.wait_indirect_dma semaphore(%run_scoped3A_373 : memref<!tpu.dma_semaphore, #tpu.memory_space<semaphore_mem>>) src(%dma_wait3A_390 : memref<128x128xf32, #tpu.memory_space<vmem>>) dst(%dma_wait3A_400 : memref<10000x128xf32, #tpu.memory_space<vmem_shared>>)
            tpu.yield
          }) : () -> ()
          "tpu.trace_stop"() : () -> ()
          %ne3A_306 = arith.cmpi ne, %add3A_223, %add3A_241 : i32
          %or3A_307 = arith.constant false
          %or3A_308 = arith.ori %or3A_307, %ne3A_306 : i1
          %or3A_309 = arith.ori %or3A_308, %eq3A_222 : i1
          %convert_element_type3A_310 = arith.extui %or3A_309 : i1 to i32
          %cond3A_311 = arith.constant 0 : i32
          %cond3A_312 = arith.cmpi ne, %convert_element_type3A_310, %cond3A_311 : i32
          scf.if %cond3A_312 {
          } else {
          }
          %and3A_313 = arith.constant false
          %and3A_314 = arith.andi %or3A_309, %and3A_313 : i1
          %ne3A_315 = arith.cmpi ne, %add3A_223, %add3A_241 : i32
          %or3A_316 = arith.constant false
          %or3A_317 = arith.ori %or3A_316, %ne3A_315 : i1
          %or3A_318 = arith.constant false
          %or3A_319 = arith.ori %or3A_317, %or3A_318 : i1
          %or3A_320 = arith.ori %or3A_319, %eq3A_222 : i1
          %convert_element_type3A_321 = arith.extui %or3A_320 : i1 to i32
          %cond3A_322 = arith.constant 0 : i32
          %cond3A_323 = arith.cmpi ne, %convert_element_type3A_321, %cond3A_322 : i32
          scf.if %cond3A_323 {
          } else {
          }
          %and3A_324 = arith.constant false
          %and3A_325 = arith.andi %or3A_320, %and3A_324 : i1
          %ne3A_326 = arith.cmpi ne, %add3A_223, %add3A_233 : i32
          %or3A_327 = arith.constant false
          %or3A_328 = arith.ori %or3A_327, %ne3A_326 : i1
          %not3A_329 = arith.constant true
          %not3A_330 = arith.xori %eq3A_219, %not3A_329 : i1
          %and3A_331 = arith.andi %or3A_328, %not3A_330 : i1
          %convert_element_type3A_332 = arith.extui %and3A_331 : i1 to i32
          %cond3A_333 = arith.constant 0 : i32
          %cond3A_334 = arith.cmpi ne, %convert_element_type3A_332, %cond3A_333 : i32
          scf.if %cond3A_334 {
          } else {
          }
          %and3A_335 = arith.constant false
          %and3A_336 = arith.andi %and3A_331, %and3A_335 : i1
          %ne3A_337 = arith.cmpi ne, %add3A_223, %add3A_233 : i32
          %or3A_338 = arith.constant false
          %or3A_339 = arith.ori %or3A_338, %ne3A_337 : i1
          %or3A_340 = arith.constant false
          %or3A_341 = arith.ori %or3A_339, %or3A_340 : i1
          %not3A_342 = arith.constant true
          %not3A_343 = arith.xori %eq3A_219, %not3A_342 : i1
          %and3A_344 = arith.andi %or3A_341, %not3A_343 : i1
          %convert_element_type3A_345 = arith.extui %and3A_344 : i1 to i32
          %cond3A_346 = arith.constant 0 : i32
          %cond3A_347 = arith.cmpi ne, %convert_element_type3A_345, %cond3A_346 : i32
          scf.if %cond3A_347 {
          } else {
          }
          %and3A_348 = arith.constant false
          %and3A_349 = arith.andi %and3A_344, %and3A_348 : i1
          %ne3A_350 = arith.cmpi ne, %add3A_223, %add3A_241 : i32
          %or3A_351 = arith.constant false
          %or3A_352 = arith.ori %or3A_351, %ne3A_350 : i1
          %or3A_353 = arith.ori %or3A_352, %eq3A_222 : i1
          %add3A_354 = arith.constant 1 : i32
          %add3A_355 = arith.addi %while3A_212, %add3A_354 : i32
          %select_n3A_356 = arith.select %or3A_353, %add3A_355, %while3A_212 : i32
          %ne3A_357 = arith.cmpi ne, %add3A_223, %add3A_241 : i32
          %or3A_358 = arith.constant false
          %or3A_359 = arith.ori %or3A_358, %ne3A_357 : i1
          %or3A_360 = arith.constant false
          %or3A_361 = arith.ori %or3A_359, %or3A_360 : i1
          %or3A_362 = arith.ori %or3A_361, %eq3A_222 : i1
          %add3A_363 = arith.constant 1 : i32
          %add3A_364 = arith.addi %while3A_214, %add3A_363 : i32
          %select_n3A_365 = arith.select %or3A_362, %add3A_364, %while3A_214 : i32
          %add3A_366 = arith.constant 1 : i32
          %add3A_367 = arith.addi %while3A_215, %add3A_366 : i32
          %select_n3A_368 = arith.constant true
          %select_n3A_369 = arith.select %select_n3A_368, %add3A_367, %while3A_215 : i32
          %eq3A_370 = arith.cmpi eq, %select_n3A_369, %select_n3A : i32
          %select_n3A_371 = arith.constant 0 : i32
          %select_n3A_372 = arith.select %eq3A_370, %select_n3A_371, %select_n3A_369 : i32
          scf.yield %select_n3A_263, %select_n3A_356, %select_n3A_284, %select_n3A_365, %select_n3A_372 : i32, i32, i32, i32, i32
        }
        %while3A_157 = arith.constant 1 : i32
        %while3A_158:5 = scf.for %while3A_210 = %while3A_154 to %while3A_150 step %while3A_157 iter_args(%while3A_211 = %while3A_156#0, %while3A_212 = %while3A_156#1, %while3A_213 = %while3A_156#2, %while3A_214 = %while3A_156#3, %while3A_215 = %while3A_156#4) -> (i32, i32, i32, i32, i32)  : i32 {
          %mul3A_216 = arith.constant 1 : i32
          %mul3A_217 = arith.muli %mul3A_216, %select_n3A : i32
          %eq3A_218 = arith.constant 0 : i32
          %eq3A_219 = arith.cmpi eq, %while3A_210, %eq3A_218 : i32
          %sub3A_220 = arith.constant 1 : i32
          %sub3A_221 = arith.subi %mul3A_217, %sub3A_220 : i32
          %eq3A_222 = arith.cmpi eq, %while3A_210, %sub3A_221 : i32
          %add3A_223 = arith.addi %while3A_215, %select_n3A_35 : i32
          %sub3A_224 = arith.constant 1 : i32
          %sub3A_225 = arith.subi %while3A_215, %sub3A_224 : i32
          %select_n3A_226 = arith.constant true
          %select_n3A_227 = arith.select %select_n3A_226, %sub3A_225, %while3A_215 : i32
          %eq3A_228 = arith.constant -1 : i32
          %eq3A_229 = arith.cmpi eq, %select_n3A_227, %eq3A_228 : i32
          %sub3A_230 = arith.constant 1 : i32
          %sub3A_231 = arith.subi %select_n3A, %sub3A_230 : i32
          %select_n3A_232 = arith.select %eq3A_229, %sub3A_231, %select_n3A_227 : i32
          %add3A_233 = arith.addi %select_n3A_232, %select_n3A_35 : i32
          %add3A_234 = arith.constant 1 : i32
          %add3A_235 = arith.addi %while3A_215, %add3A_234 : i32
          %select_n3A_236 = arith.constant true
          %select_n3A_237 = arith.select %select_n3A_236, %add3A_235, %while3A_215 : i32
          %eq3A_238 = arith.cmpi eq, %select_n3A_237, %select_n3A : i32
          %select_n3A_239 = arith.constant 0 : i32
          %select_n3A_240 = arith.select %eq3A_238, %select_n3A_239, %select_n3A_237 : i32
          %add3A_241 = arith.addi %select_n3A_240, %select_n3A_35 : i32
          %add3A_242 = arith.constant 1 : i32
          %add3A_243 = arith.addi %select_n3A_240, %add3A_242 : i32
          %select_n3A_244 = arith.constant true
          %select_n3A_245 = arith.select %select_n3A_244, %add3A_243, %select_n3A_240 : i32
          %eq3A_246 = arith.cmpi eq, %select_n3A_245, %select_n3A : i32
          %select_n3A_247 = arith.constant 0 : i32
          %select_n3A_248 = arith.select %eq3A_246, %select_n3A_247, %select_n3A_245 : i32
          %add3A_249 = arith.addi %select_n3A_248, %select_n3A_35 : i32
          %ne3A = arith.cmpi ne, %add3A_223, %add3A_241 : i32
          %or3A = arith.constant false
          %or3A_250 = arith.ori %or3A, %ne3A : i1
          %sub3A_251 = arith.constant 2 : i32
          %sub3A_252 = arith.subi %mul3A_217, %sub3A_251 : i32
          %add3A_253 = arith.constant 1 : i32
          %add3A_254 = arith.addi %sub3A_252, %add3A_253 : i32
          %ge3A = arith.cmpi sge, %while3A_210, %add3A_254 : i32
          %not3A = arith.constant true
          %not3A_255 = arith.xori %ge3A, %not3A : i1
          %and3A = arith.andi %or3A_250, %not3A_255 : i1
          %convert_element_type3A_256 = arith.extui %and3A : i1 to i32
          %cond3A_257 = arith.constant 0 : i32
          %cond3A_258 = arith.cmpi ne, %convert_element_type3A_256, %cond3A_257 : i32
          scf.if %cond3A_258 {
            "tpu.trace_start"() <{level = 10 : i32, message = "ep_copy_in"}> : () -> ()
            %rem3A_373 = arith.constant 2 : i32
            %rem3A_374 = arith.remui %while3A_211, %rem3A_373 : i32
            %mul3A_375 = arith.constant 128 : i32
            %mul3A_376 = arith.muli %mul3A_375, %add3A_241 : i32
            %dma_start3A_377 = arith.constant 0 : i32
            %dma_start3A_378 = arith.constant 0 : i32
            %dma_start3A_379 = tpu.memref_slice %run_scoped3A[%rem3A_374, %dma_start3A_377, %dma_start3A_378] : memref<2x1x128xi32, #tpu.memory_space<vmem>> -> memref<1x1x128xi32, #tpu.memory_space<vmem>>
            %dma_start3A_380 = tpu.memref_squeeze %dma_start3A_379 : memref<1x1x128xi32, #tpu.memory_space<vmem>> -> memref<1x128xi32, #tpu.memory_space<vmem>>
            %dma_start3A_381 = arith.constant 0 : i32
            %dma_start3A_382 = tpu.memref_slice %arg3[%dma_start3A_381, %mul3A_376] : memref<1x320000xi32, #tpu.memory_space<hbm>> -> memref<1x128xi32, #tpu.memory_space<hbm>>
            %dma_start3A_383 = tpu.memref_slice %run_scoped3A_59[%rem3A_374] : memref<2x!tpu.dma_semaphore, #tpu.memory_space<semaphore_mem>> -> memref<1x!tpu.dma_semaphore, #tpu.memory_space<semaphore_mem>>
            %dma_start3A_384 = tpu.memref_squeeze %dma_start3A_383 : memref<1x!tpu.dma_semaphore, #tpu.memory_space<semaphore_mem>> -> memref<!tpu.dma_semaphore, #tpu.memory_space<semaphore_mem>>
            %dma_start3A_385 = arith.constant 0 : i32
            %dma_start3A_386 = arith.constant 0 : i32
            %dma_start3A_387 = tpu.memref_slice %run_scoped3A[%rem3A_374, %dma_start3A_385, %dma_start3A_386] : memref<2x1x128xi32, #tpu.memory_space<vmem>> -> memref<1x1x128xi32, #tpu.memory_space<vmem>>
            %dma_start3A_388 = tpu.memref_squeeze %dma_start3A_387 : memref<1x1x128xi32, #tpu.memory_space<vmem>> -> memref<1x128xi32, #tpu.memory_space<vmem>>
            %dma_start3A_389 = arith.constant 0 : i32
            %dma_start3A_390 = tpu.memref_slice %arg3[%dma_start3A_389, %mul3A_376] : memref<1x320000xi32, #tpu.memory_space<hbm>> -> memref<1x128xi32, #tpu.memory_space<hbm>>
            tpu.enqueue_dma source(%dma_start3A_390 : memref<1x128xi32, #tpu.memory_space<hbm>>) target(%dma_start3A_388 : memref<1x128xi32, #tpu.memory_space<vmem>>) target_semaphore(%dma_start3A_384 : memref<!tpu.dma_semaphore, #tpu.memory_space<semaphore_mem>>)
            "tpu.trace_stop"() : () -> ()
          } else {
          }
          %and3A_259 = arith.constant true
          %and3A_260 = arith.andi %and3A, %and3A_259 : i1
          %add3A_261 = arith.constant 1 : i32
          %add3A_262 = arith.addi %while3A_211, %add3A_261 : i32
          %select_n3A_263 = arith.select %and3A_260, %add3A_262, %while3A_211 : i32
          %ne3A_264 = arith.cmpi ne, %add3A_223, %add3A_241 : i32
          %or3A_265 = arith.constant false
          %or3A_266 = arith.ori %or3A_265, %ne3A_264 : i1
          %or3A_267 = arith.constant false
          %or3A_268 = arith.ori %or3A_266, %or3A_267 : i1
          %sub3A_269 = arith.constant 2 : i32
          %sub3A_270 = arith.subi %mul3A_217, %sub3A_269 : i32
          %add3A_271 = arith.constant 1 : i32
          %add3A_272 = arith.addi %sub3A_270, %add3A_271 : i32
          %ge3A_273 = arith.cmpi sge, %while3A_210, %add3A_272 : i32
          %not3A_274 = arith.constant true
          %not3A_275 = arith.xori %ge3A_273, %not3A_274 : i1
          %and3A_276 = arith.andi %or3A_268, %not3A_275 : i1
          %convert_element_type3A_277 = arith.extui %and3A_276 : i1 to i32
          %cond3A_278 = arith.constant 0 : i32
          %cond3A_279 = arith.cmpi ne, %convert_element_type3A_277, %cond3A_278 : i32
          scf.if %cond3A_279 {
            "tpu.trace_start"() <{level = 10 : i32, message = "ep_copy_in"}> : () -> ()
            %rem3A_373 = arith.constant 2 : i32
            %rem3A_374 = arith.remui %while3A_213, %rem3A_373 : i32
            %mul3A_375 = arith.constant 128 : i32
            %mul3A_376 = arith.muli %mul3A_375, %add3A_241 : i32
            %dma_start3A_377 = arith.constant 0 : i32
            %dma_start3A_378 = arith.constant 0 : i32
            %dma_start3A_379 = tpu.memref_slice %run_scoped3A_60[%rem3A_374, %dma_start3A_377, %dma_start3A_378] : memref<2x128x128xf32, #tpu.memory_space<vmem>> -> memref<1x128x128xf32, #tpu.memory_space<vmem>>
            %dma_start3A_380 = tpu.memref_squeeze %dma_start3A_379 : memref<1x128x128xf32, #tpu.memory_space<vmem>> -> memref<128x128xf32, #tpu.memory_space<vmem>>
            %dma_start3A_381 = arith.constant 0 : i32
            %dma_start3A_382 = tpu.memref_slice %arg2[%mul3A_376, %dma_start3A_381] : memref<320000x128xf32, #tpu.memory_space<hbm>> -> memref<128x128xf32, #tpu.memory_space<hbm>>
            %dma_start3A_383 = tpu.memref_slice %run_scoped3A_61[%rem3A_374] : memref<2x!tpu.dma_semaphore, #tpu.memory_space<semaphore_mem>> -> memref<1x!tpu.dma_semaphore, #tpu.memory_space<semaphore_mem>>
            %dma_start3A_384 = tpu.memref_squeeze %dma_start3A_383 : memref<1x!tpu.dma_semaphore, #tpu.memory_space<semaphore_mem>> -> memref<!tpu.dma_semaphore, #tpu.memory_space<semaphore_mem>>
            %dma_start3A_385 = arith.constant 0 : i32
            %dma_start3A_386 = arith.constant 0 : i32
            %dma_start3A_387 = tpu.memref_slice %run_scoped3A_60[%rem3A_374, %dma_start3A_385, %dma_start3A_386] : memref<2x128x128xf32, #tpu.memory_space<vmem>> -> memref<1x128x128xf32, #tpu.memory_space<vmem>>
            %dma_start3A_388 = tpu.memref_squeeze %dma_start3A_387 : memref<1x128x128xf32, #tpu.memory_space<vmem>> -> memref<128x128xf32, #tpu.memory_space<vmem>>
            %dma_start3A_389 = arith.constant 0 : i32
            %dma_start3A_390 = tpu.memref_slice %arg2[%mul3A_376, %dma_start3A_389] : memref<320000x128xf32, #tpu.memory_space<hbm>> -> memref<128x128xf32, #tpu.memory_space<hbm>>
            tpu.enqueue_dma source(%dma_start3A_390 : memref<128x128xf32, #tpu.memory_space<hbm>>) target(%dma_start3A_388 : memref<128x128xf32, #tpu.memory_space<vmem>>) target_semaphore(%dma_start3A_384 : memref<!tpu.dma_semaphore, #tpu.memory_space<semaphore_mem>>)
            "tpu.trace_stop"() : () -> ()
          } else {
          }
          %and3A_280 = arith.constant true
          %and3A_281 = arith.andi %and3A_276, %and3A_280 : i1
          %add3A_282 = arith.constant 1 : i32
          %add3A_283 = arith.addi %while3A_213, %add3A_282 : i32
          %select_n3A_284 = arith.select %and3A_281, %add3A_283, %while3A_213 : i32
          %ne3A_285 = arith.cmpi ne, %add3A_223, %add3A_233 : i32
          %or3A_286 = arith.constant false
          %or3A_287 = arith.ori %or3A_286, %ne3A_285 : i1
          %or3A_288 = arith.ori %or3A_287, %eq3A_219 : i1
          %convert_element_type3A_289 = arith.extui %or3A_288 : i1 to i32
          %cond3A_290 = arith.constant 0 : i32
          %cond3A_291 = arith.cmpi ne, %convert_element_type3A_289, %cond3A_290 : i32
          scf.if %cond3A_291 {
            "tpu.trace_start"() <{level = 10 : i32, message = "ep_wait_in"}> : () -> ()
            %mul3A_373 = arith.constant 128 : i32
            %mul3A_374 = arith.muli %mul3A_373, %add3A_223 : i32
            %rem3A_375 = arith.constant 2 : i32
            %rem3A_376 = arith.remui %while3A_212, %rem3A_375 : i32
            %dma_wait3A = arith.constant 0 : i32
            %dma_wait3A_377 = arith.constant 0 : i32
            %dma_wait3A_378 = tpu.memref_slice %run_scoped3A[%rem3A_376, %dma_wait3A, %dma_wait3A_377] : memref<2x1x128xi32, #tpu.memory_space<vmem>> -> memref<1x1x128xi32, #tpu.memory_space<vmem>>
            %dma_wait3A_379 = tpu.memref_squeeze %dma_wait3A_378 : memref<1x1x128xi32, #tpu.memory_space<vmem>> -> memref<1x128xi32, #tpu.memory_space<vmem>>
            %dma_wait3A_380 = arith.constant 0 : i32
            %dma_wait3A_381 = tpu.memref_slice %arg3[%dma_wait3A_380, %mul3A_374] : memref<1x320000xi32, #tpu.memory_space<hbm>> -> memref<1x128xi32, #tpu.memory_space<hbm>>
            %dma_wait3A_382 = tpu.memref_slice %run_scoped3A_59[%rem3A_376] : memref<2x!tpu.dma_semaphore, #tpu.memory_space<semaphore_mem>> -> memref<1x!tpu.dma_semaphore, #tpu.memory_space<semaphore_mem>>
            %dma_wait3A_383 = tpu.memref_squeeze %dma_wait3A_382 : memref<1x!tpu.dma_semaphore, #tpu.memory_space<semaphore_mem>> -> memref<!tpu.dma_semaphore, #tpu.memory_space<semaphore_mem>>
            %dma_wait3A_384 = arith.constant 0 : i32
            %dma_wait3A_385 = arith.constant 0 : i32
            %dma_wait3A_386 = tpu.memref_slice %run_scoped3A[%rem3A_376, %dma_wait3A_384, %dma_wait3A_385] : memref<2x1x128xi32, #tpu.memory_space<vmem>> -> memref<1x1x128xi32, #tpu.memory_space<vmem>>
            %dma_wait3A_387 = tpu.memref_squeeze %dma_wait3A_386 : memref<1x1x128xi32, #tpu.memory_space<vmem>> -> memref<1x128xi32, #tpu.memory_space<vmem>>
            %dma_wait3A_388 = arith.constant 0 : i32
            %dma_wait3A_389 = tpu.memref_slice %arg3[%dma_wait3A_388, %mul3A_374] : memref<1x320000xi32, #tpu.memory_space<hbm>> -> memref<1x128xi32, #tpu.memory_space<hbm>>
            tpu.wait_dma2 semaphore(%dma_wait3A_383 : memref<!tpu.dma_semaphore, #tpu.memory_space<semaphore_mem>>) src(%dma_wait3A_389 : memref<1x128xi32, #tpu.memory_space<hbm>>) dst(%dma_wait3A_387 : memref<1x128xi32, #tpu.memory_space<vmem>>)
            "tpu.trace_stop"() : () -> ()
          } else {
          }
          %ne3A_292 = arith.cmpi ne, %add3A_223, %add3A_233 : i32
          %or3A_293 = arith.constant false
          %or3A_294 = arith.ori %or3A_293, %ne3A_292 : i1
          %or3A_295 = arith.constant false
          %or3A_296 = arith.ori %or3A_294, %or3A_295 : i1
          %or3A_297 = arith.ori %or3A_296, %eq3A_219 : i1
          %convert_element_type3A_298 = arith.extui %or3A_297 : i1 to i32
          %cond3A_299 = arith.constant 0 : i32
          %cond3A_300 = arith.cmpi ne, %convert_element_type3A_298, %cond3A_299 : i32
          scf.if %cond3A_300 {
            "tpu.trace_start"() <{level = 10 : i32, message = "ep_wait_in"}> : () -> ()
            %mul3A_373 = arith.constant 128 : i32
            %mul3A_374 = arith.muli %mul3A_373, %add3A_223 : i32
            %rem3A_375 = arith.constant 2 : i32
            %rem3A_376 = arith.remui %while3A_214, %rem3A_375 : i32
            %dma_wait3A = arith.constant 0 : i32
            %dma_wait3A_377 = arith.constant 0 : i32
            %dma_wait3A_378 = tpu.memref_slice %run_scoped3A_60[%rem3A_376, %dma_wait3A, %dma_wait3A_377] : memref<2x128x128xf32, #tpu.memory_space<vmem>> -> memref<1x128x128xf32, #tpu.memory_space<vmem>>
            %dma_wait3A_379 = tpu.memref_squeeze %dma_wait3A_378 : memref<1x128x128xf32, #tpu.memory_space<vmem>> -> memref<128x128xf32, #tpu.memory_space<vmem>>
            %dma_wait3A_380 = arith.constant 0 : i32
            %dma_wait3A_381 = tpu.memref_slice %arg2[%mul3A_374, %dma_wait3A_380] : memref<320000x128xf32, #tpu.memory_space<hbm>> -> memref<128x128xf32, #tpu.memory_space<hbm>>
            %dma_wait3A_382 = tpu.memref_slice %run_scoped3A_61[%rem3A_376] : memref<2x!tpu.dma_semaphore, #tpu.memory_space<semaphore_mem>> -> memref<1x!tpu.dma_semaphore, #tpu.memory_space<semaphore_mem>>
            %dma_wait3A_383 = tpu.memref_squeeze %dma_wait3A_382 : memref<1x!tpu.dma_semaphore, #tpu.memory_space<semaphore_mem>> -> memref<!tpu.dma_semaphore, #tpu.memory_space<semaphore_mem>>
            %dma_wait3A_384 = arith.constant 0 : i32
            %dma_wait3A_385 = arith.constant 0 : i32
            %dma_wait3A_386 = tpu.memref_slice %run_scoped3A_60[%rem3A_376, %dma_wait3A_384, %dma_wait3A_385] : memref<2x128x128xf32, #tpu.memory_space<vmem>> -> memref<1x128x128xf32, #tpu.memory_space<vmem>>
            %dma_wait3A_387 = tpu.memref_squeeze %dma_wait3A_386 : memref<1x128x128xf32, #tpu.memory_space<vmem>> -> memref<128x128xf32, #tpu.memory_space<vmem>>
            %dma_wait3A_388 = arith.constant 0 : i32
            %dma_wait3A_389 = tpu.memref_slice %arg2[%mul3A_374, %dma_wait3A_388] : memref<320000x128xf32, #tpu.memory_space<hbm>> -> memref<128x128xf32, #tpu.memory_space<hbm>>
            tpu.wait_dma2 semaphore(%dma_wait3A_383 : memref<!tpu.dma_semaphore, #tpu.memory_space<semaphore_mem>>) src(%dma_wait3A_389 : memref<128x128xf32, #tpu.memory_space<hbm>>) dst(%dma_wait3A_387 : memref<128x128xf32, #tpu.memory_space<vmem>>)
            "tpu.trace_stop"() : () -> ()
          } else {
          }
          %rem3A_301 = arith.constant 2 : i32
          %rem3A_302 = arith.remui %while3A_212, %rem3A_301 : i32
          %rem3A_303 = arith.constant 2 : i32
          %rem3A_304 = arith.remui %while3A_214, %rem3A_303 : i32
          %run_scoped3A_305 = arith.constant 0 : i32
          "tpu.trace_start"() <{level = 10 : i32, message = "ep_run_kernel"}> : () -> ()
          "tpu.region"() ({
            %run_scoped3A_373 = tpu.sem_alloc : memref<!tpu.dma_semaphore, #tpu.memory_space<semaphore_mem>>
            %dma_start3A_374 = arith.constant 0 : i32
            %dma_start3A_375 = arith.constant 0 : i32
            %dma_start3A_376 = tpu.memref_slice %run_scoped3A_60[%rem3A_304, %dma_start3A_374, %dma_start3A_375] : memref<2x128x128xf32, #tpu.memory_space<vmem>> -> memref<1x128x128xf32, #tpu.memory_space<vmem>>
            %dma_start3A_377 = tpu.memref_squeeze %dma_start3A_376 : memref<1x128x128xf32, #tpu.memory_space<vmem>> -> memref<128x128xf32, #tpu.memory_space<vmem>>
            %dma_start3A_378 = arith.constant 0 : i32
            %dma_start3A_379 = arith.constant 0 : i32
            %dma_start3A_380 = tpu.memref_slice %run_scoped3A[%rem3A_302, %dma_start3A_378, %dma_start3A_379] : memref<2x1x128xi32, #tpu.memory_space<vmem>> -> memref<1x1x128xi32, #tpu.memory_space<vmem>>
            %dma_start3A_381 = tpu.memref_squeeze %dma_start3A_380 : memref<1x1x128xi32, #tpu.memory_space<vmem>> -> memref<1x128xi32, #tpu.memory_space<vmem>>
            %dma_start3A_382 = arith.constant 0 : i32
            %dma_start3A_383 = tpu.memref_slice %dma_start3A_381[%run_scoped3A_305, %dma_start3A_382] : memref<1x128xi32, #tpu.memory_space<vmem>> -> memref<1x128xi32, #tpu.memory_space<vmem>>
            %dma_start3A_384 = tpu.memref_squeeze %dma_start3A_383 : memref<1x128xi32, #tpu.memory_space<vmem>> -> memref<128xi32, #tpu.memory_space<vmem>>
            %dma_start3A_385 = arith.constant 0 : i32
            %dma_start3A_386 = arith.constant 0 : i32
            %dma_start3A_387 = tpu.memref_slice %arg6[%dma_start3A_385, %dma_start3A_386] : memref<10000x128xf32, #tpu.memory_space<vmem_shared>> -> memref<10000x128xf32, #tpu.memory_space<vmem_shared>>
            tpu.enqueue_indirect_dma source(%dma_start3A_377 : memref<128x128xf32, #tpu.memory_space<vmem>>) target(%dma_start3A_387 : memref<10000x128xf32, #tpu.memory_space<vmem_shared>>) offsets(%dma_start3A_384 : memref<128xi32, #tpu.memory_space<vmem>>) semaphore(%run_scoped3A_373 : memref<!tpu.dma_semaphore, #tpu.memory_space<semaphore_mem>>) {add = true}
            %dma_wait3A = arith.constant 0 : i32
            %dma_wait3A_388 = arith.constant 0 : i32
            %dma_wait3A_389 = tpu.memref_slice %run_scoped3A_60[%rem3A_304, %dma_wait3A, %dma_wait3A_388] : memref<2x128x128xf32, #tpu.memory_space<vmem>> -> memref<1x128x128xf32, #tpu.memory_space<vmem>>
            %dma_wait3A_390 = tpu.memref_squeeze %dma_wait3A_389 : memref<1x128x128xf32, #tpu.memory_space<vmem>> -> memref<128x128xf32, #tpu.memory_space<vmem>>
            %dma_wait3A_391 = arith.constant 0 : i32
            %dma_wait3A_392 = arith.constant 0 : i32
            %dma_wait3A_393 = tpu.memref_slice %run_scoped3A[%rem3A_302, %dma_wait3A_391, %dma_wait3A_392] : memref<2x1x128xi32, #tpu.memory_space<vmem>> -> memref<1x1x128xi32, #tpu.memory_space<vmem>>
            %dma_wait3A_394 = tpu.memref_squeeze %dma_wait3A_393 : memref<1x1x128xi32, #tpu.memory_space<vmem>> -> memref<1x128xi32, #tpu.memory_space<vmem>>
            %dma_wait3A_395 = arith.constant 0 : i32
            %dma_wait3A_396 = tpu.memref_slice %dma_wait3A_394[%run_scoped3A_305, %dma_wait3A_395] : memref<1x128xi32, #tpu.memory_space<vmem>> -> memref<1x128xi32, #tpu.memory_space<vmem>>
            %dma_wait3A_397 = tpu.memref_squeeze %dma_wait3A_396 : memref<1x128xi32, #tpu.memory_space<vmem>> -> memref<128xi32, #tpu.memory_space<vmem>>
            %dma_wait3A_398 = arith.constant 0 : i32
            %dma_wait3A_399 = arith.constant 0 : i32
            %dma_wait3A_400 = tpu.memref_slice %arg6[%dma_wait3A_398, %dma_wait3A_399] : memref<10000x128xf32, #tpu.memory_space<vmem_shared>> -> memref<10000x128xf32, #tpu.memory_space<vmem_shared>>
            tpu.wait_indirect_dma semaphore(%run_scoped3A_373 : memref<!tpu.dma_semaphore, #tpu.memory_space<semaphore_mem>>) src(%dma_wait3A_390 : memref<128x128xf32, #tpu.memory_space<vmem>>) dst(%dma_wait3A_400 : memref<10000x128xf32, #tpu.memory_space<vmem_shared>>)
            tpu.yield
          }) : () -> ()
          "tpu.trace_stop"() : () -> ()
          %ne3A_306 = arith.cmpi ne, %add3A_223, %add3A_241 : i32
          %or3A_307 = arith.constant false
          %or3A_308 = arith.ori %or3A_307, %ne3A_306 : i1
          %or3A_309 = arith.ori %or3A_308, %eq3A_222 : i1
          %convert_element_type3A_310 = arith.extui %or3A_309 : i1 to i32
          %cond3A_311 = arith.constant 0 : i32
          %cond3A_312 = arith.cmpi ne, %convert_element_type3A_310, %cond3A_311 : i32
          scf.if %cond3A_312 {
          } else {
          }
          %and3A_313 = arith.constant false
          %and3A_314 = arith.andi %or3A_309, %and3A_313 : i1
          %ne3A_315 = arith.cmpi ne, %add3A_223, %add3A_241 : i32
          %or3A_316 = arith.constant false
          %or3A_317 = arith.ori %or3A_316, %ne3A_315 : i1
          %or3A_318 = arith.constant false
          %or3A_319 = arith.ori %or3A_317, %or3A_318 : i1
          %or3A_320 = arith.ori %or3A_319, %eq3A_222 : i1
          %convert_element_type3A_321 = arith.extui %or3A_320 : i1 to i32
          %cond3A_322 = arith.constant 0 : i32
          %cond3A_323 = arith.cmpi ne, %convert_element_type3A_321, %cond3A_322 : i32
          scf.if %cond3A_323 {
          } else {
          }
          %and3A_324 = arith.constant false
          %and3A_325 = arith.andi %or3A_320, %and3A_324 : i1
          %ne3A_326 = arith.cmpi ne, %add3A_223, %add3A_233 : i32
          %or3A_327 = arith.constant false
          %or3A_328 = arith.ori %or3A_327, %ne3A_326 : i1
          %not3A_329 = arith.constant true
          %not3A_330 = arith.xori %eq3A_219, %not3A_329 : i1
          %and3A_331 = arith.andi %or3A_328, %not3A_330 : i1
          %convert_element_type3A_332 = arith.extui %and3A_331 : i1 to i32
          %cond3A_333 = arith.constant 0 : i32
          %cond3A_334 = arith.cmpi ne, %convert_element_type3A_332, %cond3A_333 : i32
          scf.if %cond3A_334 {
          } else {
          }
          %and3A_335 = arith.constant false
          %and3A_336 = arith.andi %and3A_331, %and3A_335 : i1
          %ne3A_337 = arith.cmpi ne, %add3A_223, %add3A_233 : i32
          %or3A_338 = arith.constant false
          %or3A_339 = arith.ori %or3A_338, %ne3A_337 : i1
          %or3A_340 = arith.constant false
          %or3A_341 = arith.ori %or3A_339, %or3A_340 : i1
          %not3A_342 = arith.constant true
          %not3A_343 = arith.xori %eq3A_219, %not3A_342 : i1
          %and3A_344 = arith.andi %or3A_341, %not3A_343 : i1
          %convert_element_type3A_345 = arith.extui %and3A_344 : i1 to i32
          %cond3A_346 = arith.constant 0 : i32
          %cond3A_347 = arith.cmpi ne, %convert_element_type3A_345, %cond3A_346 : i32
          scf.if %cond3A_347 {
          } else {
          }
          %and3A_348 = arith.constant false
          %and3A_349 = arith.andi %and3A_344, %and3A_348 : i1
          %ne3A_350 = arith.cmpi ne, %add3A_223, %add3A_241 : i32
          %or3A_351 = arith.constant false
          %or3A_352 = arith.ori %or3A_351, %ne3A_350 : i1
          %or3A_353 = arith.ori %or3A_352, %eq3A_222 : i1
          %add3A_354 = arith.constant 1 : i32
          %add3A_355 = arith.addi %while3A_212, %add3A_354 : i32
          %select_n3A_356 = arith.select %or3A_353, %add3A_355, %while3A_212 : i32
          %ne3A_357 = arith.cmpi ne, %add3A_223, %add3A_241 : i32
          %or3A_358 = arith.constant false
          %or3A_359 = arith.ori %or3A_358, %ne3A_357 : i1
          %or3A_360 = arith.constant false
          %or3A_361 = arith.ori %or3A_359, %or3A_360 : i1
          %or3A_362 = arith.ori %or3A_361, %eq3A_222 : i1
          %add3A_363 = arith.constant 1 : i32
          %add3A_364 = arith.addi %while3A_214, %add3A_363 : i32
          %select_n3A_365 = arith.select %or3A_362, %add3A_364, %while3A_214 : i32
          %add3A_366 = arith.constant 1 : i32
          %add3A_367 = arith.addi %while3A_215, %add3A_366 : i32
          %select_n3A_368 = arith.constant true
          %select_n3A_369 = arith.select %select_n3A_368, %add3A_367, %while3A_215 : i32
          %eq3A_370 = arith.cmpi eq, %select_n3A_369, %select_n3A : i32
          %select_n3A_371 = arith.constant 0 : i32
          %select_n3A_372 = arith.select %eq3A_370, %select_n3A_371, %select_n3A_369 : i32
          scf.yield %select_n3A_263, %select_n3A_356, %select_n3A_284, %select_n3A_365, %select_n3A_372 : i32, i32, i32, i32, i32
        }
        %sub3A_159 = arith.constant 1 : i32
        %sub3A_160 = arith.subi %while3A_158#4, %sub3A_159 : i32
        %select_n3A_161 = arith.constant true
        %select_n3A_162 = arith.select %select_n3A_161, %sub3A_160, %while3A_158#4 : i32
        %eq3A_163 = arith.constant -1 : i32
        %eq3A_164 = arith.cmpi eq, %select_n3A_162, %eq3A_163 : i32
        %sub3A_165 = arith.constant 1 : i32
        %sub3A_166 = arith.subi %select_n3A, %sub3A_165 : i32
        %select_n3A_167 = arith.select %eq3A_164, %sub3A_166, %select_n3A_162 : i32
        %sub3A_168 = arith.constant 1 : i32
        %sub3A_169 = arith.subi %mul3A_37, %sub3A_168 : i32
        %mul3A_170 = arith.constant 1 : i32
        %mul3A_171 = arith.muli %mul3A_170, %select_n3A : i32
        %eq3A_172 = arith.constant 0 : i32
        %eq3A_173 = arith.cmpi eq, %sub3A_169, %eq3A_172 : i32
        %sub3A_174 = arith.constant 1 : i32
        %sub3A_175 = arith.subi %mul3A_171, %sub3A_174 : i32
        %eq3A_176 = arith.cmpi eq, %sub3A_169, %sub3A_175 : i32
        %add3A_177 = arith.addi %select_n3A_167, %select_n3A_35 : i32
        %sub3A_178 = arith.constant 1 : i32
        %sub3A_179 = arith.subi %select_n3A_167, %sub3A_178 : i32
        %select_n3A_180 = arith.constant true
        %select_n3A_181 = arith.select %select_n3A_180, %sub3A_179, %select_n3A_167 : i32
        %eq3A_182 = arith.constant -1 : i32
        %eq3A_183 = arith.cmpi eq, %select_n3A_181, %eq3A_182 : i32
        %sub3A_184 = arith.constant 1 : i32
        %sub3A_185 = arith.subi %select_n3A, %sub3A_184 : i32
        %select_n3A_186 = arith.select %eq3A_183, %sub3A_185, %select_n3A_181 : i32
        %add3A_187 = arith.addi %select_n3A_186, %select_n3A_35 : i32
        %add3A_188 = arith.constant 1 : i32
        %add3A_189 = arith.addi %select_n3A_167, %add3A_188 : i32
        %select_n3A_190 = arith.constant true
        %select_n3A_191 = arith.select %select_n3A_190, %add3A_189, %select_n3A_167 : i32
        %eq3A_192 = arith.cmpi eq, %select_n3A_191, %select_n3A : i32
        %select_n3A_193 = arith.constant 0 : i32
        %select_n3A_194 = arith.select %eq3A_192, %select_n3A_193, %select_n3A_191 : i32
        %add3A_195 = arith.addi %select_n3A_194, %select_n3A_35 : i32
        %add3A_196 = arith.constant 1 : i32
        %add3A_197 = arith.addi %select_n3A_194, %add3A_196 : i32
        %select_n3A_198 = arith.constant true
        %select_n3A_199 = arith.select %select_n3A_198, %add3A_197, %select_n3A_194 : i32
        %eq3A_200 = arith.cmpi eq, %select_n3A_199, %select_n3A : i32
        %select_n3A_201 = arith.constant 0 : i32
        %select_n3A_202 = arith.select %eq3A_200, %select_n3A_201, %select_n3A_199 : i32
        %add3A_203 = arith.addi %select_n3A_202, %select_n3A_35 : i32
        %convert_element_type3A_204 = arith.extui %eq3A_176 : i1 to i32
        %cond3A_205 = arith.constant 0 : i32
        %cond3A_206 = arith.cmpi ne, %convert_element_type3A_204, %cond3A_205 : i32
        scf.if %cond3A_206 {
        } else {
        }
        %convert_element_type3A_207 = arith.extui %eq3A_176 : i1 to i32
        %cond3A_208 = arith.constant 0 : i32
        %cond3A_209 = arith.cmpi ne, %convert_element_type3A_207, %cond3A_208 : i32
        scf.if %cond3A_209 {
        } else {
        }
      } else {
      }
      tpu.yield
    }) : () -> ()
    %barrier3A_38 = arith.constant 0 : index
    tpu.barrier barrier_id(%barrier3A_38)
    %mul3A_39 = arith.constant 80 : i32
    %mul3A_40 = arith.muli %arg1, %mul3A_39 : i32
    %sub3A_41 = arith.constant 10000 : i32
    %sub3A_42 = arith.subi %sub3A_41, %mul3A_40 : i32
    %sub3A_43 = arith.constant 1280 : i32
    %sub3A_44 = arith.constant 1 : i32
    %sub3A_45 = arith.subi %sub3A_43, %sub3A_44 : i32
    %add3A_46 = arith.addi %sub3A_42, %sub3A_45 : i32
    %div3A_47 = arith.constant 1280 : i32
    %div3A_48 = arith.divsi %add3A_46, %div3A_47 : i32
    %while3A_49 = arith.constant 1280 : i32
    %while3A_50 = arith.constant 0 : i32
    %while3A_51 = arith.subi %div3A_48, %while3A_50 : i32
    %while3A_52 = arith.addi %while3A_50, %while3A_51 : i32
    %while3A_53 = arith.constant 1 : i32
    %while3A_54 = arith.divsi %while3A_51, %while3A_53 : i32
    %while3A_55 = arith.muli %while3A_54, %while3A_53 : i32
    %while3A_56 = arith.addi %while3A_50, %while3A_55 : i32
    %while3A_57 = arith.constant 1 : i32
    scf.for %while3A_59 = %while3A_50 to %while3A_56 step %while3A_57  : i32 {
      %mul3A_60 = arith.muli %while3A_59, %while3A_49 : i32
      %add3A_61 = arith.addi %mul3A_40, %mul3A_60 : i32
      "tpu.region"() ({
        %run_scoped3A = tpu.sem_alloc : memref<!tpu.dma_semaphore, #tpu.memory_space<semaphore_mem>>
        %dma_start3A = arith.constant 0 : i32
        %dma_start3A_62 = tpu.memref_slice %arg4[%arg0, %add3A_61, %dma_start3A] : memref<2x10000x128xf32, #tpu.memory_space<hbm>> -> memref<1x80x128xf32, #tpu.memory_space<hbm>>
        %dma_start3A_63 = tpu.memref_squeeze %dma_start3A_62 : memref<1x80x128xf32, #tpu.memory_space<hbm>> -> memref<80x128xf32, #tpu.memory_space<hbm>>
        %dma_start3A_64 = arith.constant 0 : i32
        %dma_start3A_65 = tpu.memref_slice %arg6[%add3A_61, %dma_start3A_64] : memref<10000x128xf32, #tpu.memory_space<vmem_shared>> -> memref<80x128xf32, #tpu.memory_space<vmem_shared>>
        tpu.enqueue_dma source(%dma_start3A_65 : memref<80x128xf32, #tpu.memory_space<vmem_shared>>) target(%dma_start3A_63 : memref<80x128xf32, #tpu.memory_space<hbm>>) target_semaphore(%run_scoped3A : memref<!tpu.dma_semaphore, #tpu.memory_space<semaphore_mem>>)
        %dma_wait3A = arith.constant 0 : i32
        %dma_wait3A_66 = tpu.memref_slice %arg4[%arg0, %add3A_61, %dma_wait3A] : memref<2x10000x128xf32, #tpu.memory_space<hbm>> -> memref<1x80x128xf32, #tpu.memory_space<hbm>>
        %dma_wait3A_67 = tpu.memref_squeeze %dma_wait3A_66 : memref<1x80x128xf32, #tpu.memory_space<hbm>> -> memref<80x128xf32, #tpu.memory_space<hbm>>
        %dma_wait3A_68 = arith.constant 0 : i32
        %dma_wait3A_69 = tpu.memref_slice %arg6[%add3A_61, %dma_wait3A_68] : memref<10000x128xf32, #tpu.memory_space<vmem_shared>> -> memref<80x128xf32, #tpu.memory_space<vmem_shared>>
        tpu.wait_dma2 semaphore(%run_scoped3A : memref<!tpu.dma_semaphore, #tpu.memory_space<semaphore_mem>>) src(%dma_wait3A_69 : memref<80x128xf32, #tpu.memory_space<vmem_shared>>) dst(%dma_wait3A_67 : memref<80x128xf32, #tpu.memory_space<hbm>>)
        tpu.yield
      }) : () -> ()
    }
    %while3A_58 = arith.constant 1 : i32
    scf.for %while3A_59 = %while3A_56 to %while3A_52 step %while3A_58  : i32 {
      %mul3A_60 = arith.muli %while3A_59, %while3A_49 : i32
      %add3A_61 = arith.addi %mul3A_40, %mul3A_60 : i32
      "tpu.region"() ({
        %run_scoped3A = tpu.sem_alloc : memref<!tpu.dma_semaphore, #tpu.memory_space<semaphore_mem>>
        %dma_start3A = arith.constant 0 : i32
        %dma_start3A_62 = tpu.memref_slice %arg4[%arg0, %add3A_61, %dma_start3A] : memref<2x10000x128xf32, #tpu.memory_space<hbm>> -> memref<1x80x128xf32, #tpu.memory_space<hbm>>
        %dma_start3A_63 = tpu.memref_squeeze %dma_start3A_62 : memref<1x80x128xf32, #tpu.memory_space<hbm>> -> memref<80x128xf32, #tpu.memory_space<hbm>>
        %dma_start3A_64 = arith.constant 0 : i32
        %dma_start3A_65 = tpu.memref_slice %arg6[%add3A_61, %dma_start3A_64] : memref<10000x128xf32, #tpu.memory_space<vmem_shared>> -> memref<80x128xf32, #tpu.memory_space<vmem_shared>>
        tpu.enqueue_dma source(%dma_start3A_65 : memref<80x128xf32, #tpu.memory_space<vmem_shared>>) target(%dma_start3A_63 : memref<80x128xf32, #tpu.memory_space<hbm>>) target_semaphore(%run_scoped3A : memref<!tpu.dma_semaphore, #tpu.memory_space<semaphore_mem>>)
        %dma_wait3A = arith.constant 0 : i32
        %dma_wait3A_66 = tpu.memref_slice %arg4[%arg0, %add3A_61, %dma_wait3A] : memref<2x10000x128xf32, #tpu.memory_space<hbm>> -> memref<1x80x128xf32, #tpu.memory_space<hbm>>
        %dma_wait3A_67 = tpu.memref_squeeze %dma_wait3A_66 : memref<1x80x128xf32, #tpu.memory_space<hbm>> -> memref<80x128xf32, #tpu.memory_space<hbm>>
        %dma_wait3A_68 = arith.constant 0 : i32
        %dma_wait3A_69 = tpu.memref_slice %arg6[%add3A_61, %dma_wait3A_68] : memref<10000x128xf32, #tpu.memory_space<vmem_shared>> -> memref<80x128xf32, #tpu.memory_space<vmem_shared>>
        tpu.wait_dma2 semaphore(%run_scoped3A : memref<!tpu.dma_semaphore, #tpu.memory_space<semaphore_mem>>) src(%dma_wait3A_69 : memref<80x128xf32, #tpu.memory_space<vmem_shared>>) dst(%dma_wait3A_67 : memref<80x128xf32, #tpu.memory_space<hbm>>)
        tpu.yield
      }) : () -> ()
    }
    return
  }
}

module attributes {stable_mosaic.version = 14 : i64} {
  func.func @body(%arg0: i32, %arg1: memref<8000x128xf32, #tpu.memory_space<vmem>>, %arg2: memref<8000x128xf32, #tpu.memory_space<vmem>>, %arg3: memref<8000x128xf32, #tpu.memory_space<vmem>>, %arg4: memref<128x128xf32, #tpu.memory_space<vmem>>, %arg5: memref<8000x128xf32, #tpu.memory_space<vmem>>) attributes {dimension_semantics = [#tpu.dimension_semantics<arbitrary>], iteration_bounds = array<i64: 40>, scalar_prefetch = 0 : i64, scratch_operands = 0 : i64, tpu.core_type = #tpu.core_type<tc>, window_params = [{transform_indices = @transform_0, window_bounds = array<i64: 8000, 128>}, {transform_indices = @transform_1, window_bounds = array<i64: 8000, 128>}, {transform_indices = @transform_2, window_bounds = array<i64: 8000, 128>}, {pipeline_mode = #tpu.pipeline_mode<synchronous>, transform_indices = @transform_3, window_bounds = array<i64: 128, 128>}, {transform_indices = @transform_4, window_bounds = array<i64: 8000, 128>}]} {
    %get3A = arith.constant 0 : index
    %get3A_0 = arith.constant 0 : index
    %get3A_1 = vector.load %arg1[%get3A, %get3A_0] : memref<8000x128xf32, #tpu.memory_space<vmem>>, vector<8000x128xf32>
    %get3A_2 = arith.constant 0 : index
    %get3A_3 = arith.constant 0 : index
    %get3A_4 = vector.load %arg4[%get3A_2, %get3A_3] : memref<128x128xf32, #tpu.memory_space<vmem>>, vector<128x128xf32>
    %dot_general3A = arith.constant dense<0.000000e+00> : vector<8000x128xf32>
    %dot_general3A_5 = tpu.matmul %get3A_1, %get3A_4, %dot_general3A {dimension_numbers = #tpu.dot_dimension_numbers<[1], [0], [0], [1], [0, 0, 1, 1], [], []>, transpose_lhs_hint = false} : vector<8000x128xf32>, vector<128x128xf32>, vector<8000x128xf32> -> vector<8000x128xf32>
    %get3A_6 = arith.constant 0 : index
    %get3A_7 = arith.constant 0 : index
    %get3A_8 = vector.load %arg2[%get3A_6, %get3A_7] : memref<8000x128xf32, #tpu.memory_space<vmem>>, vector<8000x128xf32>
    %add3A = arith.addf %dot_general3A_5, %get3A_8 : vector<8000x128xf32>
    %logistic3A = arith.negf %add3A : vector<8000x128xf32>
    %logistic3A_9 = math.exp %logistic3A : vector<8000x128xf32>
    %logistic3A_10 = arith.constant 1.000000e+00 : f32
    %logistic3A_11 = vector.broadcast %logistic3A_10 : f32 to vector<8000x128xf32>
    %logistic3A_12 = arith.addf %logistic3A_11, %logistic3A_9 : vector<8000x128xf32>
    %logistic3A_13 = arith.divf %logistic3A_11, %logistic3A_12 : vector<8000x128xf32>
    %get3A_14 = arith.constant 0 : index
    %get3A_15 = arith.constant 0 : index
    %get3A_16 = vector.load %arg3[%get3A_14, %get3A_15] : memref<8000x128xf32, #tpu.memory_space<vmem>>, vector<8000x128xf32>
    %mul3A = arith.mulf %logistic3A_13, %get3A_16 : vector<8000x128xf32>
    %swap3A = arith.constant 0 : index
    %swap3A_17 = arith.constant 0 : index
    %swap3A_18 = vector.load %arg5[%swap3A, %swap3A_17] : memref<8000x128xf32, #tpu.memory_space<vmem>>, vector<8000x128xf32>
    tpu.vector_store %arg5[%swap3A, %swap3A_17], %mul3A {strides = array<i32>} : memref<8000x128xf32, #tpu.memory_space<vmem>>, vector<8000x128xf32>,
    return
  }
  func.func @transform_0(%arg0: i32) -> (i32, i32) {
    %c0_i32 = arith.constant 0 : i32
    %c0_i32_0 = arith.constant 0 : i32
    return %arg0, %c0_i32 : i32, i32
  }
  func.func @transform_1(%arg0: i32) -> (i32, i32) {
    %c0_i32 = arith.constant 0 : i32
    %c0_i32_0 = arith.constant 0 : i32
    return %arg0, %c0_i32 : i32, i32
  }
  func.func @transform_2(%arg0: i32) -> (i32, i32) {
    %c0_i32 = arith.constant 0 : i32
    %c0_i32_0 = arith.constant 0 : i32
    return %arg0, %c0_i32 : i32, i32
  }
  func.func @transform_3(%arg0: i32) -> (i32, i32) {
    %c0_i32 = arith.constant 0 : i32
    %c0_i32_0 = arith.constant 0 : i32
    %c0_i32_1 = arith.constant 0 : i32
    return %c0_i32, %c0_i32_0 : i32, i32
  }
  func.func @transform_4(%arg0: i32) -> (i32, i32) {
    %c0_i32 = arith.constant 0 : i32
    %c0_i32_0 = arith.constant 0 : i32
    return %arg0, %c0_i32 : i32, i32
  }
}

module attributes {stable_mosaic.version = 14 : i64} {
  func.func @body(%arg0: memref<10000x128xf32, #tpu.memory_space<vmem>>, %arg1: memref<128x128xf32, #tpu.memory_space<vmem>>, %arg2: memref<1x128xf32, #tpu.memory_space<vmem>>, %arg3: memref<10000x128xf32, #tpu.memory_space<vmem>>) attributes {dimension_semantics = [], scalar_prefetch = 0 : i64, scratch_operands = 0 : i64, tpu.core_type = #tpu.core_type<tc>} {
    %get3A = arith.constant 0 : index
    %get3A_0 = arith.constant 0 : index
    %get3A_1 = vector.load %arg0[%get3A, %get3A_0] : memref<10000x128xf32, #tpu.memory_space<vmem>>, vector<10000x128xf32>
    %get3A_2 = arith.constant 0 : index
    %get3A_3 = arith.constant 0 : index
    %get3A_4 = vector.load %arg1[%get3A_2, %get3A_3] : memref<128x128xf32, #tpu.memory_space<vmem>>, vector<128x128xf32>
    %dot_general3A = arith.constant dense<0.000000e+00> : vector<10000x128xf32>
    %dot_general3A_5 = tpu.matmul %get3A_1, %get3A_4, %dot_general3A {dimension_numbers = #tpu.dot_dimension_numbers<[1], [0], [0], [1], [0, 0, 1, 1], [], []>, transpose_lhs_hint = false} : vector<10000x128xf32>, vector<128x128xf32>, vector<10000x128xf32> -> vector<10000x128xf32>
    %get3A_6 = arith.constant 0 : index
    %get3A_7 = arith.constant 0 : index
    %get3A_8 = vector.load %arg2[%get3A_6, %get3A_7] : memref<1x128xf32, #tpu.memory_space<vmem>>, vector<1x128xf32>
    %add3A = vector.broadcast %get3A_8 : vector<1x128xf32> to vector<10000x128xf32>
    %add3A_9 = arith.addf %dot_general3A_5, %add3A : vector<10000x128xf32>
    %swap3A = arith.constant 0 : index
    %swap3A_10 = arith.constant 0 : index
    %swap3A_11 = vector.load %arg3[%swap3A, %swap3A_10] : memref<10000x128xf32, #tpu.memory_space<vmem>>, vector<10000x128xf32>
    tpu.vector_store %arg3[%swap3A, %swap3A_10], %add3A_9 {strides = array<i32>} : memref<10000x128xf32, #tpu.memory_space<vmem>>, vector<10000x128xf32>,
    return
  }
}

module attributes {stable_mosaic.version = 14 : i64} {
  func.func @body(%arg0: i32, %arg1: memref<2000x128xf32, #tpu.memory_space<vmem>>, %arg2: memref<2x2000x128xf32, #tpu.memory_space<vmem>>, %arg3: memref<2x2000x128xf32, #tpu.memory_space<vmem>>, %arg4: memref<256x384xf32, #tpu.memory_space<vmem>>, %arg5: memref<1x384xf32, #tpu.memory_space<vmem>>, %arg6: memref<2000x128xf32, #tpu.memory_space<vmem>>, %arg7: memref<2000x128xf32, #tpu.memory_space<vmem>>) attributes {dimension_semantics = [#tpu.dimension_semantics<arbitrary>], iteration_bounds = array<i64: 5>, scalar_prefetch = 0 : i64, scratch_operands = 0 : i64, tpu.core_type = #tpu.core_type<tc>, window_params = [{transform_indices = @transform_0, window_bounds = array<i64: 2000, 128>}, {transform_indices = @transform_1, window_bounds = array<i64: 2, 2000, 128>}, {transform_indices = @transform_2, window_bounds = array<i64: 2, 2000, 128>}, {pipeline_mode = #tpu.pipeline_mode<synchronous>, transform_indices = @transform_3, window_bounds = array<i64: 256, 384>}, {pipeline_mode = #tpu.pipeline_mode<synchronous>, transform_indices = @transform_4, window_bounds = array<i64: 1, 384>}, {transform_indices = @transform_5, window_bounds = array<i64: 2000, 128>}, {transform_indices = @transform_6, window_bounds = array<i64: 2000, 128>}]} {
    %get3A = arith.constant 0 : index
    %get3A_0 = arith.constant 0 : index
    %get3A_1 = arith.constant 0 : index
    %get3A_2 = vector.load %arg2[%get3A, %get3A_0, %get3A_1] : memref<2x2000x128xf32, #tpu.memory_space<vmem>>, vector<1x2000x128xf32>
    %get3A_3 = vector.shape_cast %get3A_2 : vector<1x2000x128xf32> to vector<2000x128xf32>
    %get3A_4 = arith.constant 1 : index
    %get3A_5 = arith.constant 0 : index
    %get3A_6 = arith.constant 0 : index
    %get3A_7 = vector.load %arg2[%get3A_4, %get3A_5, %get3A_6] : memref<2x2000x128xf32, #tpu.memory_space<vmem>>, vector<1x2000x128xf32>
    %get3A_8 = vector.shape_cast %get3A_7 : vector<1x2000x128xf32> to vector<2000x128xf32>
    %add3A = arith.addf %get3A_3, %get3A_8 : vector<2000x128xf32>
    %get3A_9 = arith.constant 0 : index
    %get3A_10 = arith.constant 0 : index
    %get3A_11 = arith.constant 0 : index
    %get3A_12 = vector.load %arg3[%get3A_9, %get3A_10, %get3A_11] : memref<2x2000x128xf32, #tpu.memory_space<vmem>>, vector<1x2000x128xf32>
    %get3A_13 = vector.shape_cast %get3A_12 : vector<1x2000x128xf32> to vector<2000x128xf32>
    %get3A_14 = arith.constant 1 : index
    %get3A_15 = arith.constant 0 : index
    %get3A_16 = arith.constant 0 : index
    %get3A_17 = vector.load %arg3[%get3A_14, %get3A_15, %get3A_16] : memref<2x2000x128xf32, #tpu.memory_space<vmem>>, vector<1x2000x128xf32>
    %get3A_18 = vector.shape_cast %get3A_17 : vector<1x2000x128xf32> to vector<2000x128xf32>
    %add3A_19 = arith.addf %get3A_13, %get3A_18 : vector<2000x128xf32>
    %get3A_20 = arith.constant 0 : index
    %get3A_21 = arith.constant 0 : index
    %get3A_22 = vector.load %arg1[%get3A_20, %get3A_21] : memref<2000x128xf32, #tpu.memory_space<vmem>>, vector<2000x128xf32>
    %get3A_23 = arith.constant 0 : index
    %get3A_24 = arith.constant 0 : index
    %get3A_25 = vector.load %arg4[%get3A_23, %get3A_24] : memref<256x384xf32, #tpu.memory_space<vmem>>, vector<128x384xf32>
    %dot_general3A = arith.constant dense<0.000000e+00> : vector<2000x384xf32>
    %dot_general3A_26 = tpu.matmul %get3A_22, %get3A_25, %dot_general3A {dimension_numbers = #tpu.dot_dimension_numbers<[1], [0], [0], [1], [0, 0, 1, 1], [], []>, transpose_lhs_hint = false} : vector<2000x128xf32>, vector<128x384xf32>, vector<2000x384xf32> -> vector<2000x384xf32>
    %get3A_27 = arith.constant 128 : index
    %get3A_28 = arith.constant 0 : index
    %get3A_29 = vector.load %arg4[%get3A_27, %get3A_28] : memref<256x384xf32, #tpu.memory_space<vmem>>, vector<128x384xf32>
    %dot_general3A_30 = arith.constant dense<0.000000e+00> : vector<2000x384xf32>
    %dot_general3A_31 = tpu.matmul %add3A, %get3A_29, %dot_general3A_30 {dimension_numbers = #tpu.dot_dimension_numbers<[1], [0], [0], [1], [0, 0, 1, 1], [], []>, transpose_lhs_hint = false} : vector<2000x128xf32>, vector<128x384xf32>, vector<2000x384xf32> -> vector<2000x384xf32>
    %add3A_32 = arith.addf %dot_general3A_26, %dot_general3A_31 : vector<2000x384xf32>
    %get3A_33 = arith.constant 0 : index
    %get3A_34 = arith.constant 0 : index
    %get3A_35 = vector.load %arg5[%get3A_33, %get3A_34] : memref<1x384xf32, #tpu.memory_space<vmem>>, vector<1x384xf32>
    %add3A_36 = vector.broadcast %get3A_35 : vector<1x384xf32> to vector<2000x384xf32>
    %add3A_37 = arith.addf %add3A_32, %add3A_36 : vector<2000x384xf32>
    %slice3A = vector.extract_strided_slice %add3A_37 {offsets = [0, 0], sizes = [2000, 128], strides = [1, 1]} : vector<2000x384xf32> to vector<2000x128xf32>
    %slice3A_38 = vector.extract_strided_slice %add3A_37 {offsets = [0, 128], sizes = [2000, 128], strides = [1, 1]} : vector<2000x384xf32> to vector<2000x128xf32>
    %slice3A_39 = vector.extract_strided_slice %add3A_37 {offsets = [0, 256], sizes = [2000, 128], strides = [1, 1]} : vector<2000x384xf32> to vector<2000x128xf32>
    %logistic3A = arith.negf %slice3A : vector<2000x128xf32>
    %logistic3A_40 = math.exp %logistic3A : vector<2000x128xf32>
    %logistic3A_41 = arith.constant 1.000000e+00 : f32
    %logistic3A_42 = vector.broadcast %logistic3A_41 : f32 to vector<2000x128xf32>
    %logistic3A_43 = arith.addf %logistic3A_42, %logistic3A_40 : vector<2000x128xf32>
    %logistic3A_44 = arith.divf %logistic3A_42, %logistic3A_43 : vector<2000x128xf32>
    %tanh3A = math.tanh %slice3A_39 : vector<2000x128xf32>
    %mul3A = arith.mulf %logistic3A_44, %tanh3A : vector<2000x128xf32>
    %add3A_45 = arith.addf %mul3A, %add3A_19 : vector<2000x128xf32>
    %swap3A = arith.constant 0 : index
    %swap3A_46 = arith.constant 0 : index
    %swap3A_47 = vector.load %arg6[%swap3A, %swap3A_46] : memref<2000x128xf32, #tpu.memory_space<vmem>>, vector<2000x128xf32>
    tpu.vector_store %arg6[%swap3A, %swap3A_46], %add3A_45 {strides = array<i32>} : memref<2000x128xf32, #tpu.memory_space<vmem>>, vector<2000x128xf32>,
    %logistic3A_48 = arith.negf %slice3A_38 : vector<2000x128xf32>
    %logistic3A_49 = math.exp %logistic3A_48 : vector<2000x128xf32>
    %logistic3A_50 = arith.constant 1.000000e+00 : f32
    %logistic3A_51 = vector.broadcast %logistic3A_50 : f32 to vector<2000x128xf32>
    %logistic3A_52 = arith.addf %logistic3A_51, %logistic3A_49 : vector<2000x128xf32>
    %logistic3A_53 = arith.divf %logistic3A_51, %logistic3A_52 : vector<2000x128xf32>
    %tanh3A_54 = math.tanh %add3A_45 : vector<2000x128xf32>
    %mul3A_55 = arith.mulf %logistic3A_53, %tanh3A_54 : vector<2000x128xf32>
    %swap3A_56 = arith.constant 0 : index
    %swap3A_57 = arith.constant 0 : index
    %swap3A_58 = vector.load %arg7[%swap3A_56, %swap3A_57] : memref<2000x128xf32, #tpu.memory_space<vmem>>, vector<2000x128xf32>
    tpu.vector_store %arg7[%swap3A_56, %swap3A_57], %mul3A_55 {strides = array<i32>} : memref<2000x128xf32, #tpu.memory_space<vmem>>, vector<2000x128xf32>,
    return
  }
  func.func @transform_0(%arg0: i32) -> (i32, i32) {
    %c0_i32 = arith.constant 0 : i32
    %c0_i32_0 = arith.constant 0 : i32
    return %arg0, %c0_i32 : i32, i32
  }
  func.func @transform_1(%arg0: i32) -> (i32, i32, i32) {
    %c0_i32 = arith.constant 0 : i32
    %c0_i32_0 = arith.constant 0 : i32
    %c0_i32_1 = arith.constant 0 : i32
    return %c0_i32, %arg0, %c0_i32_0 : i32, i32, i32
  }
  func.func @transform_2(%arg0: i32) -> (i32, i32, i32) {
    %c0_i32 = arith.constant 0 : i32
    %c0_i32_0 = arith.constant 0 : i32
    %c0_i32_1 = arith.constant 0 : i32
    return %c0_i32, %arg0, %c0_i32_0 : i32, i32, i32
  }
  func.func @transform_3(%arg0: i32) -> (i32, i32) {
    %c0_i32 = arith.constant 0 : i32
    %c0_i32_0 = arith.constant 0 : i32
    %c0_i32_1 = arith.constant 0 : i32
    return %c0_i32, %c0_i32_0 : i32, i32
  }
  func.func @transform_4(%arg0: i32) -> (i32, i32) {
    %c0_i32 = arith.constant 0 : i32
    %c0_i32_0 = arith.constant 0 : i32
    %c0_i32_1 = arith.constant 0 : i32
    return %c0_i32, %c0_i32_0 : i32, i32
  }
  func.func @transform_5(%arg0: i32) -> (i32, i32) {
    %c0_i32 = arith.constant 0 : i32
    %c0_i32_0 = arith.constant 0 : i32
    return %arg0, %c0_i32 : i32, i32
  }
  func.func @transform_6(%arg0: i32) -> (i32, i32) {
    %c0_i32 = arith.constant 0 : i32
    %c0_i32_0 = arith.constant 0 : i32
    return %arg0, %c0_i32 : i32, i32
  }
}

</mosaic_0001>

<sc_bundles>
// kernel: kernel.11.cloned.1.call-start
scs
__scs_entry_jumppad:
0x0: {  	(pc) =	sbr.rel $0x88, $3  }
0x1: {  	(tag) =	ssettag $0x0;
	lr =	simm.s32 $0x1  }
0x2: {  	[smem:$0x3F98] =	sst lr;
	_ =	strace $0xD0000000  }
0x3: {  	_ = 	snop  }
0x4: {  	_ = 	snop  }
0x5: {  	_ = 	snop  }
0x6: {  	_ = 	snop  }
0x7: {  	_ = 	snop  }
__scs_overlays_trampoline_lowered:
0x8: {  	[smem:$0x3FA7] =	sst s0  }
0x9: {  	[smem:$0x3FA8] =	sst s1  }
0xa: {  	[smem:$0x3FA9] =	sst s2  }
0xb: {  	[smem:$0x3FAA] =	sst s3  }
0xc: {  	[smem:$0x3FAB] =	sst s4  }
0xd: {  	[smem:$0x3FAC] =	sst s5  }
0xe: {  	[smem:$0x3FAD] =	sst s6  }
0xf: {  	[smem:$0x3FAE] =	sst s7  }
0x10: {  	[smem:$0x3FAF] =	sst s8  }
0x11: {  	[smem:$0x3FB0] =	sst s9;
	s0 =	simm.s32 @!p0 $0x0  }
0x12: {  	s1 =	sld [smem:$0x3F96];
	s0 =	simm.s32 @p0 $0x1  }
0x13: {  	[smem:$0x3FB1] =	sst s0;
	s0 =	simm.s32 @!p1 $0x0  }
0x14: {  	s2 =	sld [smem:$0x3F95];
	s0 =	simm.s32 @p1 $0x1  }
0x15: {  	[smem:$0x3FB2] =	sst s0;
	s0 =	simm.s32 @!p2 $0x0  }
0x16: {  	s3 =	sld [smem:$0x3FDB];
	s0 =	simm.s32 @p2 $0x1  }
0x17: {  	s4 =	simm.s32 $0x1BF5;
	[smem:$0x3FB4] =	sst s0  }
0x18: {  	s0 =	sld [smem:$0x3F97];
	_ =	swait.ge [sflag:s4], $0x0  }
0x19: {  	s7 =	sld [smem:$0x3F98]  }
0x1a: {  	s8 =	sadd.s32 $0xFFFFE003, lr  }
0x1b: {  	s9 =	sadd.s32 $0xFFFFFEF7, lr;
	s5 =	simm.s32 $0xFFFFFFFF;
	p2 =	slt.u32 s8, $0xFFFFF086  }
0x1c: {  	p1 =	slt.u32 s9, $0xF7A;
	s5 =	simm.s32 @!p2 $0x0  }
0x1d: {  	s5 =	simm.s32 @p1 $0x1;
	p0 =	seq.s32 s7, s2  }
0x1e: {  	s7 =	smul.u32 @!p0 $0xF7A, s2;
	p2 =	seq.s32 @!p0 s5, $0x0  }
0x1f: {  	s9 =	smul.u32 $0xF7A, s1;
	s8 =	simm.s32 @!p0 $0x1BF5;
	p2 =	por !p2, p0  }
0x20: {  	[sflag:s8] =	ssyncset.s32 @!p0 $0xFFFFF086;
	s6 =	sadd.s32 @!p0 s3, s7;
	s7 =	simm.s32 @!p0 $0x108  }
0x21: {  	s3 =	sadd.s32 s3, s9;
	s6 =	sadd.s32 @!p0 $0x88, s6;
	s7 =	simm.s32 @p2 $0x1082  }
0x22: {  	[simem:s7], [sflag:s8] =	dma.local @!p0 [hbm:s6], $0xF7A  }
0x23: {  	s9 =	sor.u32 $0xD0000000, s2;
	s6 =	simm.s32 $0x108;
	_ =	swait.ge @!p0 [sflag:s8], $0x0  }
0x24: {  	s3 =	sadd.s32 $0x88, s3;
	s6 =	simm.s32 @!p1 $0x1082;
	[sflag:s4] =	ssyncset.s32 $0xFFFFF086  }
0x25: {  	[simem:s6], [sflag:s4] =	dma.local [hbm:s3], $0xF7A  }
0x26: {  	[smem:$0x3F98] =	sst s1;
	(tag) =	ssettag s2;
	_ =	strace s9  }
0x27: {  	s1 =	sld [smem:$0x3FA8]  }
0x28: {  	s2 =	sld [smem:$0x3FA9]  }
0x29: {  	s4 =	sld [smem:$0x3FAB]  }
0x2a: {  	p0 =	seq.s32 s5, $0x0;
	s5 =	sld [smem:$0x3FAC]  }
0x2b: {  	s6 =	sld [smem:$0x3FAD]  }
0x2c: {  	s7 =	sld [smem:$0x3FAE]  }
0x2d: {  	s3 =	simm.s32 $0x108;
	s8 =	sld [smem:$0x3FAF]  }
0x2e: {  	s3 =	simm.s32 @!p0 $0x1082;
	s9 =	sld [smem:$0x3FB0]  }
0x2f: {  	lr =	sadd.s32 s0, s3;
	s0 =	sld [smem:$0x3FA7]  }
0x30: {  	s3 =	sld [smem:$0x3FAA]  }
0x31: {  	[smem:$0x3FB3] =	sst s10  }
0x32: {  	s10 =	sld [smem:$0x3FB1];
	_ =	sdelay $0x3  }
0x33: {  	p0 =	seq.s32 s10, $0x1;
	s10 =	sld [smem:$0x3FB3];
	_ =	sdelay $0x3  }
0x34: {  	[smem:$0x3FB3] =	sst s10  }
0x35: {  	s10 =	sld [smem:$0x3FB2];
	_ =	sdelay $0x3  }
0x36: {  	p1 =	seq.s32 s10, $0x1;
	s10 =	sld [smem:$0x3FB3];
	_ =	sdelay $0x3  }
0x37: {  	[smem:$0x3FB3] =	sst s10  }
0x38: {  	s10 =	sld [smem:$0x3FB4]  }
0x39: {  	_ = 	snop;
	(pc) =	sbr.ind lr, $3  }
0x3a: {  	_ = 	snop  }
0x3b: {  	_ = 	snop  }
0x3c: {  	p2 =	seq.s32 s10, $0x1;
	s10 =	sld [smem:$0x3FB3]  }
0x3d: {  	_ =	shalt  }
0x3e: {  	_ =	shalt  }
0x3f: {  	_ =	shalt  }
0x40: {  	_ =	shalt  }
0x41: {  	_ =	shalt  }
0x42: {  	_ =	shalt  }
0x43: {  	_ =	shalt  }
0x44: {  	_ =	shalt  }
0x45: {  	_ =	shalt  }
0x46: {  	_ =	shalt  }
0x47: {  	_ =	shalt  }
0x48: {  	_ =	shalt  }
0x49: {  	_ =	shalt  }
0x4a: {  	_ =	shalt  }
0x4b: {  	_ =	shalt  }
0x4c: {  	_ =	shalt  }
0x4d: {  	_ =	shalt  }
0x4e: {  	_ =	shalt  }
0x4f: {  	_ =	shalt  }
0x50: {  	_ =	shalt  }
0x51: {  	_ =	shalt  }
0x52: {  	_ =	shalt  }
0x53: {  	_ =	shalt  }
0x54: {  	_ =	shalt  }
0x55: {  	_ =	shalt  }
0x56: {  	_ =	shalt  }
0x57: {  	_ =	shalt  }
0x58: {  	_ =	shalt  }
0x59: {  	_ =	shalt  }
0x5a: {  	_ =	shalt  }
0x5b: {  	_ =	shalt  }
0x5c: {  	_ =	shalt  }
0x5d: {  	_ =	shalt  }
0x5e: {  	_ =	shalt  }
0x5f: {  	_ =	shalt  }
0x60: {  	_ =	shalt  }
0x61: {  	_ =	shalt  }
0x62: {  	_ =	shalt  }
0x63: {  	_ =	shalt  }
0x64: {  	_ =	shalt  }
0x65: {  	_ =	shalt  }
0x66: {  	_ =	shalt  }
0x67: {  	_ =	shalt  }
0x68: {  	_ =	shalt  }
0x69: {  	_ =	shalt  }
0x6a: {  	_ =	shalt  }
0x6b: {  	_ =	shalt  }
0x6c: {  	_ =	shalt  }
0x6d: {  	_ =	shalt  }
0x6e: {  	_ =	shalt  }
0x6f: {  	_ =	shalt  }
0x70: {  	_ =	shalt  }
0x71: {  	_ =	shalt  }
0x72: {  	_ =	shalt  }
0x73: {  	_ =	shalt  }
0x74: {  	_ =	shalt  }
0x75: {  	_ =	shalt  }
0x76: {  	_ =	shalt  }
0x77: {  	_ =	shalt  }
0x78: {  	_ =	shalt  }
0x79: {  	_ =	shalt  }
0x7a: {  	_ =	shalt  }
0x7b: {  	_ =	shalt  }
0x7c: {  	_ =	shalt  }
0x7d: {  	_ =	shalt  }
0x7e: {  	_ =	shalt  }
0x7f: {  	_ =	shalt  }
0x80: {  	_ =	shalt  }
0x81: {  	_ =	shalt  }
0x82: {  	_ =	shalt  }
0x83: {  	_ =	shalt  }
0x84: {  	_ =	shalt  }
0x85: {  	_ =	shalt  }
0x86: {  	_ =	shalt  }
0x87: {  	_ =	shalt  }
.Lfunc_end0:
.L_simem_size_0:
called_computation.1_lowered:
.L_overlay_start_0:
0x88: {  	s2 =	sld [smem:$0x3FD9]  }
0x89: {  	s3 =	sld [smem:$0x3FFE];
	_ =	sdelay $0x1  }
0x8a: {  	s1 =	srdreg.scid  }
0x8b: {  	s0 =	sand.u32 $0x1, s1  }
0x8c: {  	s15 =	sshll.u32 s0, $0xA;
	s2 =	sadd.s32 s3, s2  }
0x8d: {  	s2 =	sadd.s32 s2, s15  }
0x8e: {  	[smem:$0x3FBF] =	sst s2  }
0x8f: {  	_ = 	snop  }
0x90: {  	s2 =	sld [smem:$0x3FD0];
	_ =	sdelay $0x2  }
0x91: {  	s4 =	simm.s32 $0xB;
	s5 =	simm.s32 $0x10;
	s16 =	sld [smem:$0x3FC7]  }
0x92: {  	[smem:s5], [sflag:s4] =	dma.local [hbm:s2], $0x1  }
0x93: {  	_ =	swait.eq [sflag:s4], $0x1  }
0x94: {  	[sflag:s4] =	ssyncset.done $0x0  }
0x95: {  	[sflag:s4] =	ssyncadd.s32 $0xFFFFFFFF  }
0x96: {  	s17 =	sld [smem:$0x10];
	(tm) =	ssettm $0x1  }
0x97: {  	s18 =	sld [smem:$0x3FFB];
	_ =	sdelay $0x3  }
0x98: {  	_ =	strace s18  }
0x99: {  	s2 =	sld [smem:$0x3FFC];
	_ =	sdelay $0x3  }
0x9a: {  	_ =	strace s2  }
0x9b: {  	s2 =	sld [smem:$0x3FFD];
	_ =	sdelay $0x3  }
0x9c: {  	_ =	strace s2  }
0x9d: {  	_ =	strace $0x8FFFFFFF  }
0x9e: {  	s19 =	sld [smem:$0x3FDB];
	_ =	sdelay $0x1  }
0x9f: {  	s20 =	simm.s32 $_scs_section_size  }
0xa0: {  	s6 =	simm.s32 $_size__tile_overlayer_lowered;
	s7 =	simm.s32 $_tile_overlayer_lowered  }
0xa1: {  	s8 =	simm.s32 $0x1BFF;
	s21 =	sshll.u32 s7, $0x1;
	s5 =	sadd.s32 s20, s19  }
0xa2: {  	s22 =	simm.s32 $0x0;
	s6 =	sshll.u32 s6, $0x1;
	s7 =	sadd.s32 s21, s5  }
0xa3: {  	[timem:s22], [sflag:s8] =	dma.local [hbm:s7], s6  }
0xa4: {  	_ =	swait.ge [sflag:s8], s6  }
0xa5: {  	s6 =	ssub.s32 $0x0, s6;
	[sflag:s8] =	ssyncset.done $0x0  }
0xa6: {  	[sflag:s8] =	ssyncadd.s32 s6;
	_ =	sdelay $0x1  }
0xa7: {  	s23 =	simm.s32 $0x1B8B  }
0xa8: {  	_ =	swait.ge [sflag:s23], $0x1  }
0xa9: {  	[sflag:s23] =	ssyncset.done $0x0  }
0xaa: {  	[sflag:s23] =	ssyncadd.s32 $0xFFFFFFFF  }
0xab: {  	s6 =	sld [smem:$0x0]  }
0xac: {  	s7 =	sand.u32 $0xFFFFFFFE, s1  }
0xad: {  	p0 =	sne.s32 s1, s7  }
0xae: {  	s7 =	sshll.u32 @p0 s7, $0xE  }
0xaf: {  	s7 =	sadd.s32 @p0 $0x11B8D, s7;
	s8 =	sshll.u32 @p0 s6, $0x11  }
0xb0: {  	s7 =	sor.u32 @p0 s8, s7  }
0xb1: {  	[sflag:s7] =	ssyncadd.remote.s32 @p0 $0x1;
	_ =	sdelay $0x1  }
0xb2: {  	s7 =	simm.s32 @p0 $0x1B8D  }
0xb3: {  	_ =	swait.eq @p0 [sflag:s7], $0x1  }
0xb4: {  	[sflag:s7] =	ssyncadd.s32 @p0 $0xFFFFFFFF  }
0xb5: {  	s8 =	sshll.u32 @!p0 s1, $0xE  }
0xb6: {  	s8 =	sor.u32 @!p0 $0x4000, s8;
	s7 =	simm.s32 @!p0 $0x1B8D  }
0xb7: {  	s6 =	sshll.u32 @!p0 s6, $0x11;
	s8 =	sadd.s32 @!p0 $0x11B8D, s8;
	_ =	swait.eq @!p0 [sflag:s7], $0x1  }
0xb8: {  	s6 =	sor.u32 @!p0 s6, s8;
	[sflag:s7] =	ssyncadd.s32 @!p0 $0xFFFFFFFF  }
0xb9: {  	s25 =	simm.s32 $0x1B8E;
	s24 =	sld [smem:$0x3FFE];
	[sflag:s6] =	ssyncadd.remote.s32 @!p0 $0x1  }
0xba: {  	s26 =	simm.s32 $execute0_lowered;
	[smem:$0x3FD2] =	sst s25  }
0xbb: {  	s7 =	sshll.u32 s26, $0x1;
	_ =	strace $0x80000049;
	[dreg:$0x1] =	wrdreg $0xFFFFFFFF  }
0xbc: {  	s28 =	simm.s32 $_size_execute0_lowered;
	s5 =	sadd.s32 s5, s7;
	[dreg:$0x0] =	wrdreg $0x0  }
0xbd: {  	s7 =	sshll.u32 s28, $0x1;
	[dreg:$0x2] =	wrdreg s5  }
0xbe: {  	[dreg:$0x3] =	wrdreg s7  }
0xbf: {  	[dreg:$0x4] =	wrdreg $0xC0  }
0xc0: {  	_ =	task [dreg:s22], $0x5FFFF  }
0xc1: {  	[dreg:$0x1] =	wrdreg $0xFFFFFFFF  }
0xc2: {  	[dreg:$0x0] =	wrdreg $0x60  }
0xc3: {  	[dreg:$0x2] =	wrdreg s16  }
0xc4: {  	[dreg:$0x3] =	wrdreg s17  }
0xc5: {  	[dreg:$0x4] =	wrdreg s24  }
0xc6: {  	[dreg:$0x5] =	wrdreg $0x28000  }
0xc7: {  	[dreg:$0x6] =	wrdreg $0x9  }
0xc8: {  	_ =	task.clear_ibuf [dreg:s22], $0x7FFFF;
	_ =	strace $0x90000049  }
0xc9: {  	s29 =	simm.s32 $0x9;
	_ =	strace $0x80000051  }
0xca: {  	_ =	swait.ge [sflag:s29], $0x1  }
0xcb: {  	[sflag:s29] =	ssyncadd.s32 $0xFFFFFFFF  }
0xcc: {  	_ =	strace $0x90000051  }
0xcd: {  	_ =	sfence  }
0xce: {  	s30 =	sld [smem:$0x0];
	_ =	sdelay $0x2  }
0xcf: {  	s31 =	sshll.u32 s1, $0xD;
	s1 =	sshrl.u32 s1, $0x2  }
0xd0: {  	s4 =	sand.u32 $0x4000, s31;
	s1 =	sadd.s32 s1, s30  }
0xd1: {  	s0 =	sor.u32 s4, s0;
	s1 =	sshll.u32 s1, $0x11  }
0xd2: {  	s0 =	sor.u32 s1, s0  }
0xd3: {  	s0 =	sadd.s32 $0x8F2B, s0  }
0xd4: {  	[sflag:s0] =	ssyncadd.remote.s32 $0x1  }
0xd5: {  	_ =	sfence.sel $0xFFFF  }
0xd6: {  	[dreg:$0x0] =	wrdreg $0xFFFFFFFF;
	(pc) =	sbr.abs _section_cstart, $3  }
0xd7: {  	[dreg:$0x1] =	wrdreg $0xFFFFFFFF  }
0xd8: {  	_ =	task.clear_ibuf [dreg:s22], $0x2FFFF;
	_ =	strace $0x9FFFFFFF  }
0xd9: {  	(tm) =	ssettm $0x7FFFFFFF  }
tec
execute0_lowered:
.L_overlay_start_1:
0x0: {  	(tag) =	ssettag $0x1  }
0x1: {  	s0 =	rddreg [dreg:$0x0]  }
0x2: {  	s1 =	rddreg [dreg:$0x1]  }
0x3: {  	s6 =	rddreg [dreg:$0x2]  }
0x4: {  	s2 =	srdreg.scid;
	s4 =	rddreg [dreg:$0x3]  }
0x5: {  	s3 =	stileid.u32;
	s5 =	simm.s32 $0x0;
	s15 =	simm.s32 $0x16080  }
0x6: {  	s16 =	simm.s32 $0x16180;
	s17 =	simm.s32 $0x80;
	s9 =	smul.u32 $0x2800, s3  }
0x7: {  	s18 =	simm.s32 $0x5;
	s19 =	simm.s32 $0x0;
	s10 =	smul.u32 $0x50, s3  }
0x8: {  	s7 =	sand.u32 $0x1, s2;
	[smem:$0x7FF] =	sst s5;
	s30 =	smul.u32 $0xA000, s3  }
0x9: {  	s8 =	smul.u32 $0x138800, s7;
	s24 =	sshll.u32 s7, $0x4;
	s7 =	ssub.s32 $0x2, s7  }
0xa: {  	_ =	strace $0x8000004A;
	s26 =	sshrl.u32 s7, $0x1;
	s10 =	ssub.s32 $0x2C00, s10  }
0xb: {  	s31 =	sshrl.u32 s30, $0x2;
	s8 =	sadd.s32 s9, s8;
	s9 =	sor.u32 s3, s24  }
0xc: {  	s10 =	smul.u32 $0xCCD, s10;
	s12 =	ssub.s32 s7, s26;
	s7 =	simm.s32 $0x4F  }
0xd: {  	s8 =	sshrl.u32 s8, $0x3;
	s25 =	smul.u32 $0x4E, s9;
	p0 =	slt.u32 s9, $0x4  }
0xe: {  	s11 =	smul.u32 $0x4F, s9;
	s13 =	sadd.s32 s8, s6;
	s7 =	simm.s32 @!p0 $0x4E  }
0xf: {  	s8 =	sshrl.u32 s10, $0x16;
	s6 =	sadd.s32 $0x4, s25;
	s14 =	sadd.s32 $0xFFFFFFFF, s7  }
0x10: {  	s13 =	sadd.s32 $0x4E3E00, s13;
	s6 =	smov.u32 @p0 s11;
	[dreg:$0x5] =	wrdreg s14  }
0x11: {  	s11 =	smax.u32 s12, $0x1;
	s28 =	sshll.u32 s6, $0x4;
	s29 =	sshll.u32 s6, $0xB  }
0x12: {  	s12 =	sadd.s32 s31, s4;
	s9 =	sand.u32 $0x1FFFFFF0, s28;
	s10 =	sand.u32 $0x1FFFF800, s29  }
0x13: {  	v0 =	vimm.f32 $0.0e+00;
	s14 =	simm.s32 $0x1;
	s9 =	sadd.s32 s1, s9;
	s10 =	sadd.s32 s0, s10  }
.LBB2_1:
0x14: {  	s20 =	simm.s32 $0x70;
	s21 =	simm.s32 $0x3C0  }
.LBB2_2:
0x15: {  	p0 =	sne.s32 s21, $0x9FC0;
	[tilespmem:s20+$0x0] =	vst v0  }
0x16: {  	[tilespmem:s20+$0xFFFFFF90] =	vst v0  }
0x17: {  	[tilespmem:s20+$0xFFFFFFA0] =	vst v0  }
.Ltmp0:
0x18: {  	[tilespmem:s20+$0xFFFFFFB0] =	vst v0;
	(pc) =	sbr.rel @p0 .LBB2_2-.Ltmp0, $4  }
0x19: {  	[tilespmem:s20+$0xFFFFFFC0] =	vst v0  }
0x1a: {  	[tilespmem:s20+$0xFFFFFFD0] =	vst v0  }
0x1b: {  	[tilespmem:s20+$0xFFFFFFE0] =	vst v0  }
0x1c: {  	[tilespmem:s20+$0xFFFFFFF0] =	vst v0;
	s20 =	sshra.s32 s21, $0x2;
	s21 =	sadd.s32 $0x200, s21  }
0x1d: {  	[tilespmem:s20+$0x0] =	vst v0  }
0x1e: {  	[tilespmem:s20+$0xFFFFFF90] =	vst v0  }
0x1f: {  	[tilespmem:s20+$0xFFFFFFA0] =	vst v0  }
0x20: {  	[tilespmem:s20+$0xFFFFFFB0] =	vst v0  }
0x21: {  	[tilespmem:s20+$0xFFFFFFC0] =	vst v0  }
0x22: {  	[tilespmem:s20+$0xFFFFFFD0] =	vst v0;
	p0 =	sne.s32 s8, $0x1  }
.Ltmp1:
0x23: {  	[tilespmem:s20+$0xFFFFFFE0] =	vst v0;
	(pc) =	sbr.rel @!p0 .LBB2_5-.Ltmp1, $4  }
0x24: {  	[tilespmem:s20+$0xFFFFFFF0] =	vst v0  }
0x25: {  	[spmem:s12] =	stream.linear.scatter [tilespmem:s5], [sflag:$0x1], $0x2800, $0x38;
	[tilespmem:$0x1E180] =	vst v63  }
0x26: {  	_ =	swait.ge [sflag:s14], $0x2800  }
0x27: {  	s20 =	sadd.s32 $0xFFFFFFFF, s8;
	s21 =	smov.u32 s12;
	[sflag:s14] =	ssyncset.done $0x0  }
.LBB2_4:
0x28: {  	p1 =	sne.s32 s20, $0x1;
	[sflag:s14] =	ssyncadd.s32 $0xFFFFD800;
	s21 =	sadd.s32 $0x28000, s21  }
.Ltmp2:
0x29: {  	s20 =	sadd.s32 $0xFFFFFFFF, s20;
	(pc) =	sbr.rel @p1 .LBB2_4-.Ltmp2, $4  }
0x2a: {  	_ = 	snop  }
0x2b: {  	[spmem:s21] =	stream.linear.scatter [tilespmem:s5], [sflag:$0x1], $0x2800, $0x38;
	[tilespmem:$0x1E180] =	vst v63  }
0x2c: {  	_ =	swait.ge [sflag:s14], $0x2800  }
0x2d: {  	[sflag:s14] =	ssyncset.done $0x0  }
.LBB2_5:
0x2e: {  	[sflag:s14] =	ssyncadd.s32 $0xFFFFD800  }
0x2f: {  	[bflag:$0x0] =	sbarrier.arrive $0xFFFF  }
0x30: {  	s22 =	simm.s32 $0x0;
	_ =	strace $0x8000004B  }
0x31: {  	[tilespmem:s15], [sflag:$0x1] =	stream.linear.gather [hbm4b:s9+s22], $0x80, $0x200038;
	[tilespmem:$0x1E180] =	vst v63  }
0x32: {  	s25 =	simm.s32 $0x1;
	s20 =	simm.s32 $0x0;
	s23 =	simm.s32 $0x1  }
0x33: {  	[tilespmem:s16], [sflag:$0x3] =	stream.linear.gather [hbm4b:s10+s22], $0x4000, $0x200038;
	[tilespmem:$0x1E180] =	vst v63  }
0x34: {  	s21 =	simm.s32 $0x0;
	s24 =	simm.s32 $0x0;
	_ =	strace $0x9000004B  }
.LBB2_6:
0x35: {  	s26 =	smov.u32 s22;
	s22 =	sadd.s32 $0x1, s22  }
0x36: {  	p1 =	seq.s32 s22, s7  }
0x37: {  	s22 =	simm.s32 @p1 $0x0  }
0x38: {  	s28 =	smov.u32 s25;
	p1 =	seq.s32 s26, s22  }
0x39: {  	s25 =	sadd.s32 @!p1 s6, s22;
	s29 =	sand.u32 @!p1 $0x1, s28  }
0x3a: {  	_ =	strace @!p1 $0x8000004C;
	s2 =	simm.s32 @!p1 $0x0;
	s31 =	sshll.u32 @!p1 s25, $0x4  }
0x3b: {  	s30 =	sshll.u32 @!p1 s29, $0x7;
	s29 =	sadd.s32 @!p1 $0x1, s29;
	s31 =	sand.u32 @!p1 $0x1FFFFFF0, s31  }
0x3c: {  	s25 =	sshll.u32 @!p1 s25, $0xB;
	s30 =	sadd.s32 @!p1 $0x16080, s30;
	s31 =	sadd.s32 @!p1 s1, s31  }
0x3d: {  	[tilespmem:s30], [sflag:s29] =	stream.linear.gather @!p1 [hbm4b:s31+s2], $0x80, $0x200038;
	[tilespmem:$0x1E180] =	vst v63  }
0x3e: {  	s25 =	sand.u32 @!p1 $0x1FFFF800, s25;
	s29 =	sand.u32 @!p1 $0x1, s23  }
0x3f: {  	s25 =	sadd.s32 @!p1 s0, s25;
	_ =	strace @!p1 $0x9000004C;
	s30 =	sshll.u32 @!p1 s29, $0xE  }
0x40: {  	s29 =	sadd.s32 @!p1 $0x3, s29;
	_ =	strace @!p1 $0x8000004D;
	s30 =	sadd.s32 @!p1 $0x16180, s30  }
0x41: {  	[tilespmem:s30], [sflag:s29] =	stream.linear.gather @!p1 [hbm4b:s25+s2], $0x4000, $0x200038;
	[tilespmem:$0x1E180] =	vst v63  }
0x42: {  	s31 =	sand.u32 $0x1, s21;
	_ =	strace @!p1 $0x9000004D  }
0x43: {  	s2 =	sadd.s32 $0x1, s31;
	_ =	strace $0x8000004E  }
0x44: {  	_ =	swait.ge [sflag:s2], $0x80  }
0x45: {  	[sflag:s2] =	ssyncset.done $0x0  }
0x46: {  	[sflag:s2] =	ssyncadd.s32 $0xFFFFFF80  }
0x47: {  	s25 =	sand.u32 $0x1, s20;
	_ =	strace $0x9000004E  }
0x48: {  	s2 =	sadd.s32 $0x3, s25;
	_ =	strace $0x8000004F  }
0x49: {  	_ =	swait.ge [sflag:s2], $0x4000  }
0x4a: {  	[sflag:s2] =	ssyncset.done $0x0  }
0x4b: {  	s29 =	sshll.u32 s20, $0xE;
	s30 =	sshll.u32 s21, $0x7;
	[sflag:s2] =	ssyncadd.s32 $0xFFFFC000  }
0x4c: {  	s25 =	sand.u32 $0x80, s30;
	s2 =	sand.u32 $0x4000, s29;
	_ =	strace $0x9000004F  }
0x4d: {  	s25 =	sadd.s32 $0x16080, s25;
	s2 =	sadd.s32 $0x16180, s2;
	_ =	strace $0x80000050  }
0x4e: {  	[spmem:s4] =	stream.indirect.scatter.add.f32 [tilespmem:s2], [sflag:$0x5], $0x80, s25, s17, $0x2000b8;
	[tilespmem:$0x1E180] =	vst v63  }
0x4f: {  	_ =	swait.ge [sflag:s18], $0x4000  }
0x50: {  	[sflag:s18] =	ssyncset.done $0x0  }
0x51: {  	[sflag:s18] =	ssyncadd.s32 $0xFFFFC000  }
0x52: {  	s24 =	sadd.s32 $0x1, s24;
	_ =	strace $0x90000050  }
0x53: {  	s29 =	simm.s32 @!p1 $0x1;
	s25 =	sadd.s32 @!p1 $0x1, s28;
	s31 =	rddreg [dreg:$0x5]  }
0x54: {  	s29 =	simm.s32 @p1 $0x0;
	s25 =	smov.u32 @p1 s28;
	p1 =	sne.s32 s31, s24  }
.Ltmp3:
0x55: {  	_ = 	snop;
	(pc) =	sbr.rel @p1 .LBB2_6-.Ltmp3, $4  }
0x56: {  	_ = 	snop  }
0x57: {  	p2 =	sne.s32 s26, s22;
	s26 =	simm.s32 $0x1  }
0x58: {  	s26 =	simm.s32 @!p2 $0x0  }
0x59: {  	s21 =	sadd.s32 s26, s21;
	s20 =	sadd.s32 s26, s20;
	s23 =	sadd.s32 s23, s29  }
0x5a: {  	s2 =	sand.u32 $0x1, s21  }
0x5b: {  	_ =	strace $0x8000004E;
	s2 =	sadd.s32 $0x1, s2  }
0x5c: {  	_ =	swait.ge [sflag:s2], $0x80  }
0x5d: {  	[sflag:s2] =	ssyncset.done $0x0  }
0x5e: {  	[sflag:s2] =	ssyncadd.s32 $0xFFFFFF80  }
0x5f: {  	s26 =	sand.u32 $0x1, s20;
	_ =	strace $0x9000004E  }
0x60: {  	s2 =	sadd.s32 $0x3, s26;
	_ =	strace $0x8000004F  }
0x61: {  	_ =	swait.ge [sflag:s2], $0x4000  }
0x62: {  	[sflag:s2] =	ssyncset.done $0x0  }
0x63: {  	s28 =	sshll.u32 s20, $0xE;
	s29 =	sshll.u32 s21, $0x7;
	[sflag:s2] =	ssyncadd.s32 $0xFFFFC000  }
0x64: {  	s20 =	sand.u32 $0x80, s29;
	s2 =	sand.u32 $0x4000, s28;
	_ =	strace $0x9000004F  }
0x65: {  	s20 =	sadd.s32 $0x16080, s20;
	s2 =	sadd.s32 $0x16180, s2;
	_ =	strace $0x80000050  }
0x66: {  	[spmem:s4] =	stream.indirect.scatter.add.f32 [tilespmem:s2], [sflag:$0x5], $0x80, s20, s17, $0x2000b8;
	[tilespmem:$0x1E180] =	vst v63  }
0x67: {  	_ =	swait.ge [sflag:s18], $0x4000  }
0x68: {  	[sflag:s18] =	ssyncset.done $0x0  }
.Ltmp4:
0x69: {  	[sflag:s18] =	ssyncadd.s32 $0xFFFFC000;
	(pc) =	sbr.rel @!p0 .LBB2_9-.Ltmp4, $4  }
0x6a: {  	s30 =	sshll.u32 s3, $0x6;
	s31 =	sshrl.u32 s12, $0x3;
	_ =	strace $0x90000050  }
0x6b: {  	s21 =	sadd.s32 $0xFFFFFFFF, s8;
	s20 =	sor.u32 $0x1C01, s30;
	[bflag:$0x0] =	sbarrier.arrive $0xFFFF  }
0x6c: {  	[hbm:s13], [sflag:s20] =	dma.local [spmem:s31], $0x500  }
0x6d: {  	s22 =	sadd.s32 $0x5000, s13;
	s23 =	smov.u32 s12;
	_ =	swait.ge [sflag:s14], $0x500  }
.LBB2_8:
0x6e: {  	[sflag:s14] =	ssyncset.done $0x0;
	s23 =	sadd.s32 $0x28000, s23;
	p0 =	sne.s32 s21, $0x1  }
.Ltmp5:
0x6f: {  	s2 =	sshrl.u32 s23, $0x3;
	[sflag:s14] =	ssyncadd.s32 $0xFFFFFB00;
	(pc) =	sbr.rel @p0 .LBB2_8-.Ltmp5, $3  }
0x70: {  	[hbm:s22], [sflag:s20] =	dma.local [spmem:s2], $0x500  }
0x71: {  	s21 =	sadd.s32 $0xFFFFFFFF, s21;
	_ =	sdelay $0x1  }
0x72: {  	s22 =	sadd.s32 $0x5000, s22;
	_ =	swait.ge [sflag:s14], $0x500  }
.LBB2_9:
0x73: {  	s19 =	sadd.s32 $0x1, s19  }
0x74: {  	p0 =	sne.s32 s19, s11  }
.Ltmp6:
0x75: {  	_ = 	snop;
	(pc) =	sbr.rel @p0 .LBB2_1-.Ltmp6, $3  }
0x76: {  	_ =	sdelay $0x1  }
0x77: {  	[sflag:s14] =	ssyncset.done $0x0  }
0x78: {  	[sflag:s14] =	ssyncadd.s32 $0xFFFFFB00  }
0x79: {  	_ =	sfence.sel $0x180000  }
0x7a: {  	[bflag:$0x0] =	sbarrier.arrive $0xFFFF  }
0x7b: {  	_ =	strace $0x9000004A  }
0x7c: {  	[bflag:$0x2] =	sbarrier.arrive $0xFFFF  }
0x7d: {  	p0 =	sne.s32 s3, $0x0;
	s0 =	rddreg [dreg:$0x4]  }
0x7e: {  	s0 =	sadd.s32 @!p0 $0x100000, s0  }
0x7f: {  	[sflag:s0] =	ssyncadd.tile.s32 @!p0 $0x1;
	_ =	shalt  }
.Lfunc_end2:
_tile_overlayer_lowered:
.L_overlay_start_2:
0x80: {  	(tag) =	ssettag $0x2  }
0x81: {  	s0 =	rddreg [dreg:$0x0];
	s2 =	stileid.u32  }
0x82: {  	s1 =	rddreg [dreg:$0x1];
	p0 =	sne.s32 s2, $0x0  }
0x83: {  	s3 =	rddreg [dreg:$0x2];
	[bflag:$0x3] =	sbarrier.arrive $0xFFFF;
	s2 =	simm.s32 @!p0 $0x1C01  }
0x84: {  	[timem:s3], [sflag:s2] =	dma.local @!p0 [hbm:s0], s1  }
0x85: {  	s0 =	simm.s32 @!p0 $0x1  }
0x86: {  	_ =	swait.ge @!p0 [sflag:s0], s1  }
0x87: {  	s1 =	ssub.s32 @!p0 $0x0, s1;
	[sflag:s0] =	ssyncset.done @!p0 $0x0  }
0x88: {  	[sflag:s0] =	ssyncadd.s32 @!p0 s1  }
0x89: {  	[bflag:$0x3] =	sbarrier.arrive $0xFFFF  }
0x8a: {  	_ =	shalt  }

// kernel: kernel.14.cloned.1.call-start
scs
__scs_entry_jumppad:
0x0: {  	(pc) =	sbr.rel $0x88, $3  }
0x1: {  	(tag) =	ssettag $0x0;
	lr =	simm.s32 $0x1  }
0x2: {  	[smem:$0x3F98] =	sst lr;
	_ =	strace $0xD0000000  }
0x3: {  	_ = 	snop  }
0x4: {  	_ = 	snop  }
0x5: {  	_ = 	snop  }
0x6: {  	_ = 	snop  }
0x7: {  	_ = 	snop  }
__scs_overlays_trampoline_lowered:
0x8: {  	[smem:$0x3FA7] =	sst s0  }
0x9: {  	[smem:$0x3FA8] =	sst s1  }
0xa: {  	[smem:$0x3FA9] =	sst s2  }
0xb: {  	[smem:$0x3FAA] =	sst s3  }
0xc: {  	[smem:$0x3FAB] =	sst s4  }
0xd: {  	[smem:$0x3FAC] =	sst s5  }
0xe: {  	[smem:$0x3FAD] =	sst s6  }
0xf: {  	[smem:$0x3FAE] =	sst s7  }
0x10: {  	[smem:$0x3FAF] =	sst s8  }
0x11: {  	[smem:$0x3FB0] =	sst s9;
	s0 =	simm.s32 @!p0 $0x0  }
0x12: {  	s1 =	sld [smem:$0x3F96];
	s0 =	simm.s32 @p0 $0x1  }
0x13: {  	[smem:$0x3FB1] =	sst s0;
	s0 =	simm.s32 @!p1 $0x0  }
0x14: {  	s2 =	sld [smem:$0x3F95];
	s0 =	simm.s32 @p1 $0x1  }
0x15: {  	[smem:$0x3FB2] =	sst s0;
	s0 =	simm.s32 @!p2 $0x0  }
0x16: {  	s3 =	sld [smem:$0x3FDB];
	s0 =	simm.s32 @p2 $0x1  }
0x17: {  	s4 =	simm.s32 $0x1BF5;
	[smem:$0x3FB4] =	sst s0  }
0x18: {  	s0 =	sld [smem:$0x3F97];
	_ =	swait.ge [sflag:s4], $0x0  }
0x19: {  	s7 =	sld [smem:$0x3F98]  }
0x1a: {  	s8 =	sadd.s32 $0xFFFFE003, lr  }
0x1b: {  	s9 =	sadd.s32 $0xFFFFFEF7, lr;
	s5 =	simm.s32 $0xFFFFFFFF;
	p2 =	slt.u32 s8, $0xFFFFF086  }
0x1c: {  	p1 =	slt.u32 s9, $0xF7A;
	s5 =	simm.s32 @!p2 $0x0  }
0x1d: {  	s5 =	simm.s32 @p1 $0x1;
	p0 =	seq.s32 s7, s2  }
0x1e: {  	s7 =	smul.u32 @!p0 $0xF7A, s2;
	p2 =	seq.s32 @!p0 s5, $0x0  }
0x1f: {  	s9 =	smul.u32 $0xF7A, s1;
	s8 =	simm.s32 @!p0 $0x1BF5;
	p2 =	por !p2, p0  }
0x20: {  	[sflag:s8] =	ssyncset.s32 @!p0 $0xFFFFF086;
	s6 =	sadd.s32 @!p0 s3, s7;
	s7 =	simm.s32 @!p0 $0x108  }
0x21: {  	s3 =	sadd.s32 s3, s9;
	s6 =	sadd.s32 @!p0 $0x88, s6;
	s7 =	simm.s32 @p2 $0x1082  }
0x22: {  	[simem:s7], [sflag:s8] =	dma.local @!p0 [hbm:s6], $0xF7A  }
0x23: {  	s9 =	sor.u32 $0xD0000000, s2;
	s6 =	simm.s32 $0x108;
	_ =	swait.ge @!p0 [sflag:s8], $0x0  }
0x24: {  	s3 =	sadd.s32 $0x88, s3;
	s6 =	simm.s32 @!p1 $0x1082;
	[sflag:s4] =	ssyncset.s32 $0xFFFFF086  }
0x25: {  	[simem:s6], [sflag:s4] =	dma.local [hbm:s3], $0xF7A  }
0x26: {  	[smem:$0x3F98] =	sst s1;
	(tag) =	ssettag s2;
	_ =	strace s9  }
0x27: {  	s1 =	sld [smem:$0x3FA8]  }
0x28: {  	s2 =	sld [smem:$0x3FA9]  }
0x29: {  	s4 =	sld [smem:$0x3FAB]  }
0x2a: {  	p0 =	seq.s32 s5, $0x0;
	s5 =	sld [smem:$0x3FAC]  }
0x2b: {  	s6 =	sld [smem:$0x3FAD]  }
0x2c: {  	s7 =	sld [smem:$0x3FAE]  }
0x2d: {  	s3 =	simm.s32 $0x108;
	s8 =	sld [smem:$0x3FAF]  }
0x2e: {  	s3 =	simm.s32 @!p0 $0x1082;
	s9 =	sld [smem:$0x3FB0]  }
0x2f: {  	lr =	sadd.s32 s0, s3;
	s0 =	sld [smem:$0x3FA7]  }
0x30: {  	s3 =	sld [smem:$0x3FAA]  }
0x31: {  	[smem:$0x3FB3] =	sst s10  }
0x32: {  	s10 =	sld [smem:$0x3FB1];
	_ =	sdelay $0x3  }
0x33: {  	p0 =	seq.s32 s10, $0x1;
	s10 =	sld [smem:$0x3FB3];
	_ =	sdelay $0x3  }
0x34: {  	[smem:$0x3FB3] =	sst s10  }
0x35: {  	s10 =	sld [smem:$0x3FB2];
	_ =	sdelay $0x3  }
0x36: {  	p1 =	seq.s32 s10, $0x1;
	s10 =	sld [smem:$0x3FB3];
	_ =	sdelay $0x3  }
0x37: {  	[smem:$0x3FB3] =	sst s10  }
0x38: {  	s10 =	sld [smem:$0x3FB4]  }
0x39: {  	_ = 	snop;
	(pc) =	sbr.ind lr, $3  }
0x3a: {  	_ = 	snop  }
0x3b: {  	_ = 	snop  }
0x3c: {  	p2 =	seq.s32 s10, $0x1;
	s10 =	sld [smem:$0x3FB3]  }
0x3d: {  	_ =	shalt  }
0x3e: {  	_ =	shalt  }
0x3f: {  	_ =	shalt  }
0x40: {  	_ =	shalt  }
0x41: {  	_ =	shalt  }
0x42: {  	_ =	shalt  }
0x43: {  	_ =	shalt  }
0x44: {  	_ =	shalt  }
0x45: {  	_ =	shalt  }
0x46: {  	_ =	shalt  }
0x47: {  	_ =	shalt  }
0x48: {  	_ =	shalt  }
0x49: {  	_ =	shalt  }
0x4a: {  	_ =	shalt  }
0x4b: {  	_ =	shalt  }
0x4c: {  	_ =	shalt  }
0x4d: {  	_ =	shalt  }
0x4e: {  	_ =	shalt  }
0x4f: {  	_ =	shalt  }
0x50: {  	_ =	shalt  }
0x51: {  	_ =	shalt  }
0x52: {  	_ =	shalt  }
0x53: {  	_ =	shalt  }
0x54: {  	_ =	shalt  }
0x55: {  	_ =	shalt  }
0x56: {  	_ =	shalt  }
0x57: {  	_ =	shalt  }
0x58: {  	_ =	shalt  }
0x59: {  	_ =	shalt  }
0x5a: {  	_ =	shalt  }
0x5b: {  	_ =	shalt  }
0x5c: {  	_ =	shalt  }
0x5d: {  	_ =	shalt  }
0x5e: {  	_ =	shalt  }
0x5f: {  	_ =	shalt  }
0x60: {  	_ =	shalt  }
0x61: {  	_ =	shalt  }
0x62: {  	_ =	shalt  }
0x63: {  	_ =	shalt  }
0x64: {  	_ =	shalt  }
0x65: {  	_ =	shalt  }
0x66: {  	_ =	shalt  }
0x67: {  	_ =	shalt  }
0x68: {  	_ =	shalt  }
0x69: {  	_ =	shalt  }
0x6a: {  	_ =	shalt  }
0x6b: {  	_ =	shalt  }
0x6c: {  	_ =	shalt  }
0x6d: {  	_ =	shalt  }
0x6e: {  	_ =	shalt  }
0x6f: {  	_ =	shalt  }
0x70: {  	_ =	shalt  }
0x71: {  	_ =	shalt  }
0x72: {  	_ =	shalt  }
0x73: {  	_ =	shalt  }
0x74: {  	_ =	shalt  }
0x75: {  	_ =	shalt  }
0x76: {  	_ =	shalt  }
0x77: {  	_ =	shalt  }
0x78: {  	_ =	shalt  }
0x79: {  	_ =	shalt  }
0x7a: {  	_ =	shalt  }
0x7b: {  	_ =	shalt  }
0x7c: {  	_ =	shalt  }
0x7d: {  	_ =	shalt  }
0x7e: {  	_ =	shalt  }
0x7f: {  	_ =	shalt  }
0x80: {  	_ =	shalt  }
0x81: {  	_ =	shalt  }
0x82: {  	_ =	shalt  }
0x83: {  	_ =	shalt  }
0x84: {  	_ =	shalt  }
0x85: {  	_ =	shalt  }
0x86: {  	_ =	shalt  }
0x87: {  	_ =	shalt  }
.Lfunc_end0:
.L_simem_size_0:
called_computation.2_lowered:
.L_overlay_start_0:
0x88: {  	s2 =	sld [smem:$0x3FD9]  }
0x89: {  	s3 =	sld [smem:$0x3FFE];
	_ =	sdelay $0x1  }
0x8a: {  	s1 =	srdreg.scid  }
0x8b: {  	s0 =	sand.u32 $0x1, s1  }
0x8c: {  	s15 =	sshll.u32 s0, $0xA;
	s2 =	sadd.s32 s3, s2  }
0x8d: {  	s2 =	sadd.s32 s2, s15  }
0x8e: {  	[smem:$0x3FBF] =	sst s2  }
0x8f: {  	_ = 	snop  }
0x90: {  	s2 =	sld [smem:$0x3FD0];
	_ =	sdelay $0x2  }
0x91: {  	s16 =	simm.s32 $0xB;
	s4 =	simm.s32 $0x10  }
0x92: {  	[smem:s4], [sflag:s16] =	dma.local [hbm:s2], $0x1  }
0x93: {  	_ =	swait.eq [sflag:s16], $0x1  }
0x94: {  	[sflag:s16] =	ssyncset.done $0x0  }
0x95: {  	[sflag:s16] =	ssyncadd.s32 $0xFFFFFFFF  }
0x96: {  	s17 =	sld [smem:$0x10];
	(tm) =	ssettm $0x1  }
0x97: {  	s18 =	sld [smem:$0x3FFB];
	_ =	sdelay $0x3  }
0x98: {  	_ =	strace s18  }
0x99: {  	s2 =	sld [smem:$0x3FFC];
	_ =	sdelay $0x3  }
0x9a: {  	_ =	strace s2  }
0x9b: {  	s2 =	sld [smem:$0x3FFD];
	_ =	sdelay $0x3  }
0x9c: {  	_ =	strace s2  }
0x9d: {  	_ =	strace $0x8FFFFFFF  }
0x9e: {  	s19 =	sld [smem:$0x3FDB];
	_ =	sdelay $0x1  }
0x9f: {  	s20 =	simm.s32 $_scs_section_size  }
0xa0: {  	s5 =	simm.s32 $_size__tile_overlayer_lowered;
	s6 =	simm.s32 $_tile_overlayer_lowered  }
0xa1: {  	s7 =	simm.s32 $0x1BFF;
	s21 =	sshll.u32 s6, $0x1;
	s4 =	sadd.s32 s20, s19  }
0xa2: {  	s22 =	simm.s32 $0x0;
	s5 =	sshll.u32 s5, $0x1;
	s6 =	sadd.s32 s21, s4  }
0xa3: {  	[timem:s22], [sflag:s7] =	dma.local [hbm:s6], s5  }
0xa4: {  	_ =	swait.ge [sflag:s7], s5  }
0xa5: {  	s5 =	ssub.s32 $0x0, s5;
	[sflag:s7] =	ssyncset.done $0x0  }
0xa6: {  	[sflag:s7] =	ssyncadd.s32 s5;
	_ =	sdelay $0x1  }
0xa7: {  	s23 =	simm.s32 $0x1B8B  }
0xa8: {  	_ =	swait.ge [sflag:s23], $0x1  }
0xa9: {  	[sflag:s23] =	ssyncset.done $0x0  }
0xaa: {  	[sflag:s23] =	ssyncadd.s32 $0xFFFFFFFF  }
0xab: {  	s5 =	sld [smem:$0x0]  }
0xac: {  	s6 =	sand.u32 $0xFFFFFFFE, s1  }
0xad: {  	p0 =	sne.s32 s1, s6  }
0xae: {  	s6 =	sshll.u32 @p0 s6, $0xE  }
0xaf: {  	s6 =	sadd.s32 @p0 $0x11B8D, s6;
	s7 =	sshll.u32 @p0 s5, $0x11  }
0xb0: {  	s6 =	sor.u32 @p0 s7, s6  }
0xb1: {  	[sflag:s6] =	ssyncadd.remote.s32 @p0 $0x1;
	_ =	sdelay $0x1  }
0xb2: {  	s6 =	simm.s32 @p0 $0x1B8D  }
0xb3: {  	_ =	swait.eq @p0 [sflag:s6], $0x1  }
0xb4: {  	[sflag:s6] =	ssyncadd.s32 @p0 $0xFFFFFFFF  }
0xb5: {  	s7 =	sshll.u32 @!p0 s1, $0xE  }
0xb6: {  	s7 =	sor.u32 @!p0 $0x4000, s7;
	s6 =	simm.s32 @!p0 $0x1B8D  }
0xb7: {  	s5 =	sshll.u32 @!p0 s5, $0x11;
	s7 =	sadd.s32 @!p0 $0x11B8D, s7;
	_ =	swait.eq @!p0 [sflag:s6], $0x1  }
0xb8: {  	s5 =	sor.u32 @!p0 s5, s7;
	[sflag:s6] =	ssyncadd.s32 @!p0 $0xFFFFFFFF  }
0xb9: {  	s25 =	simm.s32 $0x1B8E;
	s24 =	sld [smem:$0x3FFE];
	[sflag:s5] =	ssyncadd.remote.s32 @!p0 $0x1  }
0xba: {  	s26 =	simm.s32 $execute0_lowered;
	[smem:$0x3FD2] =	sst s25  }
0xbb: {  	s6 =	sshll.u32 s26, $0x1;
	_ =	strace $0x80000052;
	[dreg:$0x1] =	wrdreg $0xFFFFFFFF  }
0xbc: {  	s28 =	simm.s32 $_size_execute0_lowered;
	s4 =	sadd.s32 s4, s6;
	[dreg:$0x0] =	wrdreg $0x0  }
0xbd: {  	s6 =	sshll.u32 s28, $0x1;
	[dreg:$0x2] =	wrdreg s4  }
0xbe: {  	[dreg:$0x3] =	wrdreg s6  }
0xbf: {  	[dreg:$0x4] =	wrdreg $0xC0  }
0xc0: {  	_ =	task [dreg:s22], $0x5FFFF  }
0xc1: {  	[dreg:$0x1] =	wrdreg $0xFFFFFFFF  }
0xc2: {  	[dreg:$0x0] =	wrdreg $0x60  }
0xc3: {  	[dreg:$0x2] =	wrdreg s24  }
0xc4: {  	[dreg:$0x3] =	wrdreg s17  }
0xc5: {  	[dreg:$0x4] =	wrdreg $0x28000  }
0xc6: {  	[dreg:$0x5] =	wrdreg $0xA  }
0xc7: {  	_ =	task.clear_ibuf [dreg:s22], $0x6FFFF;
	_ =	strace $0x90000052  }
0xc8: {  	s29 =	simm.s32 $0xA;
	_ =	strace $0x8000005A  }
0xc9: {  	_ =	swait.ge [sflag:s29], $0x1  }
0xca: {  	[sflag:s29] =	ssyncadd.s32 $0xFFFFFFFF  }
0xcb: {  	_ =	strace $0x9000005A  }
0xcc: {  	_ =	sfence  }
0xcd: {  	s30 =	sld [smem:$0x0];
	_ =	sdelay $0x2  }
0xce: {  	s31 =	sshll.u32 s1, $0xD;
	s1 =	sshrl.u32 s1, $0x2  }
0xcf: {  	s4 =	sand.u32 $0x4000, s31;
	s1 =	sadd.s32 s1, s30  }
0xd0: {  	s0 =	sor.u32 s4, s0;
	s1 =	sshll.u32 s1, $0x11  }
0xd1: {  	s0 =	sor.u32 s1, s0  }
0xd2: {  	s0 =	sadd.s32 $0x8F2B, s0  }
0xd3: {  	[sflag:s0] =	ssyncadd.remote.s32 $0x1  }
0xd4: {  	_ =	sfence.sel $0xFFFF  }
0xd5: {  	[dreg:$0x0] =	wrdreg $0xFFFFFFFF;
	(pc) =	sbr.abs _section_cstart, $3  }
0xd6: {  	[dreg:$0x1] =	wrdreg $0xFFFFFFFF  }
0xd7: {  	_ =	task.clear_ibuf [dreg:s22], $0x2FFFF;
	_ =	strace $0x9FFFFFFF  }
0xd8: {  	(tm) =	ssettm $0x7FFFFFFF  }
0xd9: {  	_ =	shalt  }
tec
execute0_lowered:
.L_overlay_start_1:
0x0: {  	(tag) =	ssettag $0x1  }
0x1: {  	s6 =	rddreg [dreg:$0x0]  }
0x2: {  	s1 =	rddreg [dreg:$0x1]  }
0x3: {  	s2 =	rddreg [dreg:$0x2];
	s3 =	srdreg.scid;
	s4 =	simm.s32 $0x0  }
0x4: {  	s15 =	simm.s32 $0x16080;
	s16 =	simm.s32 $0x16180;
	s17 =	simm.s32 $0x80  }
0x5: {  	s18 =	simm.s32 $0x5;
	s7 =	sand.u32 $0x1, s3;
	s3 =	stileid.u32  }
0x6: {  	s19 =	simm.s32 $0x0;
	[smem:$0x7FF] =	sst s4;
	s8 =	smul.u32 $0x138800, s7  }
0x7: {  	s5 =	sadd.s32 $0x532000, s6;
	s9 =	smul.u32 $0x2800, s3;
	_ =	strace $0x80000053  }
0x8: {  	s24 =	sshll.u32 s7, $0x4;
	s10 =	smul.u32 $0x50, s3;
	s7 =	ssub.s32 $0x2, s7  }
0x9: {  	s30 =	smul.u32 $0xA000, s3;
	s26 =	sshrl.u32 s7, $0x1;
	s8 =	sadd.s32 s9, s8  }
0xa: {  	s9 =	sor.u32 s3, s24;
	s10 =	ssub.s32 $0x2C00, s10;
	s12 =	ssub.s32 s7, s26  }
0xb: {  	s7 =	simm.s32 $0x4F;
	s31 =	sshrl.u32 s30, $0x2;
	s25 =	smul.u32 $0x4E, s9  }
0xc: {  	s8 =	sshrl.u32 s8, $0x3;
	s10 =	smul.u32 $0xCCD, s10;
	p0 =	slt.u32 s9, $0x4  }
0xd: {  	s11 =	smul.u32 $0x4F, s9;
	s13 =	sadd.s32 s8, s6;
	s7 =	simm.s32 @!p0 $0x4E  }
0xe: {  	s6 =	sadd.s32 $0x4, s25;
	s8 =	sshrl.u32 s10, $0x16;
	s14 =	sadd.s32 $0xFFFFFFFF, s7  }
0xf: {  	s13 =	sadd.s32 $0x1E00, s13;
	s6 =	smov.u32 @p0 s11;
	[dreg:$0x4] =	wrdreg s14  }
0x10: {  	s11 =	smax.u32 s12, $0x1;
	s28 =	sshll.u32 s6, $0x4;
	s29 =	sshll.u32 s6, $0xB  }
0x11: {  	s12 =	sadd.s32 s31, s2;
	s9 =	sand.u32 $0x1FFFFFF0, s28;
	s10 =	sand.u32 $0x1FFFF800, s29  }
0x12: {  	v0 =	vimm.f32 $0.0e+00;
	s14 =	simm.s32 $0x1;
	s9 =	sadd.s32 s1, s9;
	s10 =	sadd.s32 s5, s10  }
.LBB2_1:
0x13: {  	s20 =	simm.s32 $0x70;
	s21 =	simm.s32 $0x3C0  }
.LBB2_2:
0x14: {  	p0 =	sne.s32 s21, $0x9FC0;
	[tilespmem:s20+$0x0] =	vst v0  }
0x15: {  	[tilespmem:s20+$0xFFFFFF90] =	vst v0  }
0x16: {  	[tilespmem:s20+$0xFFFFFFA0] =	vst v0  }
.Ltmp0:
0x17: {  	[tilespmem:s20+$0xFFFFFFB0] =	vst v0;
	(pc) =	sbr.rel @p0 .LBB2_2-.Ltmp0, $4  }
0x18: {  	[tilespmem:s20+$0xFFFFFFC0] =	vst v0  }
0x19: {  	[tilespmem:s20+$0xFFFFFFD0] =	vst v0  }
0x1a: {  	[tilespmem:s20+$0xFFFFFFE0] =	vst v0  }
0x1b: {  	[tilespmem:s20+$0xFFFFFFF0] =	vst v0;
	s20 =	sshra.s32 s21, $0x2;
	s21 =	sadd.s32 $0x200, s21  }
0x1c: {  	[tilespmem:s20+$0x0] =	vst v0  }
0x1d: {  	[tilespmem:s20+$0xFFFFFF90] =	vst v0  }
0x1e: {  	[tilespmem:s20+$0xFFFFFFA0] =	vst v0  }
0x1f: {  	[tilespmem:s20+$0xFFFFFFB0] =	vst v0  }
0x20: {  	[tilespmem:s20+$0xFFFFFFC0] =	vst v0  }
0x21: {  	[tilespmem:s20+$0xFFFFFFD0] =	vst v0;
	p0 =	sne.s32 s8, $0x1  }
.Ltmp1:
0x22: {  	[tilespmem:s20+$0xFFFFFFE0] =	vst v0;
	(pc) =	sbr.rel @!p0 .LBB2_5-.Ltmp1, $4  }
0x23: {  	[tilespmem:s20+$0xFFFFFFF0] =	vst v0  }
0x24: {  	[spmem:s12] =	stream.linear.scatter [tilespmem:s4], [sflag:$0x1], $0x2800, $0x38;
	[tilespmem:$0x1E180] =	vst v63  }
0x25: {  	_ =	swait.ge [sflag:s14], $0x2800  }
0x26: {  	s20 =	sadd.s32 $0xFFFFFFFF, s8;
	s21 =	smov.u32 s12;
	[sflag:s14] =	ssyncset.done $0x0  }
.LBB2_4:
0x27: {  	p1 =	sne.s32 s20, $0x1;
	[sflag:s14] =	ssyncadd.s32 $0xFFFFD800;
	s21 =	sadd.s32 $0x28000, s21  }
.Ltmp2:
0x28: {  	s20 =	sadd.s32 $0xFFFFFFFF, s20;
	(pc) =	sbr.rel @p1 .LBB2_4-.Ltmp2, $4  }
0x29: {  	_ = 	snop  }
0x2a: {  	[spmem:s21] =	stream.linear.scatter [tilespmem:s4], [sflag:$0x1], $0x2800, $0x38;
	[tilespmem:$0x1E180] =	vst v63  }
0x2b: {  	_ =	swait.ge [sflag:s14], $0x2800  }
0x2c: {  	[sflag:s14] =	ssyncset.done $0x0  }
.LBB2_5:
0x2d: {  	[sflag:s14] =	ssyncadd.s32 $0xFFFFD800  }
0x2e: {  	[bflag:$0x0] =	sbarrier.arrive $0xFFFF  }
0x2f: {  	s22 =	simm.s32 $0x0;
	_ =	strace $0x80000054  }
0x30: {  	[tilespmem:s15], [sflag:$0x1] =	stream.linear.gather [hbm4b:s9+s22], $0x80, $0x200038;
	[tilespmem:$0x1E180] =	vst v63  }
0x31: {  	s25 =	simm.s32 $0x1;
	s20 =	simm.s32 $0x0;
	s23 =	simm.s32 $0x1  }
0x32: {  	[tilespmem:s16], [sflag:$0x3] =	stream.linear.gather [hbm4b:s10+s22], $0x4000, $0x200038;
	[tilespmem:$0x1E180] =	vst v63  }
0x33: {  	s21 =	simm.s32 $0x0;
	s24 =	simm.s32 $0x0;
	_ =	strace $0x90000054  }
.LBB2_6:
0x34: {  	s26 =	smov.u32 s22;
	s22 =	sadd.s32 $0x1, s22  }
0x35: {  	p1 =	seq.s32 s22, s7  }
0x36: {  	s22 =	simm.s32 @p1 $0x0  }
0x37: {  	s28 =	smov.u32 s25;
	p1 =	seq.s32 s26, s22  }
0x38: {  	s25 =	sadd.s32 @!p1 s6, s22;
	s29 =	sand.u32 @!p1 $0x1, s28  }
0x39: {  	_ =	strace @!p1 $0x80000055;
	s0 =	simm.s32 @!p1 $0x0;
	s31 =	sshll.u32 @!p1 s25, $0x4  }
0x3a: {  	s30 =	sshll.u32 @!p1 s29, $0x7;
	s29 =	sadd.s32 @!p1 $0x1, s29;
	s31 =	sand.u32 @!p1 $0x1FFFFFF0, s31  }
0x3b: {  	s25 =	sshll.u32 @!p1 s25, $0xB;
	s30 =	sadd.s32 @!p1 $0x16080, s30;
	s31 =	sadd.s32 @!p1 s1, s31  }
0x3c: {  	[tilespmem:s30], [sflag:s29] =	stream.linear.gather @!p1 [hbm4b:s31+s0], $0x80, $0x200038;
	[tilespmem:$0x1E180] =	vst v63  }
0x3d: {  	s25 =	sand.u32 @!p1 $0x1FFFF800, s25;
	s29 =	sand.u32 @!p1 $0x1, s23  }
0x3e: {  	s25 =	sadd.s32 @!p1 s5, s25;
	_ =	strace @!p1 $0x90000055;
	s30 =	sshll.u32 @!p1 s29, $0xE  }
0x3f: {  	s29 =	sadd.s32 @!p1 $0x3, s29;
	_ =	strace @!p1 $0x80000056;
	s30 =	sadd.s32 @!p1 $0x16180, s30  }
0x40: {  	[tilespmem:s30], [sflag:s29] =	stream.linear.gather @!p1 [hbm4b:s25+s0], $0x4000, $0x200038;
	[tilespmem:$0x1E180] =	vst v63  }
0x41: {  	s31 =	sand.u32 $0x1, s21;
	_ =	strace @!p1 $0x90000056  }
0x42: {  	s0 =	sadd.s32 $0x1, s31;
	_ =	strace $0x80000057  }
0x43: {  	_ =	swait.ge [sflag:s0], $0x80  }
0x44: {  	[sflag:s0] =	ssyncset.done $0x0  }
0x45: {  	[sflag:s0] =	ssyncadd.s32 $0xFFFFFF80  }
0x46: {  	s25 =	sand.u32 $0x1, s20;
	_ =	strace $0x90000057  }
0x47: {  	s0 =	sadd.s32 $0x3, s25;
	_ =	strace $0x80000058  }
0x48: {  	_ =	swait.ge [sflag:s0], $0x4000  }
0x49: {  	[sflag:s0] =	ssyncset.done $0x0  }
0x4a: {  	s29 =	sshll.u32 s20, $0xE;
	s30 =	sshll.u32 s21, $0x7;
	[sflag:s0] =	ssyncadd.s32 $0xFFFFC000  }
0x4b: {  	s25 =	sand.u32 $0x80, s30;
	s0 =	sand.u32 $0x4000, s29;
	_ =	strace $0x90000058  }
0x4c: {  	s25 =	sadd.s32 $0x16080, s25;
	s0 =	sadd.s32 $0x16180, s0;
	_ =	strace $0x80000059  }
0x4d: {  	[spmem:s2] =	stream.indirect.scatter.add.f32 [tilespmem:s0], [sflag:$0x5], $0x80, s25, s17, $0x2000b8;
	[tilespmem:$0x1E180] =	vst v63  }
0x4e: {  	_ =	swait.ge [sflag:s18], $0x4000  }
0x4f: {  	[sflag:s18] =	ssyncset.done $0x0  }
0x50: {  	[sflag:s18] =	ssyncadd.s32 $0xFFFFC000  }
0x51: {  	s24 =	sadd.s32 $0x1, s24;
	_ =	strace $0x90000059  }
0x52: {  	s29 =	simm.s32 @!p1 $0x1;
	s25 =	sadd.s32 @!p1 $0x1, s28;
	s31 =	rddreg [dreg:$0x4]  }
0x53: {  	s29 =	simm.s32 @p1 $0x0;
	s25 =	smov.u32 @p1 s28;
	p1 =	sne.s32 s31, s24  }
.Ltmp3:
0x54: {  	_ = 	snop;
	(pc) =	sbr.rel @p1 .LBB2_6-.Ltmp3, $4  }
0x55: {  	_ = 	snop  }
0x56: {  	p2 =	sne.s32 s26, s22;
	s26 =	simm.s32 $0x1  }
0x57: {  	s26 =	simm.s32 @!p2 $0x0  }
0x58: {  	s21 =	sadd.s32 s26, s21;
	s20 =	sadd.s32 s26, s20;
	s23 =	sadd.s32 s23, s29  }
0x59: {  	s0 =	sand.u32 $0x1, s21  }
0x5a: {  	_ =	strace $0x80000057;
	s0 =	sadd.s32 $0x1, s0  }
0x5b: {  	_ =	swait.ge [sflag:s0], $0x80  }
0x5c: {  	[sflag:s0] =	ssyncset.done $0x0  }
0x5d: {  	[sflag:s0] =	ssyncadd.s32 $0xFFFFFF80  }
0x5e: {  	s26 =	sand.u32 $0x1, s20;
	_ =	strace $0x90000057  }
0x5f: {  	s0 =	sadd.s32 $0x3, s26;
	_ =	strace $0x80000058  }
0x60: {  	_ =	swait.ge [sflag:s0], $0x4000  }
0x61: {  	[sflag:s0] =	ssyncset.done $0x0  }
0x62: {  	s28 =	sshll.u32 s20, $0xE;
	s29 =	sshll.u32 s21, $0x7;
	[sflag:s0] =	ssyncadd.s32 $0xFFFFC000  }
0x63: {  	s20 =	sand.u32 $0x80, s29;
	s0 =	sand.u32 $0x4000, s28;
	_ =	strace $0x90000058  }
0x64: {  	s20 =	sadd.s32 $0x16080, s20;
	s0 =	sadd.s32 $0x16180, s0;
	_ =	strace $0x80000059  }
0x65: {  	[spmem:s2] =	stream.indirect.scatter.add.f32 [tilespmem:s0], [sflag:$0x5], $0x80, s20, s17, $0x2000b8;
	[tilespmem:$0x1E180] =	vst v63  }
0x66: {  	_ =	swait.ge [sflag:s18], $0x4000  }
0x67: {  	[sflag:s18] =	ssyncset.done $0x0  }
.Ltmp4:
0x68: {  	[sflag:s18] =	ssyncadd.s32 $0xFFFFC000;
	(pc) =	sbr.rel @!p0 .LBB2_9-.Ltmp4, $4  }
0x69: {  	s30 =	sshll.u32 s3, $0x6;
	s31 =	sshrl.u32 s12, $0x3;
	_ =	strace $0x90000059  }
0x6a: {  	s21 =	sadd.s32 $0xFFFFFFFF, s8;
	s20 =	sor.u32 $0x1C01, s30;
	[bflag:$0x0] =	sbarrier.arrive $0xFFFF  }
0x6b: {  	[hbm:s13], [sflag:s20] =	dma.local [spmem:s31], $0x500  }
0x6c: {  	s22 =	sadd.s32 $0x5000, s13;
	s23 =	smov.u32 s12;
	_ =	swait.ge [sflag:s14], $0x500  }
.LBB2_8:
0x6d: {  	[sflag:s14] =	ssyncset.done $0x0;
	s23 =	sadd.s32 $0x28000, s23;
	p0 =	sne.s32 s21, $0x1  }
.Ltmp5:
0x6e: {  	s0 =	sshrl.u32 s23, $0x3;
	[sflag:s14] =	ssyncadd.s32 $0xFFFFFB00;
	(pc) =	sbr.rel @p0 .LBB2_8-.Ltmp5, $3  }
0x6f: {  	[hbm:s22], [sflag:s20] =	dma.local [spmem:s0], $0x500  }
0x70: {  	s21 =	sadd.s32 $0xFFFFFFFF, s21;
	_ =	sdelay $0x1  }
0x71: {  	s22 =	sadd.s32 $0x5000, s22;
	_ =	swait.ge [sflag:s14], $0x500  }
.LBB2_9:
0x72: {  	s19 =	sadd.s32 $0x1, s19  }
0x73: {  	p0 =	sne.s32 s19, s11  }
.Ltmp6:
0x74: {  	_ = 	snop;
	(pc) =	sbr.rel @p0 .LBB2_1-.Ltmp6, $3  }
0x75: {  	_ =	sdelay $0x1  }
0x76: {  	[sflag:s14] =	ssyncset.done $0x0  }
0x77: {  	[sflag:s14] =	ssyncadd.s32 $0xFFFFFB00  }
0x78: {  	_ =	sfence.sel $0x180000  }
0x79: {  	[bflag:$0x0] =	sbarrier.arrive $0xFFFF  }
0x7a: {  	_ =	strace $0x90000053  }
0x7b: {  	[bflag:$0x2] =	sbarrier.arrive $0xFFFF  }
0x7c: {  	p0 =	sne.s32 s3, $0x0;
	s0 =	rddreg [dreg:$0x3]  }
0x7d: {  	s0 =	sadd.s32 @!p0 $0x100000, s0  }
0x7e: {  	[sflag:s0] =	ssyncadd.tile.s32 @!p0 $0x1;
	_ =	shalt  }
.Lfunc_end2:
_tile_overlayer_lowered:
.L_overlay_start_2:
0x7f: {  	(tag) =	ssettag $0x2  }
0x80: {  	s0 =	rddreg [dreg:$0x0];
	s2 =	stileid.u32  }
0x81: {  	s1 =	rddreg [dreg:$0x1];
	p0 =	sne.s32 s2, $0x0  }
0x82: {  	s3 =	rddreg [dreg:$0x2];
	[bflag:$0x3] =	sbarrier.arrive $0xFFFF;
	s2 =	simm.s32 @!p0 $0x1C01  }
0x83: {  	[timem:s3], [sflag:s2] =	dma.local @!p0 [hbm:s0], s1  }
0x84: {  	s0 =	simm.s32 @!p0 $0x1  }
0x85: {  	_ =	swait.ge @!p0 [sflag:s0], s1  }
0x86: {  	s1 =	ssub.s32 @!p0 $0x0, s1;
	[sflag:s0] =	ssyncset.done @!p0 $0x0  }
0x87: {  	[sflag:s0] =	ssyncadd.s32 @!p0 s1  }
0x88: {  	[bflag:$0x3] =	sbarrier.arrive $0xFFFF  }
0x89: {  	_ =	shalt  }

// kernel: kernel.8.cloned.1.call-start
scs
__scs_entry_jumppad:
0x0: {  	(pc) =	sbr.rel $0x88, $3  }
0x1: {  	(tag) =	ssettag $0x0;
	lr =	simm.s32 $0x1  }
0x2: {  	[smem:$0x3F98] =	sst lr;
	_ =	strace $0xD0000000  }
0x3: {  	_ = 	snop  }
0x4: {  	_ = 	snop  }
0x5: {  	_ = 	snop  }
0x6: {  	_ = 	snop  }
0x7: {  	_ = 	snop  }
__scs_overlays_trampoline_lowered:
0x8: {  	[smem:$0x3FA7] =	sst s0  }
0x9: {  	[smem:$0x3FA8] =	sst s1  }
0xa: {  	[smem:$0x3FA9] =	sst s2  }
0xb: {  	[smem:$0x3FAA] =	sst s3  }
0xc: {  	[smem:$0x3FAB] =	sst s4  }
0xd: {  	[smem:$0x3FAC] =	sst s5  }
0xe: {  	[smem:$0x3FAD] =	sst s6  }
0xf: {  	[smem:$0x3FAE] =	sst s7  }
0x10: {  	[smem:$0x3FAF] =	sst s8  }
0x11: {  	[smem:$0x3FB0] =	sst s9;
	s0 =	simm.s32 @!p0 $0x0  }
0x12: {  	s1 =	sld [smem:$0x3F96];
	s0 =	simm.s32 @p0 $0x1  }
0x13: {  	[smem:$0x3FB1] =	sst s0;
	s0 =	simm.s32 @!p1 $0x0  }
0x14: {  	s2 =	sld [smem:$0x3F95];
	s0 =	simm.s32 @p1 $0x1  }
0x15: {  	[smem:$0x3FB2] =	sst s0;
	s0 =	simm.s32 @!p2 $0x0  }
0x16: {  	s3 =	sld [smem:$0x3FDB];
	s0 =	simm.s32 @p2 $0x1  }
0x17: {  	s4 =	simm.s32 $0x1BF5;
	[smem:$0x3FB4] =	sst s0  }
0x18: {  	s0 =	sld [smem:$0x3F97];
	_ =	swait.ge [sflag:s4], $0x0  }
0x19: {  	s7 =	sld [smem:$0x3F98]  }
0x1a: {  	s8 =	sadd.s32 $0xFFFFE003, lr  }
0x1b: {  	s9 =	sadd.s32 $0xFFFFFEF7, lr;
	s5 =	simm.s32 $0xFFFFFFFF;
	p2 =	slt.u32 s8, $0xFFFFF086  }
0x1c: {  	p1 =	slt.u32 s9, $0xF7A;
	s5 =	simm.s32 @!p2 $0x0  }
0x1d: {  	s5 =	simm.s32 @p1 $0x1;
	p0 =	seq.s32 s7, s2  }
0x1e: {  	s7 =	smul.u32 @!p0 $0xF7A, s2;
	p2 =	seq.s32 @!p0 s5, $0x0  }
0x1f: {  	s9 =	smul.u32 $0xF7A, s1;
	s8 =	simm.s32 @!p0 $0x1BF5;
	p2 =	por !p2, p0  }
0x20: {  	[sflag:s8] =	ssyncset.s32 @!p0 $0xFFFFF086;
	s6 =	sadd.s32 @!p0 s3, s7;
	s7 =	simm.s32 @!p0 $0x108  }
0x21: {  	s3 =	sadd.s32 s3, s9;
	s6 =	sadd.s32 @!p0 $0x88, s6;
	s7 =	simm.s32 @p2 $0x1082  }
0x22: {  	[simem:s7], [sflag:s8] =	dma.local @!p0 [hbm:s6], $0xF7A  }
0x23: {  	s9 =	sor.u32 $0xD0000000, s2;
	s6 =	simm.s32 $0x108;
	_ =	swait.ge @!p0 [sflag:s8], $0x0  }
0x24: {  	s3 =	sadd.s32 $0x88, s3;
	s6 =	simm.s32 @!p1 $0x1082;
	[sflag:s4] =	ssyncset.s32 $0xFFFFF086  }
0x25: {  	[simem:s6], [sflag:s4] =	dma.local [hbm:s3], $0xF7A  }
0x26: {  	[smem:$0x3F98] =	sst s1;
	(tag) =	ssettag s2;
	_ =	strace s9  }
0x27: {  	s1 =	sld [smem:$0x3FA8]  }
0x28: {  	s2 =	sld [smem:$0x3FA9]  }
0x29: {  	s4 =	sld [smem:$0x3FAB]  }
0x2a: {  	p0 =	seq.s32 s5, $0x0;
	s5 =	sld [smem:$0x3FAC]  }
0x2b: {  	s6 =	sld [smem:$0x3FAD]  }
0x2c: {  	s7 =	sld [smem:$0x3FAE]  }
0x2d: {  	s3 =	simm.s32 $0x108;
	s8 =	sld [smem:$0x3FAF]  }
0x2e: {  	s3 =	simm.s32 @!p0 $0x1082;
	s9 =	sld [smem:$0x3FB0]  }
0x2f: {  	lr =	sadd.s32 s0, s3;
	s0 =	sld [smem:$0x3FA7]  }
0x30: {  	s3 =	sld [smem:$0x3FAA]  }
0x31: {  	[smem:$0x3FB3] =	sst s10  }
0x32: {  	s10 =	sld [smem:$0x3FB1];
	_ =	sdelay $0x3  }
0x33: {  	p0 =	seq.s32 s10, $0x1;
	s10 =	sld [smem:$0x3FB3];
	_ =	sdelay $0x3  }
0x34: {  	[smem:$0x3FB3] =	sst s10  }
0x35: {  	s10 =	sld [smem:$0x3FB2];
	_ =	sdelay $0x3  }
0x36: {  	p1 =	seq.s32 s10, $0x1;
	s10 =	sld [smem:$0x3FB3];
	_ =	sdelay $0x3  }
0x37: {  	[smem:$0x3FB3] =	sst s10  }
0x38: {  	s10 =	sld [smem:$0x3FB4]  }
0x39: {  	_ = 	snop;
	(pc) =	sbr.ind lr, $3  }
0x3a: {  	_ = 	snop  }
0x3b: {  	_ = 	snop  }
0x3c: {  	p2 =	seq.s32 s10, $0x1;
	s10 =	sld [smem:$0x3FB3]  }
0x3d: {  	_ =	shalt  }
0x3e: {  	_ =	shalt  }
0x3f: {  	_ =	shalt  }
0x40: {  	_ =	shalt  }
0x41: {  	_ =	shalt  }
0x42: {  	_ =	shalt  }
0x43: {  	_ =	shalt  }
0x44: {  	_ =	shalt  }
0x45: {  	_ =	shalt  }
0x46: {  	_ =	shalt  }
0x47: {  	_ =	shalt  }
0x48: {  	_ =	shalt  }
0x49: {  	_ =	shalt  }
0x4a: {  	_ =	shalt  }
0x4b: {  	_ =	shalt  }
0x4c: {  	_ =	shalt  }
0x4d: {  	_ =	shalt  }
0x4e: {  	_ =	shalt  }
0x4f: {  	_ =	shalt  }
0x50: {  	_ =	shalt  }
0x51: {  	_ =	shalt  }
0x52: {  	_ =	shalt  }
0x53: {  	_ =	shalt  }
0x54: {  	_ =	shalt  }
0x55: {  	_ =	shalt  }
0x56: {  	_ =	shalt  }
0x57: {  	_ =	shalt  }
0x58: {  	_ =	shalt  }
0x59: {  	_ =	shalt  }
0x5a: {  	_ =	shalt  }
0x5b: {  	_ =	shalt  }
0x5c: {  	_ =	shalt  }
0x5d: {  	_ =	shalt  }
0x5e: {  	_ =	shalt  }
0x5f: {  	_ =	shalt  }
0x60: {  	_ =	shalt  }
0x61: {  	_ =	shalt  }
0x62: {  	_ =	shalt  }
0x63: {  	_ =	shalt  }
0x64: {  	_ =	shalt  }
0x65: {  	_ =	shalt  }
0x66: {  	_ =	shalt  }
0x67: {  	_ =	shalt  }
0x68: {  	_ =	shalt  }
0x69: {  	_ =	shalt  }
0x6a: {  	_ =	shalt  }
0x6b: {  	_ =	shalt  }
0x6c: {  	_ =	shalt  }
0x6d: {  	_ =	shalt  }
0x6e: {  	_ =	shalt  }
0x6f: {  	_ =	shalt  }
0x70: {  	_ =	shalt  }
0x71: {  	_ =	shalt  }
0x72: {  	_ =	shalt  }
0x73: {  	_ =	shalt  }
0x74: {  	_ =	shalt  }
0x75: {  	_ =	shalt  }
0x76: {  	_ =	shalt  }
0x77: {  	_ =	shalt  }
0x78: {  	_ =	shalt  }
0x79: {  	_ =	shalt  }
0x7a: {  	_ =	shalt  }
0x7b: {  	_ =	shalt  }
0x7c: {  	_ =	shalt  }
0x7d: {  	_ =	shalt  }
0x7e: {  	_ =	shalt  }
0x7f: {  	_ =	shalt  }
0x80: {  	_ =	shalt  }
0x81: {  	_ =	shalt  }
0x82: {  	_ =	shalt  }
0x83: {  	_ =	shalt  }
0x84: {  	_ =	shalt  }
0x85: {  	_ =	shalt  }
0x86: {  	_ =	shalt  }
0x87: {  	_ =	shalt  }
.Lfunc_end0:
.L_simem_size_0:
called_computation_lowered:
.L_overlay_start_0:
0x88: {  	s2 =	sld [smem:$0x3FD9]  }
0x89: {  	s3 =	sld [smem:$0x3FFE];
	_ =	sdelay $0x1  }
0x8a: {  	s1 =	srdreg.scid  }
0x8b: {  	s0 =	sand.u32 $0x1, s1  }
0x8c: {  	s14 =	sshll.u32 s0, $0xA;
	s2 =	sadd.s32 s3, s2  }
0x8d: {  	s2 =	sadd.s32 s2, s14  }
0x8e: {  	[smem:$0x3FBF] =	sst s2  }
0x8f: {  	_ = 	snop  }
0x90: {  	s2 =	sld [smem:$0x3FD0];
	_ =	sdelay $0x2  }
0x91: {  	s15 =	simm.s32 $0xB;
	s4 =	simm.s32 $0x10  }
0x92: {  	[smem:s4], [sflag:s15] =	dma.local [hbm:s2], $0x1  }
0x93: {  	_ =	swait.eq [sflag:s15], $0x1  }
0x94: {  	[sflag:s15] =	ssyncset.done $0x0  }
0x95: {  	s16 =	sld [smem:$0x10];
	[sflag:s15] =	ssyncadd.s32 $0xFFFFFFFF  }
0x96: {  	s17 =	sld [smem:$0x11];
	(tm) =	ssettm $0x1  }
0x97: {  	s18 =	sld [smem:$0x3FFB];
	_ =	sdelay $0x3  }
0x98: {  	_ =	strace s18  }
0x99: {  	s4 =	sld [smem:$0x3FFC];
	_ =	sdelay $0x3  }
0x9a: {  	_ =	strace s4  }
0x9b: {  	s4 =	sld [smem:$0x3FFD];
	_ =	sdelay $0x3  }
0x9c: {  	_ =	strace s4  }
0x9d: {  	_ =	strace $0x8FFFFFFF  }
0x9e: {  	s19 =	sld [smem:$0x3FDB];
	_ =	sdelay $0x1  }
0x9f: {  	s5 =	simm.s32 $_scs_section_size  }
0xa0: {  	s6 =	simm.s32 $_size__tile_overlayer_lowered;
	s7 =	simm.s32 $_tile_overlayer_lowered  }
0xa1: {  	s22 =	simm.s32 $0x1BFF;
	s21 =	sshll.u32 s7, $0x1;
	s4 =	sadd.s32 s5, s19  }
0xa2: {  	s8 =	simm.s32 $0x0;
	s20 =	sshll.u32 s6, $0x1;
	s6 =	sadd.s32 s21, s4  }
0xa3: {  	[timem:s8], [sflag:s22] =	dma.local [hbm:s6], s20  }
0xa4: {  	_ =	swait.ge [sflag:s22], s20  }
0xa5: {  	s5 =	ssub.s32 $0x0, s20;
	[sflag:s22] =	ssyncset.done $0x0  }
0xa6: {  	[sflag:s22] =	ssyncadd.s32 s5;
	_ =	sdelay $0x1  }
0xa7: {  	s23 =	simm.s32 $0x1B8B  }
0xa8: {  	_ =	swait.ge [sflag:s23], $0x1  }
0xa9: {  	[sflag:s23] =	ssyncset.done $0x0  }
0xaa: {  	s25 =	simm.s32 $0x1B8E;
	s24 =	sld [smem:$0x3FFE];
	[sflag:s23] =	ssyncadd.s32 $0xFFFFFFFF  }
0xab: {  	s26 =	simm.s32 $execute0_lowered;
	[smem:$0x3FD2] =	sst s25  }
0xac: {  	s6 =	sshll.u32 s26, $0x1;
	_ =	strace $0x80000046;
	[dreg:$0x1] =	wrdreg $0xFFFFFFFF  }
0xad: {  	s28 =	simm.s32 $_size_execute0_lowered;
	s4 =	sadd.s32 s4, s6;
	[dreg:$0x0] =	wrdreg $0x0  }
0xae: {  	s6 =	sshll.u32 s28, $0x1;
	[dreg:$0x2] =	wrdreg s4  }
0xaf: {  	[dreg:$0x3] =	wrdreg s6  }
0xb0: {  	[dreg:$0x4] =	wrdreg $0xC0  }
0xb1: {  	_ =	task [dreg:s8], $0x5FFFF  }
0xb2: {  	[dreg:$0x1] =	wrdreg $0xFFFFFFFF  }
0xb3: {  	[dreg:$0x0] =	wrdreg $0x60  }
0xb4: {  	[dreg:$0x2] =	wrdreg s17  }
0xb5: {  	[dreg:$0x3] =	wrdreg s16  }
0xb6: {  	[dreg:$0x4] =	wrdreg s24  }
0xb7: {  	[dreg:$0x5] =	wrdreg $0x28000  }
0xb8: {  	[dreg:$0x6] =	wrdreg $0xA  }
0xb9: {  	_ =	task.clear_ibuf [dreg:s8], $0x7FFFF;
	_ =	strace $0x90000046  }
0xba: {  	s29 =	simm.s32 $0xA;
	_ =	strace $0x80000048  }
0xbb: {  	_ =	swait.ge [sflag:s29], $0x1  }
0xbc: {  	[sflag:s29] =	ssyncadd.s32 $0xFFFFFFFF  }
0xbd: {  	_ =	strace $0x90000048  }
0xbe: {  	_ =	sfence  }
0xbf: {  	s30 =	sld [smem:$0x0];
	_ =	sdelay $0x2  }
0xc0: {  	s31 =	sshll.u32 s1, $0xD;
	s1 =	sshrl.u32 s1, $0x2  }
0xc1: {  	s3 =	sand.u32 $0x4000, s31;
	s1 =	sadd.s32 s1, s30  }
0xc2: {  	s0 =	sor.u32 s3, s0;
	s1 =	sshll.u32 s1, $0x11  }
0xc3: {  	s0 =	sor.u32 s1, s0  }
0xc4: {  	s0 =	sadd.s32 $0x8F2B, s0  }
0xc5: {  	[sflag:s0] =	ssyncadd.remote.s32 $0x1  }
0xc6: {  	_ =	sfence.sel $0xFFFF  }
0xc7: {  	[dreg:$0x0] =	wrdreg $0xFFFFFFFF;
	(pc) =	sbr.abs _section_cstart, $3  }
0xc8: {  	[dreg:$0x1] =	wrdreg $0xFFFFFFFF  }
0xc9: {  	_ =	task.clear_ibuf [dreg:s8], $0x2FFFF;
	_ =	strace $0x9FFFFFFF  }
0xca: {  	(tm) =	ssettm $0x7FFFFFFF  }
0xcb: {  	_ =	shalt  }
tec
execute0_lowered:
.L_overlay_start_1:
0x0: {  	(tag) =	ssettag $0x1  }
0x1: {  	s0 =	rddreg [dreg:$0x0]  }
0x2: {  	s1 =	rddreg [dreg:$0x1]  }
0x3: {  	s2 =	rddreg [dreg:$0x2]  }
0x4: {  	s3 =	rddreg [dreg:$0x3]  }
0x5: {  	s5 =	srdreg.scid;
	s14 =	stileid.u32  }
0x6: {  	s4 =	simm.s32 $0x0;
	s28 =	simm.s32 $0x0;
	s6 =	smul.u32 $0x50, s14  }
0x7: {  	s11 =	sand.u32 $0x1, s5;
	[smem:$0x7FF] =	sst s4;
	s16 =	smul.u32 $0x500, s14  }
0x8: {  	s25 =	smul.u32 $0xA000, s14;
	s17 =	sshll.u32 s14, $0x7;
	s5 =	sshll.u32 s11, $0x4  }
0x9: {  	_ =	strace $0x80000047;
	s7 =	ssub.s32 $0x2, s11;
	s30 =	sshll.u32 s11, $0xB  }
0xa: {  	s11 =	sshll.u32 s11, $0x12;
	s12 =	sor.u32 s14, s5;
	s19 =	ssub.s32 $0x2C00, s6  }
0xb: {  	s8 =	sshrl.u32 s7, $0x1;
	s6 =	sadd.s32 $0x1E00, s2;
	s16 =	sadd.s32 s16, s0  }
0xc: {  	s29 =	sshrl.u32 s25, $0x2;
	s25 =	simm.s32 $0x16180;
	s20 =	ssub.s32 $0x9E3, s12  }
0xd: {  	s9 =	smul.u32 $0xCCD, s19;
	s21 =	ssub.s32 s7, s8;
	s22 =	sshll.u32 s12, $0x4  }
0xe: {  	s23 =	sshll.u32 s12, $0xB;
	s19 =	sshll.u32 s14, $0xE;
	s5 =	sshrl.u32 s20, $0x5  }
0xf: {  	s8 =	sadd.s32 s1, s22;
	s2 =	smax.u32 s21, $0x1;
	s31 =	sor.u32 s19, s11  }
0x10: {  	s20 =	simm.s32 $0x5;
	s21 =	simm.s32 $0x16080;
	s22 =	simm.s32 $0x1  }
0x11: {  	s10 =	sand.u32 $0x1, s5;
	s7 =	sshrl.u32 s9, $0x16;
	[dreg:$0x6] =	wrdreg s2  }
0x12: {  	s24 =	sadd.s32 $0x200, s8;
	[dreg:$0x5] =	wrdreg s8;
	s8 =	sadd.s32 $0x400, s8  }
0x13: {  	s2 =	sor.u32 s17, s30;
	s17 =	sadd.s32 s29, s3;
	s19 =	sor.u32 $0x100000, s31  }
0x14: {  	s13 =	sxor.u32 $0x1, s10;
	s9 =	sadd.s32 $0x3, s10;
	[dreg:$0x7] =	wrdreg s24  }
0x15: {  	[dreg:$0x8] =	wrdreg s8;
	s10 =	sadd.s32 $0x3, s13;
	s13 =	sadd.s32 s6, s23  }
0x16: {  	s18 =	sor.u32 $0x3000, s2;
	s24 =	simm.s32 $0x80;
	s26 =	sadd.s32 $0x10000, s13  }
0x17: {  	s23 =	simm.s32 $0x16100;
	[dreg:$0x9] =	wrdreg s26;
	s26 =	simm.s32 $0x1A180  }
.LBB2_1:
0x18: {  	[tilespmem:s4], [sflag:$0x5] =	stream.linear.gather [hbm4b:s16+s4], $0x2800, $0x38;
	[tilespmem:$0x1E180] =	vst v63  }
0x19: {  	p0 =	sne.s32 s7, $0x1;
	_ =	swait.ge [sflag:s20], $0x2800  }
.Ltmp0:
0x1a: {  	[sflag:s20] =	ssyncset.done $0x0;
	(pc) =	sbr.rel @!p0 .LBB2_3-.Ltmp0, $4  }
0x1b: {  	[sflag:s20] =	ssyncadd.s32 $0xFFFFD800  }
0x1c: {  	[spmem:s17] =	stream.linear.scatter [tilespmem:s4], [sflag:$0x5], $0x2800, $0x38;
	[tilespmem:$0x1E180] =	vst v63  }
0x1d: {  	s0 =	sadd.s32 $0xFFFFFFFF, s7;
	_ =	swait.ge [sflag:s20], $0x2800  }
0x1e: {  	s2 =	smov.u32 s16;
	s29 =	smov.u32 s17;
	[sflag:s20] =	ssyncset.done $0x0  }
.LBB2_2:
0x1f: {  	[sflag:s20] =	ssyncadd.s32 $0xFFFFD800;
	s2 =	sadd.s32 $0x5000, s2;
	s29 =	sadd.s32 $0x28000, s29  }
0x20: {  	[tilespmem:s4], [sflag:$0x5] =	stream.linear.gather [hbm4b:s2+s4], $0x2800, $0x38;
	[tilespmem:$0x1E180] =	vst v63  }
0x21: {  	p0 =	sne.s32 s0, $0x1;
	s0 =	sadd.s32 $0xFFFFFFFF, s0;
	_ =	swait.ge [sflag:s20], $0x2800  }
.Ltmp1:
0x22: {  	[sflag:s20] =	ssyncset.done $0x0;
	(pc) =	sbr.rel @p0 .LBB2_2-.Ltmp1, $4  }
0x23: {  	[sflag:s20] =	ssyncadd.s32 $0xFFFFD800  }
0x24: {  	[spmem:s29] =	stream.linear.scatter [tilespmem:s4], [sflag:$0x5], $0x2800, $0x38;
	[tilespmem:$0x1E180] =	vst v63  }
0x25: {  	_ =	swait.ge [sflag:s20], $0x2800  }
0x26: {  	[sflag:s20] =	ssyncset.done $0x0  }
.LBB2_3:
0x27: {  	[sflag:s20] =	ssyncadd.s32 $0xFFFFD800  }
0x28: {  	[bflag:$0x0] =	sbarrier.arrive $0xFFFF  }
0x29: {  	s0 =	rddreg [dreg:$0x5]  }
0x2a: {  	[tilespmem:s21], [sflag:$0x1] =	stream.linear.gather [hbm4b:s0+s4], $0x80, $0x38;
	[tilespmem:$0x1E180] =	vst v63  }
0x2b: {  	_ =	swait.ge [sflag:s22], $0x80  }
0x2c: {  	[sflag:s22] =	ssyncset.done $0x0  }
0x2d: {  	s2 =	rddreg [dreg:$0x7];
	[sflag:s22] =	ssyncadd.s32 $0xFFFFFF80  }
0x2e: {  	[tilespmem:s23], [sflag:$0x2] =	stream.linear.gather [hbm4b:s2+s4], $0x80, $0x38;
	[tilespmem:$0x1E180] =	vst v63  }
0x2f: {  	_ = 	snop  }
0x30: {  	[tilespmem:s25], [sflag:$0x5] =	stream.indirect.gather [spmem:s3], $0x80, s21, s24, $0xb8;
	[tilespmem:$0x1E180] =	vst v63  }
0x31: {  	_ =	swait.ge [sflag:s20], $0x4000  }
0x32: {  	[sflag:s20] =	ssyncset.done $0x0  }
0x33: {  	s8 =	simm.s32 $0x2;
	[sflag:s20] =	ssyncadd.s32 $0xFFFFC000  }
0x34: {  	[hbm4b:s13+s4] =	stream.linear.scatter [tilespmem:s25], [sflag:$0x3], $0x4000, $0x38;
	[tilespmem:$0x1E180] =	vst v63  }
0x35: {  	_ =	swait.ge [sflag:s8], $0x80  }
0x36: {  	[sflag:s8] =	ssyncset.done $0x0  }
0x37: {  	s2 =	rddreg [dreg:$0x8];
	[sflag:s8] =	ssyncadd.s32 $0xFFFFFF80  }
0x38: {  	[tilespmem:s21], [sflag:$0x1] =	stream.linear.gather [hbm4b:s2+s4], $0x80, $0x38;
	[tilespmem:$0x1E180] =	vst v63  }
0x39: {  	p0 =	sle.u32 s5, $0x3  }
0x3a: {  	[tilespmem:s26], [sflag:$0x5] =	stream.indirect.gather [spmem:s3], $0x80, s23, s24, $0xb8;
	[tilespmem:$0x1E180] =	vst v63  }
0x3b: {  	s15 =	sshrl.u32 s19, $0x3;
	s29 =	sshrl.u32 @!p0 s18, $0x3;
	_ =	swait.ge [sflag:s20], $0x4000  }
0x3c: {  	s29 =	sadd.s32 @!p0 s1, s29;
	s0 =	sand.u32 $0x1, s8;
	[sflag:s20] =	ssyncset.done $0x0  }
0x3d: {  	s12 =	sadd.s32 $0x1, s0;
	s11 =	rddreg [dreg:$0x9];
	[sflag:s20] =	ssyncadd.s32 $0xFFFFC000  }
0x3e: {  	[hbm4b:s11+s4] =	stream.linear.scatter [tilespmem:s26], [sflag:$0x4], $0x4000, $0x38;
	[tilespmem:$0x1E180] =	vst v63  }
0x3f: {  	s31 =	sadd.s32 $0x3, s0;
	s11 =	sxor.u32 @!p0 $0x1, s0;
	_ =	swait.ge [sflag:s12], $0x80  }
0x40: {  	s30 =	sshll.u32 @!p0 s11, $0x7;
	s11 =	sadd.s32 @!p0 $0x1, s11;
	[sflag:s12] =	ssyncset.done $0x0  }
0x41: {  	s2 =	sadd.s32 @!p0 $0x16080, s30;
	s30 =	simm.s32 @!p0 $0x0;
	[sflag:s12] =	ssyncadd.s32 $0xFFFFFF80  }
0x42: {  	[tilespmem:s2], [sflag:s11] =	stream.linear.gather @!p0 [hbm4b:s29+s30], $0x80, $0x38;
	[tilespmem:$0x1E180] =	vst v63  }
0x43: {  	s14 =	sshll.u32 s0, $0xE;
	p0 =	sne.s32 s5, $0x3;
	_ =	swait.ge [sflag:s31], $0x4000  }
.Ltmp2:
0x44: {  	s0 =	sshll.u32 s0, $0x7;
	[sflag:s31] =	ssyncset.done $0x0;
	(pc) =	sbr.rel @!p0 .LBB2_5-.Ltmp2, $4  }
0x45: {  	s0 =	sadd.s32 $0x16080, s0;
	s2 =	sadd.s32 $0x16180, s14;
	[sflag:s31] =	ssyncadd.s32 $0xFFFFC000  }
0x46: {  	[tilespmem:s2], [sflag:$0x5] =	stream.indirect.gather [spmem:s3], $0x80, s0, s24, $0xb8;
	[tilespmem:$0x1E180] =	vst v63  }
0x47: {  	s29 =	simm.s32 $0x3;
	s30 =	sadd.s32 $0x80000, s19;
	_ =	swait.ge [sflag:s20], $0x4000  }
0x48: {  	s11 =	sadd.s32 s6, s15;
	s0 =	sadd.s32 $0x1000, s18;
	[sflag:s20] =	ssyncset.done $0x0  }
.LBB2_4:
0x49: {  	s12 =	sand.u32 $0x1, s29;
	s29 =	sadd.s32 $0x1, s29;
	[sflag:s20] =	ssyncadd.s32 $0xFFFFC000  }
0x4a: {  	[hbm4b:s11+s4] =	stream.linear.scatter [tilespmem:s2], [sflag:s31], $0x4000, $0x38;
	[tilespmem:$0x1E180] =	vst v63  }
0x4b: {  	s2 =	sadd.s32 $0x1, s12;
	s11 =	sshll.u32 s12, $0x7;
	p0 =	sge.u32 s29, s5  }
0x4c: {  	s31 =	sxor.u32 @!p0 $0x1, s12;
	s14 =	sshrl.u32 @!p0 s0, $0x3;
	_ =	swait.ge [sflag:s2], $0x80  }
0x4d: {  	s15 =	sshll.u32 @!p0 s31, $0x7;
	s14 =	sadd.s32 @!p0 s1, s14;
	[sflag:s2] =	ssyncset.done $0x0  }
0x4e: {  	[sflag:s2] =	ssyncadd.s32 $0xFFFFFF80;
	s2 =	sadd.s32 @!p0 $0x16080, s15;
	s15 =	sadd.s32 @!p0 $0x1, s31  }
0x4f: {  	s8 =	simm.s32 @!p0 $0x0;
	s31 =	sadd.s32 $0x3, s12;
	s12 =	sshll.u32 s12, $0xE  }
0x50: {  	[tilespmem:s2], [sflag:s15] =	stream.linear.gather @!p0 [hbm4b:s14+s8], $0x80, $0x38;
	[tilespmem:$0x1E180] =	vst v63  }
0x51: {  	s2 =	sadd.s32 $0x16180, s12;
	p0 =	sne.s32 s5, s29;
	_ =	swait.ge [sflag:s31], $0x4000  }
.Ltmp3:
0x52: {  	s8 =	sadd.s32 $0x16080, s11;
	[sflag:s31] =	ssyncset.done $0x0;
	(pc) =	sbr.rel @p0 .LBB2_4-.Ltmp3, $4  }
0x53: {  	[sflag:s31] =	ssyncadd.s32 $0xFFFFC000  }
0x54: {  	[tilespmem:s2], [sflag:$0x5] =	stream.indirect.gather [spmem:s3], $0x80, s8, s24, $0xb8;
	[tilespmem:$0x1E180] =	vst v63  }
0x55: {  	s8 =	sshrl.u32 s30, $0x3;
	s30 =	sadd.s32 $0x80000, s30;
	_ =	swait.ge [sflag:s20], $0x4000  }
0x56: {  	s0 =	sadd.s32 $0x1000, s0;
	s11 =	sadd.s32 s6, s8;
	[sflag:s20] =	ssyncset.done $0x0  }
.LBB2_5:
0x57: {  	[sflag:s20] =	ssyncadd.s32 $0xFFFFC000  }
0x58: {  	[hbm4b:s11+s4] =	stream.linear.scatter [tilespmem:s2], [sflag:s31], $0x4000, $0x38;
	[tilespmem:$0x1E180] =	vst v63  }
0x59: {  	_ =	swait.ge [sflag:s9], $0x4000  }
0x5a: {  	[sflag:s9] =	ssyncset.done $0x0  }
0x5b: {  	[sflag:s9] =	ssyncadd.s32 $0xFFFFC000  }
0x5c: {  	_ =	swait.ge [sflag:s10], $0x4000  }
0x5d: {  	s28 =	sadd.s32 $0x1, s28;
	s0 =	rddreg [dreg:$0x6]  }
0x5e: {  	p0 =	sne.s32 s28, s0  }
.Ltmp4:
0x5f: {  	_ = 	snop;
	(pc) =	sbr.rel @p0 .LBB2_1-.Ltmp4, $3  }
0x60: {  	_ =	sdelay $0x1  }
0x61: {  	[sflag:s10] =	ssyncset.done $0x0  }
0x62: {  	[sflag:s10] =	ssyncadd.s32 $0xFFFFC000  }
0x63: {  	_ =	sfence.sel $0x180000  }
0x64: {  	[bflag:$0x0] =	sbarrier.arrive $0xFFFF  }
0x65: {  	_ =	strace $0x90000047  }
0x66: {  	s0 =	stileid.u32;
	[bflag:$0x2] =	sbarrier.arrive $0xFFFF  }
0x67: {  	p0 =	sne.s32 s0, $0x0;
	s0 =	rddreg [dreg:$0x4]  }
0x68: {  	s0 =	sadd.s32 @!p0 $0x100000, s0  }
0x69: {  	[sflag:s0] =	ssyncadd.tile.s32 @!p0 $0x1;
	_ =	shalt  }
.Lfunc_end2:
_tile_overlayer_lowered:
.L_overlay_start_2:
0x6a: {  	(tag) =	ssettag $0x2  }
0x6b: {  	s0 =	rddreg [dreg:$0x0];
	s2 =	stileid.u32  }
0x6c: {  	s1 =	rddreg [dreg:$0x1];
	p0 =	sne.s32 s2, $0x0  }
0x6d: {  	s3 =	rddreg [dreg:$0x2];
	[bflag:$0x3] =	sbarrier.arrive $0xFFFF;
	s2 =	simm.s32 @!p0 $0x1C05  }
0x6e: {  	[timem:s3], [sflag:s2] =	dma.local @!p0 [hbm:s0], s1  }
0x6f: {  	s0 =	simm.s32 @!p0 $0x5  }
0x70: {  	_ =	swait.ge @!p0 [sflag:s0], s1  }
0x71: {  	s1 =	ssub.s32 @!p0 $0x0, s1;
	[sflag:s0] =	ssyncset.done @!p0 $0x0  }
0x72: {  	[sflag:s0] =	ssyncadd.s32 @!p0 s1  }
0x73: {  	[bflag:$0x3] =	sbarrier.arrive $0xFFFF  }
0x74: {  	_ =	shalt  }

</sc_bundles>
